<compile_context>
chip_gen: v7x
topology: tpu7x:2x2x1
jax: 0.10.2.dev20260603
libtpu: 0.0.44.dev20260713+nightly
codegen_flags: <defaults>
</compile_context>

<pallas_src>
import functools

import jax
import jax.numpy as jnp
from jax import lax
from jax.experimental import pallas as pl
from jax.experimental.pallas import tpu as pltpu
from jax.experimental.pallas import tpu_sc as plsc

N = 10000
E = 320000
D = 128
K = 5
NPAD = 10240
EP = 327680
ER = EP // 128
EPAD = EP - E
HALF = 64
EPT = EP // 16
RPT = EPT // 128
HRPT = ER // 32
GB = 256
NB = EPT // GB
NRT = NPAD // 16

_MESH = plsc.VectorSubcoreMesh(core_axis_name="c", subcore_axis_name="s",
                               num_cores=2, num_subcores=16)



@functools.partial(
    pl.kernel,
    out_type=jax.ShapeDtypeStruct((2 * NPAD,), jnp.float32),
    mesh=_MESH,
    scratch_types=[
        pltpu.VMEM((HRPT, 128), jnp.int32),
        pltpu.VMEM((128,), jnp.float32),
        pltpu.VMEM_SHARED((NPAD,), jnp.float32),
    ],
)
def _sc_hist(dst2d, init_half, out, idx_v, ones_v, hist_sp):
    c = lax.axis_index("c")
    s = lax.axis_index("s")

    @pl.when(s == 0)
    def _():
        pltpu.sync_copy(init_half, hist_sp)

    for i in range(8):
        ones_v[pl.ds(i * 16, 16)] = jnp.ones((16,), jnp.float32)

    pltpu.sync_copy(dst2d.at[pl.ds((c * 16 + s) * HRPT, HRPT)], idx_v)
    plsc.subcore_barrier()

    def body(j, carry):
        pltpu.sync_copy(ones_v, hist_sp.at[idx_v.at[j]], add=True)
        return carry

    lax.fori_loop(0, HRPT, body, 0)
    plsc.subcore_barrier()

    @pl.when(s == 0)
    def _():
        pltpu.sync_copy(hist_sp, out.at[pl.ds(c * NPAD, NPAD)])


@functools.partial(
    pl.kernel,
    out_type=jax.ShapeDtypeStruct((2 * NPAD, HALF), jnp.float32),
    mesh=_MESH,
    scratch_types=[
        pltpu.VMEM((EPT,), jnp.int32),
        pltpu.VMEM((RPT, 128), jnp.int32),
        pltpu.VMEM((GB, HALF), jnp.float32),
        pltpu.VMEM((GB, HALF), jnp.float32),
        pltpu.VMEM_SHARED((NPAD, HALF), jnp.float32),
        pltpu.SemaphoreType.DMA,
        pltpu.SemaphoreType.DMA,
        pltpu.SemaphoreType.DMA,
    ],
    compiler_params=pltpu.CompilerParams(use_tc_tiling_on_sc=False),
)
def _sc_rowscat(y2, src2, dst2d, out, src_v, dst_v, rows_a, rows_b, acc_sp,
                sem_a, sem_b, sem_s):
    c = lax.axis_index("c")
    s = lax.axis_index("s")

    pltpu.sync_copy(y2.at[pl.ds(c * NPAD + s * NRT, NRT)],
                    acc_sp.at[pl.ds(s * NRT, NRT)])
    pltpu.sync_copy(src2.at[pl.ds(c * EP + s * EPT, EPT)], src_v)
    pltpu.sync_copy(dst2d.at[pl.ds(s * RPT, RPT)], dst_v)
    plsc.subcore_barrier()

    def _issue(b, buf, sem):
        pltpu.async_copy(y2.at[src_v.at[pl.ds(b * GB, GB)]], buf, sem)

    def _wait(b, buf, sem):
        pltpu.make_async_copy(y2.at[src_v.at[pl.ds(b * GB, GB)]], buf,
                              sem).wait()

    def _scat(b, buf):
        for j in range(GB // 128):
            pltpu.async_copy(buf.at[pl.ds(j * 128, 128)],
                             acc_sp.at[dst_v.at[b * (GB // 128) + j]],
                             sem_s, add=True)
        for j in range(GB // 128):
            pltpu.make_async_copy(buf.at[pl.ds(j * 128, 128)],
                                  acc_sp.at[dst_v.at[b * (GB // 128) + j]],
                                  sem_s).wait()

    _issue(0, rows_a, sem_a)

    def body(b2, carry):
        b0 = 2 * b2
        _issue(b0 + 1, rows_b, sem_b)
        _wait(b0, rows_a, sem_a)
        _scat(b0, rows_a)

        @pl.when(b0 + 2 < NB)
        def _():
            _issue(b0 + 2, rows_a, sem_a)

        _wait(b0 + 1, rows_b, sem_b)
        _scat(b0 + 1, rows_b)
        return carry

    lax.fori_loop(0, NB // 2, body, 0)
    plsc.subcore_barrier()
    pltpu.sync_copy(acc_sp.at[pl.ds(s * NRT, NRT)],
                    out.at[pl.ds(c * NPAD + s * NRT, NRT)])


@functools.partial(
    pl.kernel,
    out_type=jax.ShapeDtypeStruct((NPAD, D), jnp.float32),
    mesh=_MESH,
    scratch_types=[
        pltpu.VMEM((8, 128), jnp.int32),
        pltpu.VMEM((8, 128), jnp.int32),
        pltpu.VMEM((NRT,), jnp.int32),
        pltpu.VMEM((NRT, D), jnp.float32),
        pltpu.VMEM_SHARED((NPAD,), jnp.int32),
        pltpu.SemaphoreType.DMA,
    ],
)
def _sc_sortperm(rank2d, iota2d, sxu, out, rank_v, vals_v, idx_v, rows_v,
                 order_sp, sem):
    c = lax.axis_index("c")
    s = lax.axis_index("s")

    @pl.when(c == 0)
    def _():
        @pl.when(s < 10)
        def _():
            pltpu.sync_copy(rank2d.at[pl.ds(s * 8, 8)], rank_v)
            pltpu.sync_copy(iota2d.at[pl.ds(s * 8, 8)], vals_v)
            for j in range(8):
                pltpu.sync_copy(vals_v.at[j], order_sp.at[rank_v.at[j]])

        plsc.subcore_barrier()
        base = s * NRT
        pltpu.sync_copy(order_sp.at[pl.ds(base, NRT)], idx_v)
        pltpu.async_copy(sxu.at[idx_v], rows_v, sem).wait()
        pltpu.sync_copy(rows_v, out.at[pl.ds(base, NRT)])


@functools.partial(
    pl.kernel,
    out_type=jax.ShapeDtypeStruct((NPAD, D), jnp.float32),
    mesh=_MESH,
    scratch_types=[
        pltpu.VMEM((NRT,), jnp.int32),
        pltpu.VMEM((NRT, D), jnp.float32),
        pltpu.SemaphoreType.DMA,
    ],
)
def _sc_pgather(table, idx, out, idx_v, rows_v, sem):
    c = lax.axis_index("c")
    s = lax.axis_index("s")

    @pl.when(c == 0)
    def _():
        base = s * NRT
        pltpu.sync_copy(idx.at[pl.ds(base, NRT)], idx_v)
        pltpu.async_copy(table.at[idx_v], rows_v, sem).wait()
        pltpu.sync_copy(rows_v, out.at[pl.ds(base, NRT)])



def _tc_y0_body(x_ref, h_ref, w_ref, y_ref):
    hh = h_ref[...]
    dinv = lax.rsqrt(hh[:, 0] + hh[:, 1])[:, None]
    y = jnp.dot(x_ref[...], w_ref[...],
                preferred_element_type=jnp.float32) * dinv
    y_ref[0] = y[:, :HALF]
    y_ref[1] = y[:, HALF:]


def _tc_mid_body(s_ref, h_ref, b_ref, w_ref, y_ref):
    hh = h_ref[...]
    dinv = lax.rsqrt(hh[:, 0] + hh[:, 1])[:, None]
    sfull = jnp.concatenate([s_ref[0], s_ref[1]], axis=1)
    hrelu = jnp.maximum(dinv * sfull + b_ref[...][None, :], 0.0)
    y = jnp.dot(hrelu, w_ref[...],
                preferred_element_type=jnp.float32) * dinv
    y_ref[0] = y[:, :HALF]
    y_ref[1] = y[:, HALF:]


def _tc_head_body(s_ref, h_ref, b_ref, p_ref, pb_ref,
                  h1_ref, kc_ref, sxu_ref):
    i = pl.program_id(0)
    B = 2048
    hh = h_ref[...]
    dinv = lax.rsqrt(hh[:, 0] + hh[:, 1])[:, None]
    sfull = jnp.concatenate([s_ref[0], s_ref[1]], axis=1)
    h1 = dinv * sfull + b_ref[...][None, :]
    g = jnp.sum(h1 * p_ref[...][None, :], axis=1, keepdims=True) + pb_ref[0, 0]
    rows = i * B + lax.broadcasted_iota(jnp.int32, (B, 1), 0)
    valid = rows < N
    bits = lax.bitcast_convert_type(g, jnp.int32)
    key = bits ^ (lax.shift_right_arithmetic(bits, 31) & jnp.int32(0x7FFFFFFF))
    h1_ref[...] = h1
    kc_ref[...] = jnp.where(valid, key, jnp.int32(0x7FFFFFFF))
    sxu_ref[...] = jnp.where(valid, g * h1, 0.0)


_RBI, _RBJ = 2048, 2048


def _tc_rank_body(kc_ref, kr_ref, o_ref):
    i = pl.program_id(0)
    j = pl.program_id(1)
    BI, BJ = _RBI, _RBJ
    ki = kc_ref[...]
    kj = kr_ref[...]

    @pl.when(j == 0)
    def _():
        o_ref[...] = jnp.zeros((BI, 1), jnp.int32)

    @pl.when(j < i)
    def _():
        o_ref[...] += jnp.sum((kj <= ki).astype(jnp.int32), axis=1,
                              keepdims=True)

    @pl.when(j > i)
    def _():
        o_ref[...] += jnp.sum((kj < ki).astype(jnp.int32), axis=1,
                              keepdims=True)

    @pl.when(j == i)
    def _():
        ii = i * BI + lax.broadcasted_iota(jnp.int32, (BI, 1), 0)
        jj = j * BJ + lax.broadcasted_iota(jnp.int32, (1, BJ), 1)
        cnt = ((kj < ki) | ((kj == ki) & (jj < ii))).astype(jnp.int32)
        o_ref[...] += jnp.sum(cnt, axis=1, keepdims=True)


def _tc_conv_body(prev_ref, cur_ref, next_ref, w1_ref, b1_ref,
                  w2_ref, b2_ref, o_ref):
    i = pl.program_id(0)
    B = 2048
    ext = jnp.concatenate(
        [prev_ref[...][B - 4:], cur_ref[...], next_ref[...][:4]], axis=0)
    r = i * B - 4 + lax.broadcasted_iota(jnp.int32, (B + 8, 1), 0)
    ext = jnp.where((r >= 0) & (r < N), ext, 0.0)
    z = jnp.zeros((B + 4, D), jnp.float32)
    for k in range(K):
        z = z + jnp.dot(ext[k:k + B + 4], w1_ref[k],
                        preferred_element_type=jnp.float32)
    z = jnp.maximum(z + b1_ref[...][None, :], 0.0)
    zr = i * B - 2 + lax.broadcasted_iota(jnp.int32, (B + 4, 1), 0)
    z = jnp.where((zr >= 0) & (zr < N), z, 0.0)
    out = jnp.zeros((B, D), jnp.float32)
    for k in range(K):
        out = out + jnp.dot(z[k:k + B], w2_ref[k],
                            preferred_element_type=jnp.float32)
    o_ref[...] = out + b2_ref[...][None, :]


def _tc_final_body(h1_ref, h2_ref, la_ref, lb_ref, b_ref, o_ref):
    o_ref[...] = (
        jnp.dot(h1_ref[...], la_ref[...], preferred_element_type=jnp.float32)
        + jnp.dot(h2_ref[...], lb_ref[...], preferred_element_type=jnp.float32)
        + b_ref[...][None, :])


def _full(shape):
    zeros = (0,) * len(shape)
    return pl.BlockSpec(shape, lambda *_: zeros)


def _tc_y0(x, hists, w0):
    B = 2048
    return pl.pallas_call(
        _tc_y0_body,
        grid=(NPAD // B,),
        in_specs=[pl.BlockSpec((B, D), lambda i: (i, 0)),
                  pl.BlockSpec((B, 2), lambda i: (i, 0)),
                  _full((D, D))],
        out_specs=pl.BlockSpec((2, B, HALF), lambda i: (0, i, 0)),
        out_shape=jax.ShapeDtypeStruct((2, NPAD, HALF), jnp.float32),
    )(x, hists, w0)


def _tc_mid(s0, hists, b0, w1):
    B = 2048
    return pl.pallas_call(
        _tc_mid_body,
        grid=(NPAD // B,),
        in_specs=[pl.BlockSpec((2, B, HALF), lambda i: (0, i, 0)),
                  pl.BlockSpec((B, 2), lambda i: (i, 0)),
                  _full((D,)), _full((D, D))],
        out_specs=pl.BlockSpec((2, B, HALF), lambda i: (0, i, 0)),
        out_shape=jax.ShapeDtypeStruct((2, NPAD, HALF), jnp.float32),
    )(s0, hists, b0, w1)


def _tc_head(s1, hists, b1, proj_row, pb):
    B = 2048
    return pl.pallas_call(
        _tc_head_body,
        grid=(NPAD // B,),
        in_specs=[pl.BlockSpec((2, B, HALF), lambda i: (0, i, 0)),
                  pl.BlockSpec((B, 2), lambda i: (i, 0)),
                  _full((D,)), _full((D,)), _full((1, 1))],
        out_specs=[pl.BlockSpec((B, D), lambda i: (i, 0)),
                   pl.BlockSpec((B, 1), lambda i: (i, 0)),
                   pl.BlockSpec((B, D), lambda i: (i, 0))],
        out_shape=[jax.ShapeDtypeStruct((N, D), jnp.float32),
                   jax.ShapeDtypeStruct((NPAD, 1), jnp.int32),
                   jax.ShapeDtypeStruct((NPAD, D), jnp.float32)],
    )(s1, hists, b1, proj_row, pb)


def _tc_rank(keys_col, keys_row):
    BI, BJ = _RBI, _RBJ
    return pl.pallas_call(
        _tc_rank_body,
        grid=(NPAD // BI, NPAD // BJ),
        in_specs=[pl.BlockSpec((BI, 1), lambda i, j: (i, 0)),
                  pl.BlockSpec((1, BJ), lambda i, j: (0, j))],
        out_specs=pl.BlockSpec((BI, 1), lambda i, j: (i, 0)),
        out_shape=jax.ShapeDtypeStruct((NPAD, 1), jnp.int32),
    )(keys_col, keys_row)


def _tc_conv(sx, w1k, b1, w2k, b2):
    B = 2048
    nb = NPAD // B
    return pl.pallas_call(
        _tc_conv_body,
        grid=(nb,),
        in_specs=[
            pl.BlockSpec((B, D), lambda i: (jnp.maximum(i - 1, 0), 0)),
            pl.BlockSpec((B, D), lambda i: (i, 0)),
            pl.BlockSpec((B, D), lambda i: (jnp.minimum(i + 1, nb - 1), 0)),
            _full((K, D, D)), _full((D,)), _full((K, D, D)), _full((D,)),
        ],
        out_specs=pl.BlockSpec((B, D), lambda i: (i, 0)),
        out_shape=jax.ShapeDtypeStruct((NPAD, D), jnp.float32),
    )(sx, sx, sx, w1k, b1, w2k, b2)


def _tc_final(h1, h2, la, lb, lbias):
    B = 2000
    return pl.pallas_call(
        _tc_final_body,
        grid=(N // B,),
        in_specs=[pl.BlockSpec((B, D), lambda i: (i, 0)),
                  pl.BlockSpec((B, D), lambda i: (i, 0)),
                  _full((D, D)), _full((D, D)), _full((D,))],
        out_specs=pl.BlockSpec((B, D), lambda i: (i, 0)),
        out_shape=jax.ShapeDtypeStruct((N, D), jnp.float32),
    )(h1, h2, la, lb, lbias)



def kernel(x, edge_index, gcn0_w, gcn0_b, gcn1_w, gcn1_b, proj_w, proj_b,
           conv1_w, conv1_b, conv2_w, conv2_b, lin_w, lin_b):
    import numpy as _np
    pad_k = _np.arange(EPAD, dtype=_np.int32) % 64
    src1d = jnp.concatenate([edge_index[0], jnp.asarray(pad_k)])
    src2 = jnp.concatenate([src1d, src1d + NPAD])
    dst2d = jnp.concatenate(
        [edge_index[1], jnp.asarray(N + pad_k)]).reshape(ER, 128)
    init_half = jnp.full((NPAD,), 0.5, jnp.float32)
    iota2d = jnp.asarray(
        _np.arange(NPAD, dtype=_np.int32).reshape(NPAD // 128, 128))
    w1k = jnp.transpose(conv1_w, (2, 1, 0))
    w2k = jnp.transpose(conv2_w, (2, 1, 0))
    la = lin_w[:, :D].T
    lb = lin_w[:, D:].T

    hflat = _sc_hist(dst2d, init_half)
    hists = hflat.reshape(2, NPAD).T
    y0 = _tc_y0(x, hists, gcn0_w)
    s0 = _sc_rowscat(y0.reshape(2 * NPAD, HALF),
                     src2, dst2d).reshape(2, NPAD, HALF)
    y1 = _tc_mid(s0, hists, gcn0_b, gcn1_w)
    s1 = _sc_rowscat(y1.reshape(2 * NPAD, HALF),
                     src2, dst2d).reshape(2, NPAD, HALF)
    h1, keys_col, sxu = _tc_head(s1, hists, gcn1_b,
                                 proj_w[0], proj_b.reshape(1, 1))
    keys_row = keys_col.reshape(1, NPAD)
    rank_col = _tc_rank(keys_col, keys_row)
    rank1d = rank_col.reshape(NPAD)
    rank2d = rank_col.reshape(NPAD // 128, 128)
    sx = _sc_sortperm(rank2d, iota2d, sxu)
    z2 = _tc_conv(sx, w1k, conv1_b, w2k, conv2_b)
    h2 = _sc_pgather(z2, rank1d)
    return _tc_final(h1, h2, la, lb, lin_b)

# --- scband reference (transcript-rebuilt; emitter-appended) ---
"""Pipeline reference for scband-nlgnn2-15075335209142 (READ-ONLY COPY).

The authoritative reference and input builder live on the scoring server;
editing this copy changes nothing except your own understanding.
"""

import jax, jax.numpy as jnp
import numpy as np

N = 10000
E = 320000
D = 128
K = 5


def _gcn(x, src, dst, W, b):
    xw = x @ W
    deg = jnp.zeros((N,), dtype=x.dtype).at[dst].add(1.0)
    dinv = jnp.where(deg > 0, deg ** -0.5, 0.0)
    norm = dinv[src] * dinv[dst]
    msg = xw[src] * norm[:, None]
    out = jnp.zeros_like(xw).at[dst].add(msg)
    return out + b


def _conv1d(x, w, b, pad):
    out = jax.lax.conv_general_dilated(x, w, window_strides=(1,), padding=[(pad, pad)], dimension_numbers=('NCH', 'OIH', 'NCH'))
    return out + b[None, :, None]


def setup_inputs(seed: int = 0):
    key = jax.random.key(seed)
    ks = jax.random.split(key, 16)
    s = float(1.0 / np.sqrt(D))
    sc = float(1.0 / np.sqrt(D * K))
    sl = float(1.0 / np.sqrt(2 * D))
    return {
        'x': jax.random.normal(ks[0], (N, D), dtype=jnp.float32),
        'edge_index': jax.random.randint(ks[1], (2, E), 0, N, dtype=jnp.int32),
        'gcn0_w': jax.random.uniform(ks[2], (D, D), jnp.float32, -s, s),
        'gcn0_b': jnp.zeros((D,), jnp.float32),
        'gcn1_w': jax.random.uniform(ks[3], (D, D), jnp.float32, -s, s),
        'gcn1_b': jnp.zeros((D,), jnp.float32),
        'proj_w': jax.random.uniform(ks[4], (1, D), jnp.float32, -s, s),
        'proj_b': jnp.zeros((1,), jnp.float32),
        'conv1_w': jax.random.uniform(ks[5], (D, D, K), jnp.float32, -sc, sc),
        'conv1_b': jax.random.uniform(ks[6], (D,), jnp.float32, -sc, sc),
        'conv2_w': jax.random.uniform(ks[7], (D, D, K), jnp.float32, -sc, sc),
        'conv2_b': jax.random.uniform(ks[8], (D,), jnp.float32, -sc, sc),
        'lin_w': jax.random.uniform(ks[9], (D, 2 * D), jnp.float32, -sl, sl),
        'lin_b': jnp.zeros((D,), jnp.float32),
    }


def reference(x, edge_index, gcn0_w, gcn0_b, gcn1_w, gcn1_b, proj_w, proj_b, conv1_w, conv1_b, conv2_w, conv2_b, lin_w, lin_b):
    loops = jnp.arange(N, dtype=edge_index.dtype)
    src = jnp.concatenate([edge_index[0], loops])
    dst = jnp.concatenate([edge_index[1], loops])
    # eval mode: dropout layers are identity
    h = jax.nn.relu(_gcn(x, src, dst, gcn0_w, gcn0_b))
    h1 = _gcn(h, src, dst, gcn1_w, gcn1_b)
    g = h1 @ proj_w.T + proj_b  # [N, 1]
    g1 = g[:, 0]
    order = jnp.argsort(g1)      # sorted_idx
    inv = jnp.argsort(order)     # inverse_idx
    sorted_x = (g1[order])[:, None] * h1[order]      # [N, D]
    sx = jnp.transpose(sorted_x)[None, :, :]         # [1, D, N]
    pad = (K - 1) // 2
    sx = jax.nn.relu(_conv1d(sx, conv1_w, conv1_b, pad))
    sx = _conv1d(sx, conv2_w, conv2_b, pad)
    sx = jnp.transpose(sx[0])                        # [N, D]
    h2 = sx[inv]
    out = jnp.concatenate([h1, h2], axis=1) @ lin_w.T + lin_b
    return out

if __name__ == "__main__":
    import jax
    _d = setup_inputs()
    print(jax.jit(kernel)(*tuple(_d.values())))

</pallas_src>

<mosaic_0001>
#map = affine_map<(d0, d1) -> (0, 0)>
#map1 = affine_map<(d0, d1) -> (0)>
module attributes {stable_mosaic.version = 14 : i64} {
  func.func @_sc_rowscat(%arg0: i32, %arg1: i32, %arg2: memref<20480x64xf32, #tpu.memory_space<hbm>>, %arg3: memref<655360xi32, #tpu.memory_space<hbm>>, %arg4: memref<2560x128xi32, #tpu.memory_space<hbm>>, %arg5: memref<20480x64xf32, #tpu.memory_space<hbm>>, %arg6: memref<20480xi32, #tpu.memory_space<vmem>>, %arg7: memref<160x128xi32, #tpu.memory_space<vmem>>, %arg8: memref<256x64xf32, #tpu.memory_space<vmem>>, %arg9: memref<256x64xf32, #tpu.memory_space<vmem>>, %arg10: memref<10240x64xf32, #tpu.memory_space<vmem_shared>>, %arg11: memref<!tpu.dma_semaphore, #tpu.memory_space<semaphore_mem>>, %arg12: memref<!tpu.dma_semaphore, #tpu.memory_space<semaphore_mem>>, %arg13: memref<!tpu.dma_semaphore, #tpu.memory_space<semaphore_mem>>) attributes {dimension_semantics = [#tpu.dimension_semantics<core_parallel>, #tpu.dimension_semantics<subcore_parallel>], iteration_bounds = array<i64: 2, 16>, scalar_prefetch = 0 : i64, scratch_operands = 8 : i64, tpu.core_type = #tpu.core_type<sc_vector_subcore>, window_params = [{transform_indices = #map}, {transform_indices = #map1}, {transform_indices = #map}, {transform_indices = #map}]} {
    %mul3A = arith.constant 10240 : i32
    %mul3A_0 = arith.muli %arg0, %mul3A : i32
    %mul3A_1 = arith.constant 640 : i32
    %mul3A_2 = arith.muli %arg1, %mul3A_1 : i32
    %add3A = arith.addi %mul3A_0, %mul3A_2 : i32
    %mul3A_3 = arith.constant 640 : i32
    %mul3A_4 = arith.muli %arg1, %mul3A_3 : i32
    "tpu.region"() ({
      %run_scoped3A = tpu.sem_alloc : memref<!tpu.dma_semaphore, #tpu.memory_space<semaphore_mem>>
      %dma_start3A_29 = arith.constant 0 : i32
      %dma_start3A_30 = tpu.memref_slice %arg10[%mul3A_4, %dma_start3A_29] : memref<10240x64xf32, #tpu.memory_space<vmem_shared>> -> memref<640x64xf32, #tpu.memory_space<vmem_shared>>
      %dma_start3A_31 = arith.constant 0 : i32
      %dma_start3A_32 = tpu.memref_slice %arg2[%add3A, %dma_start3A_31] : memref<20480x64xf32, #tpu.memory_space<hbm>> -> memref<640x64xf32, #tpu.memory_space<hbm>>
      tpu.enqueue_dma source(%dma_start3A_32 : memref<640x64xf32, #tpu.memory_space<hbm>>) target(%dma_start3A_30 : memref<640x64xf32, #tpu.memory_space<vmem_shared>>) target_semaphore(%run_scoped3A : memref<!tpu.dma_semaphore, #tpu.memory_space<semaphore_mem>>)
      %dma_wait3A = arith.constant 0 : i32
      %dma_wait3A_33 = tpu.memref_slice %arg10[%mul3A_4, %dma_wait3A] : memref<10240x64xf32, #tpu.memory_space<vmem_shared>> -> memref<640x64xf32, #tpu.memory_space<vmem_shared>>
      %dma_wait3A_34 = arith.constant 0 : i32
      %dma_wait3A_35 = tpu.memref_slice %arg2[%add3A, %dma_wait3A_34] : memref<20480x64xf32, #tpu.memory_space<hbm>> -> memref<640x64xf32, #tpu.memory_space<hbm>>
      tpu.wait_dma2 semaphore(%run_scoped3A : memref<!tpu.dma_semaphore, #tpu.memory_space<semaphore_mem>>) src(%dma_wait3A_35 : memref<640x64xf32, #tpu.memory_space<hbm>>) dst(%dma_wait3A_33 : memref<640x64xf32, #tpu.memory_space<vmem_shared>>)
      tpu.yield
    }) : () -> ()
    %mul3A_5 = arith.constant 327680 : i32
    %mul3A_6 = arith.muli %arg0, %mul3A_5 : i32
    %mul3A_7 = arith.constant 20480 : i32
    %mul3A_8 = arith.muli %arg1, %mul3A_7 : i32
    %add3A_9 = arith.addi %mul3A_6, %mul3A_8 : i32
    "tpu.region"() ({
      %run_scoped3A = tpu.sem_alloc : memref<!tpu.dma_semaphore, #tpu.memory_space<semaphore_mem>>
      %dma_start3A_29 = tpu.memref_slice %arg3[%add3A_9] : memref<655360xi32, #tpu.memory_space<hbm>> -> memref<20480xi32, #tpu.memory_space<hbm>>
      %dma_start3A_30 = tpu.memref_slice %arg3[%add3A_9] : memref<655360xi32, #tpu.memory_space<hbm>> -> memref<20480xi32, #tpu.memory_space<hbm>>
      tpu.enqueue_dma source(%dma_start3A_30 : memref<20480xi32, #tpu.memory_space<hbm>>) target(%arg6 : memref<20480xi32, #tpu.memory_space<vmem>>) target_semaphore(%run_scoped3A : memref<!tpu.dma_semaphore, #tpu.memory_space<semaphore_mem>>)
      %dma_wait3A = tpu.memref_slice %arg3[%add3A_9] : memref<655360xi32, #tpu.memory_space<hbm>> -> memref<20480xi32, #tpu.memory_space<hbm>>
      %dma_wait3A_31 = tpu.memref_slice %arg3[%add3A_9] : memref<655360xi32, #tpu.memory_space<hbm>> -> memref<20480xi32, #tpu.memory_space<hbm>>
      tpu.wait_dma2 semaphore(%run_scoped3A : memref<!tpu.dma_semaphore, #tpu.memory_space<semaphore_mem>>) src(%dma_wait3A_31 : memref<20480xi32, #tpu.memory_space<hbm>>) dst(%arg6 : memref<20480xi32, #tpu.memory_space<vmem>>)
      tpu.yield
    }) : () -> ()
    %mul3A_10 = arith.constant 160 : i32
    %mul3A_11 = arith.muli %arg1, %mul3A_10 : i32
    "tpu.region"() ({
      %run_scoped3A = tpu.sem_alloc : memref<!tpu.dma_semaphore, #tpu.memory_space<semaphore_mem>>
      %dma_start3A_29 = arith.constant 0 : i32
      %dma_start3A_30 = tpu.memref_slice %arg4[%mul3A_11, %dma_start3A_29] : memref<2560x128xi32, #tpu.memory_space<hbm>> -> memref<160x128xi32, #tpu.memory_space<hbm>>
      %dma_start3A_31 = arith.constant 0 : i32
      %dma_start3A_32 = tpu.memref_slice %arg4[%mul3A_11, %dma_start3A_31] : memref<2560x128xi32, #tpu.memory_space<hbm>> -> memref<160x128xi32, #tpu.memory_space<hbm>>
      tpu.enqueue_dma source(%dma_start3A_32 : memref<160x128xi32, #tpu.memory_space<hbm>>) target(%arg7 : memref<160x128xi32, #tpu.memory_space<vmem>>) target_semaphore(%run_scoped3A : memref<!tpu.dma_semaphore, #tpu.memory_space<semaphore_mem>>)
      %dma_wait3A = arith.constant 0 : i32
      %dma_wait3A_33 = tpu.memref_slice %arg4[%mul3A_11, %dma_wait3A] : memref<2560x128xi32, #tpu.memory_space<hbm>> -> memref<160x128xi32, #tpu.memory_space<hbm>>
      %dma_wait3A_34 = arith.constant 0 : i32
      %dma_wait3A_35 = tpu.memref_slice %arg4[%mul3A_11, %dma_wait3A_34] : memref<2560x128xi32, #tpu.memory_space<hbm>> -> memref<160x128xi32, #tpu.memory_space<hbm>>
      tpu.wait_dma2 semaphore(%run_scoped3A : memref<!tpu.dma_semaphore, #tpu.memory_space<semaphore_mem>>) src(%dma_wait3A_35 : memref<160x128xi32, #tpu.memory_space<hbm>>) dst(%arg7 : memref<160x128xi32, #tpu.memory_space<vmem>>)
      tpu.yield
    }) : () -> ()
    %barrier3A = arith.constant 0 : index
    tpu.barrier barrier_id(%barrier3A)
    %dma_start3A = arith.constant 0 : i32
    %dma_start3A_12 = tpu.memref_slice %arg6[%dma_start3A] : memref<20480xi32, #tpu.memory_space<vmem>> -> memref<256xi32, #tpu.memory_space<vmem>>
    %dma_start3A_13 = arith.constant 0 : i32
    %dma_start3A_14 = arith.constant 0 : i32
    %dma_start3A_15 = tpu.memref_slice %arg2[%dma_start3A_13, %dma_start3A_14] : memref<20480x64xf32, #tpu.memory_space<hbm>> -> memref<20480x64xf32, #tpu.memory_space<hbm>>
    tpu.enqueue_indirect_dma source(%dma_start3A_15 : memref<20480x64xf32, #tpu.memory_space<hbm>>) target(%arg8 : memref<256x64xf32, #tpu.memory_space<vmem>>) offsets(%dma_start3A_12 : memref<256xi32, #tpu.memory_space<vmem>>) semaphore(%arg11 : memref<!tpu.dma_semaphore, #tpu.memory_space<semaphore_mem>>)
    %scan3A = arith.constant 0 : i32
    %scan3A_16 = arith.constant 0 : i32
    %scan3A_17 = arith.constant 40 : i32
    %scan3A_18 = arith.addi %scan3A_16, %scan3A_17 : i32
    %scan3A_19 = arith.constant 1 : i32
    scf.for %scan3A_29 = %scan3A_16 to %scan3A_18 step %scan3A_19  : i32 {
      %mul3A_30 = arith.constant 2 : i32
      %mul3A_31 = arith.muli %mul3A_30, %scan3A_29 : i32
      %add3A_32 = arith.constant 1 : i32
      %add3A_33 = arith.addi %mul3A_31, %add3A_32 : i32
      %mul3A_34 = arith.constant 256 : i32
      %mul3A_35 = arith.muli %add3A_33, %mul3A_34 : i32
      %dma_start3A_36 = tpu.memref_slice %arg6[%mul3A_35] : memref<20480xi32, #tpu.memory_space<vmem>> -> memref<256xi32, #tpu.memory_space<vmem>>
      %dma_start3A_37 = arith.constant 0 : i32
      %dma_start3A_38 = arith.constant 0 : i32
      %dma_start3A_39 = tpu.memref_slice %arg2[%dma_start3A_37, %dma_start3A_38] : memref<20480x64xf32, #tpu.memory_space<hbm>> -> memref<20480x64xf32, #tpu.memory_space<hbm>>
      tpu.enqueue_indirect_dma source(%dma_start3A_39 : memref<20480x64xf32, #tpu.memory_space<hbm>>) target(%arg9 : memref<256x64xf32, #tpu.memory_space<vmem>>) offsets(%dma_start3A_36 : memref<256xi32, #tpu.memory_space<vmem>>) semaphore(%arg12 : memref<!tpu.dma_semaphore, #tpu.memory_space<semaphore_mem>>)
      %mul3A_40 = arith.constant 256 : i32
      %mul3A_41 = arith.muli %mul3A_31, %mul3A_40 : i32
      %dma_wait3A = tpu.memref_slice %arg6[%mul3A_41] : memref<20480xi32, #tpu.memory_space<vmem>> -> memref<256xi32, #tpu.memory_space<vmem>>
      %dma_wait3A_42 = arith.constant 0 : i32
      %dma_wait3A_43 = arith.constant 0 : i32
      %dma_wait3A_44 = tpu.memref_slice %arg2[%dma_wait3A_42, %dma_wait3A_43] : memref<20480x64xf32, #tpu.memory_space<hbm>> -> memref<20480x64xf32, #tpu.memory_space<hbm>>
      tpu.wait_indirect_dma semaphore(%arg11 : memref<!tpu.dma_semaphore, #tpu.memory_space<semaphore_mem>>) src(%dma_wait3A_44 : memref<20480x64xf32, #tpu.memory_space<hbm>>) dst(%arg8 : memref<256x64xf32, #tpu.memory_space<vmem>>)
      %mul3A_45 = arith.constant 2 : i32
      %mul3A_46 = arith.muli %mul3A_31, %mul3A_45 : i32
      %add3A_47 = arith.constant 0 : i32
      %add3A_48 = arith.addi %mul3A_46, %add3A_47 : i32
      %dma_start3A_49 = arith.constant 0 : i32
      %dma_start3A_50 = arith.constant 0 : i32
      %dma_start3A_51 = tpu.memref_slice %arg8[%dma_start3A_49, %dma_start3A_50] : memref<256x64xf32, #tpu.memory_space<vmem>> -> memref<128x64xf32, #tpu.memory_space<vmem>>
      %dma_start3A_52 = arith.constant 0 : i32
      %dma_start3A_53 = tpu.memref_slice %arg7[%add3A_48, %dma_start3A_52] : memref<160x128xi32, #tpu.memory_space<vmem>> -> memref<1x128xi32, #tpu.memory_space<vmem>>
      %dma_start3A_54 = tpu.memref_squeeze %dma_start3A_53 : memref<1x128xi32, #tpu.memory_space<vmem>> -> memref<128xi32, #tpu.memory_space<vmem>>
      %dma_start3A_55 = arith.constant 0 : i32
      %dma_start3A_56 = arith.constant 0 : i32
      %dma_start3A_57 = tpu.memref_slice %arg10[%dma_start3A_55, %dma_start3A_56] : memref<10240x64xf32, #tpu.memory_space<vmem_shared>> -> memref<10240x64xf32, #tpu.memory_space<vmem_shared>>
      tpu.enqueue_indirect_dma source(%dma_start3A_51 : memref<128x64xf32, #tpu.memory_space<vmem>>) target(%dma_start3A_57 : memref<10240x64xf32, #tpu.memory_space<vmem_shared>>) offsets(%dma_start3A_54 : memref<128xi32, #tpu.memory_space<vmem>>) semaphore(%arg13 : memref<!tpu.dma_semaphore, #tpu.memory_space<semaphore_mem>>) {add = true}
      %mul3A_58 = arith.constant 2 : i32
      %mul3A_59 = arith.muli %mul3A_31, %mul3A_58 : i32
      %add3A_60 = arith.constant 1 : i32
      %add3A_61 = arith.addi %mul3A_59, %add3A_60 : i32
      %dma_start3A_62 = arith.constant 128 : i32
      %dma_start3A_63 = arith.constant 0 : i32
      %dma_start3A_64 = tpu.memref_slice %arg8[%dma_start3A_62, %dma_start3A_63] : memref<256x64xf32, #tpu.memory_space<vmem>> -> memref<128x64xf32, #tpu.memory_space<vmem>>
      %dma_start3A_65 = arith.constant 0 : i32
      %dma_start3A_66 = tpu.memref_slice %arg7[%add3A_61, %dma_start3A_65] : memref<160x128xi32, #tpu.memory_space<vmem>> -> memref<1x128xi32, #tpu.memory_space<vmem>>
      %dma_start3A_67 = tpu.memref_squeeze %dma_start3A_66 : memref<1x128xi32, #tpu.memory_space<vmem>> -> memref<128xi32, #tpu.memory_space<vmem>>
      %dma_start3A_68 = arith.constant 0 : i32
      %dma_start3A_69 = arith.constant 0 : i32
      %dma_start3A_70 = tpu.memref_slice %arg10[%dma_start3A_68, %dma_start3A_69] : memref<10240x64xf32, #tpu.memory_space<vmem_shared>> -> memref<10240x64xf32, #tpu.memory_space<vmem_shared>>
      tpu.enqueue_indirect_dma source(%dma_start3A_64 : memref<128x64xf32, #tpu.memory_space<vmem>>) target(%dma_start3A_70 : memref<10240x64xf32, #tpu.memory_space<vmem_shared>>) offsets(%dma_start3A_67 : memref<128xi32, #tpu.memory_space<vmem>>) semaphore(%arg13 : memref<!tpu.dma_semaphore, #tpu.memory_space<semaphore_mem>>) {add = true}
      %mul3A_71 = arith.constant 2 : i32
      %mul3A_72 = arith.muli %mul3A_31, %mul3A_71 : i32
      %add3A_73 = arith.constant 0 : i32
      %add3A_74 = arith.addi %mul3A_72, %add3A_73 : i32
      %dma_wait3A_75 = arith.constant 0 : i32
      %dma_wait3A_76 = arith.constant 0 : i32
      %dma_wait3A_77 = tpu.memref_slice %arg8[%dma_wait3A_75, %dma_wait3A_76] : memref<256x64xf32, #tpu.memory_space<vmem>> -> memref<128x64xf32, #tpu.memory_space<vmem>>
      %dma_wait3A_78 = arith.constant 0 : i32
      %dma_wait3A_79 = tpu.memref_slice %arg7[%add3A_74, %dma_wait3A_78] : memref<160x128xi32, #tpu.memory_space<vmem>> -> memref<1x128xi32, #tpu.memory_space<vmem>>
      %dma_wait3A_80 = tpu.memref_squeeze %dma_wait3A_79 : memref<1x128xi32, #tpu.memory_space<vmem>> -> memref<128xi32, #tpu.memory_space<vmem>>
      %dma_wait3A_81 = arith.constant 0 : i32
      %dma_wait3A_82 = arith.constant 0 : i32
      %dma_wait3A_83 = tpu.memref_slice %arg10[%dma_wait3A_81, %dma_wait3A_82] : memref<10240x64xf32, #tpu.memory_space<vmem_shared>> -> memref<10240x64xf32, #tpu.memory_space<vmem_shared>>
      tpu.wait_indirect_dma semaphore(%arg13 : memref<!tpu.dma_semaphore, #tpu.memory_space<semaphore_mem>>) src(%dma_wait3A_77 : memref<128x64xf32, #tpu.memory_space<vmem>>) dst(%dma_wait3A_83 : memref<10240x64xf32, #tpu.memory_space<vmem_shared>>)
      %mul3A_84 = arith.constant 2 : i32
      %mul3A_85 = arith.muli %mul3A_31, %mul3A_84 : i32
      %add3A_86 = arith.constant 1 : i32
      %add3A_87 = arith.addi %mul3A_85, %add3A_86 : i32
      %dma_wait3A_88 = arith.constant 128 : i32
      %dma_wait3A_89 = arith.constant 0 : i32
      %dma_wait3A_90 = tpu.memref_slice %arg8[%dma_wait3A_88, %dma_wait3A_89] : memref<256x64xf32, #tpu.memory_space<vmem>> -> memref<128x64xf32, #tpu.memory_space<vmem>>
      %dma_wait3A_91 = arith.constant 0 : i32
      %dma_wait3A_92 = tpu.memref_slice %arg7[%add3A_87, %dma_wait3A_91] : memref<160x128xi32, #tpu.memory_space<vmem>> -> memref<1x128xi32, #tpu.memory_space<vmem>>
      %dma_wait3A_93 = tpu.memref_squeeze %dma_wait3A_92 : memref<1x128xi32, #tpu.memory_space<vmem>> -> memref<128xi32, #tpu.memory_space<vmem>>
      %dma_wait3A_94 = arith.constant 0 : i32
      %dma_wait3A_95 = arith.constant 0 : i32
      %dma_wait3A_96 = tpu.memref_slice %arg10[%dma_wait3A_94, %dma_wait3A_95] : memref<10240x64xf32, #tpu.memory_space<vmem_shared>> -> memref<10240x64xf32, #tpu.memory_space<vmem_shared>>
      tpu.wait_indirect_dma semaphore(%arg13 : memref<!tpu.dma_semaphore, #tpu.memory_space<semaphore_mem>>) src(%dma_wait3A_90 : memref<128x64xf32, #tpu.memory_space<vmem>>) dst(%dma_wait3A_96 : memref<10240x64xf32, #tpu.memory_space<vmem_shared>>)
      %add3A_97 = arith.constant 2 : i32
      %add3A_98 = arith.addi %mul3A_31, %add3A_97 : i32
      %lt3A = arith.constant 80 : i32
      %lt3A_99 = arith.cmpi slt, %add3A_98, %lt3A : i32
      %convert_element_type3A = arith.extui %lt3A_99 : i1 to i32
      %cond3A = arith.constant 0 : i32
      %cond3A_100 = arith.cmpi ne, %convert_element_type3A, %cond3A : i32
      scf.if %cond3A_100 {
        %add3A_163 = arith.constant 2 : i32
        %add3A_164 = arith.addi %mul3A_31, %add3A_163 : i32
        %mul3A_165 = arith.constant 256 : i32
        %mul3A_166 = arith.muli %add3A_164, %mul3A_165 : i32
        %dma_start3A_167 = tpu.memref_slice %arg6[%mul3A_166] : memref<20480xi32, #tpu.memory_space<vmem>> -> memref<256xi32, #tpu.memory_space<vmem>>
        %dma_start3A_168 = arith.constant 0 : i32
        %dma_start3A_169 = arith.constant 0 : i32
        %dma_start3A_170 = tpu.memref_slice %arg2[%dma_start3A_168, %dma_start3A_169] : memref<20480x64xf32, #tpu.memory_space<hbm>> -> memref<20480x64xf32, #tpu.memory_space<hbm>>
        tpu.enqueue_indirect_dma source(%dma_start3A_170 : memref<20480x64xf32, #tpu.memory_space<hbm>>) target(%arg8 : memref<256x64xf32, #tpu.memory_space<vmem>>) offsets(%dma_start3A_167 : memref<256xi32, #tpu.memory_space<vmem>>) semaphore(%arg11 : memref<!tpu.dma_semaphore, #tpu.memory_space<semaphore_mem>>)
      } else {
      }
      %add3A_101 = arith.constant 1 : i32
      %add3A_102 = arith.addi %mul3A_31, %add3A_101 : i32
      %mul3A_103 = arith.constant 256 : i32
      %mul3A_104 = arith.muli %add3A_102, %mul3A_103 : i32
      %dma_wait3A_105 = tpu.memref_slice %arg6[%mul3A_104] : memref<20480xi32, #tpu.memory_space<vmem>> -> memref<256xi32, #tpu.memory_space<vmem>>
      %dma_wait3A_106 = arith.constant 0 : i32
      %dma_wait3A_107 = arith.constant 0 : i32
      %dma_wait3A_108 = tpu.memref_slice %arg2[%dma_wait3A_106, %dma_wait3A_107] : memref<20480x64xf32, #tpu.memory_space<hbm>> -> memref<20480x64xf32, #tpu.memory_space<hbm>>
      tpu.wait_indirect_dma semaphore(%arg12 : memref<!tpu.dma_semaphore, #tpu.memory_space<semaphore_mem>>) src(%dma_wait3A_108 : memref<20480x64xf32, #tpu.memory_space<hbm>>) dst(%arg9 : memref<256x64xf32, #tpu.memory_space<vmem>>)
      %add3A_109 = arith.constant 1 : i32
      %add3A_110 = arith.addi %mul3A_31, %add3A_109 : i32
      %mul3A_111 = arith.constant 2 : i32
      %mul3A_112 = arith.muli %add3A_110, %mul3A_111 : i32
      %add3A_113 = arith.constant 0 : i32
      %add3A_114 = arith.addi %mul3A_112, %add3A_113 : i32
      %dma_start3A_115 = arith.constant 0 : i32
      %dma_start3A_116 = arith.constant 0 : i32
      %dma_start3A_117 = tpu.memref_slice %arg9[%dma_start3A_115, %dma_start3A_116] : memref<256x64xf32, #tpu.memory_space<vmem>> -> memref<128x64xf32, #tpu.memory_space<vmem>>
      %dma_start3A_118 = arith.constant 0 : i32
      %dma_start3A_119 = tpu.memref_slice %arg7[%add3A_114, %dma_start3A_118] : memref<160x128xi32, #tpu.memory_space<vmem>> -> memref<1x128xi32, #tpu.memory_space<vmem>>
      %dma_start3A_120 = tpu.memref_squeeze %dma_start3A_119 : memref<1x128xi32, #tpu.memory_space<vmem>> -> memref<128xi32, #tpu.memory_space<vmem>>
      %dma_start3A_121 = arith.constant 0 : i32
      %dma_start3A_122 = arith.constant 0 : i32
      %dma_start3A_123 = tpu.memref_slice %arg10[%dma_start3A_121, %dma_start3A_122] : memref<10240x64xf32, #tpu.memory_space<vmem_shared>> -> memref<10240x64xf32, #tpu.memory_space<vmem_shared>>
      tpu.enqueue_indirect_dma source(%dma_start3A_117 : memref<128x64xf32, #tpu.memory_space<vmem>>) target(%dma_start3A_123 : memref<10240x64xf32, #tpu.memory_space<vmem_shared>>) offsets(%dma_start3A_120 : memref<128xi32, #tpu.memory_space<vmem>>) semaphore(%arg13 : memref<!tpu.dma_semaphore, #tpu.memory_space<semaphore_mem>>) {add = true}
      %mul3A_124 = arith.constant 2 : i32
      %mul3A_125 = arith.muli %add3A_110, %mul3A_124 : i32
      %add3A_126 = arith.constant 1 : i32
      %add3A_127 = arith.addi %mul3A_125, %add3A_126 : i32
      %dma_start3A_128 = arith.constant 128 : i32
      %dma_start3A_129 = arith.constant 0 : i32
      %dma_start3A_130 = tpu.memref_slice %arg9[%dma_start3A_128, %dma_start3A_129] : memref<256x64xf32, #tpu.memory_space<vmem>> -> memref<128x64xf32, #tpu.memory_space<vmem>>
      %dma_start3A_131 = arith.constant 0 : i32
      %dma_start3A_132 = tpu.memref_slice %arg7[%add3A_127, %dma_start3A_131] : memref<160x128xi32, #tpu.memory_space<vmem>> -> memref<1x128xi32, #tpu.memory_space<vmem>>
      %dma_start3A_133 = tpu.memref_squeeze %dma_start3A_132 : memref<1x128xi32, #tpu.memory_space<vmem>> -> memref<128xi32, #tpu.memory_space<vmem>>
      %dma_start3A_134 = arith.constant 0 : i32
      %dma_start3A_135 = arith.constant 0 : i32
      %dma_start3A_136 = tpu.memref_slice %arg10[%dma_start3A_134, %dma_start3A_135] : memref<10240x64xf32, #tpu.memory_space<vmem_shared>> -> memref<10240x64xf32, #tpu.memory_space<vmem_shared>>
      tpu.enqueue_indirect_dma source(%dma_start3A_130 : memref<128x64xf32, #tpu.memory_space<vmem>>) target(%dma_start3A_136 : memref<10240x64xf32, #tpu.memory_space<vmem_shared>>) offsets(%dma_start3A_133 : memref<128xi32, #tpu.memory_space<vmem>>) semaphore(%arg13 : memref<!tpu.dma_semaphore, #tpu.memory_space<semaphore_mem>>) {add = true}
      %mul3A_137 = arith.constant 2 : i32
      %mul3A_138 = arith.muli %add3A_110, %mul3A_137 : i32
      %add3A_139 = arith.constant 0 : i32
      %add3A_140 = arith.addi %mul3A_138, %add3A_139 : i32
      %dma_wait3A_141 = arith.constant 0 : i32
      %dma_wait3A_142 = arith.constant 0 : i32
      %dma_wait3A_143 = tpu.memref_slice %arg9[%dma_wait3A_141, %dma_wait3A_142] : memref<256x64xf32, #tpu.memory_space<vmem>> -> memref<128x64xf32, #tpu.memory_space<vmem>>
      %dma_wait3A_144 = arith.constant 0 : i32
      %dma_wait3A_145 = tpu.memref_slice %arg7[%add3A_140, %dma_wait3A_144] : memref<160x128xi32, #tpu.memory_space<vmem>> -> memref<1x128xi32, #tpu.memory_space<vmem>>
      %dma_wait3A_146 = tpu.memref_squeeze %dma_wait3A_145 : memref<1x128xi32, #tpu.memory_space<vmem>> -> memref<128xi32, #tpu.memory_space<vmem>>
      %dma_wait3A_147 = arith.constant 0 : i32
      %dma_wait3A_148 = arith.constant 0 : i32
      %dma_wait3A_149 = tpu.memref_slice %arg10[%dma_wait3A_147, %dma_wait3A_148] : memref<10240x64xf32, #tpu.memory_space<vmem_shared>> -> memref<10240x64xf32, #tpu.memory_space<vmem_shared>>
      tpu.wait_indirect_dma semaphore(%arg13 : memref<!tpu.dma_semaphore, #tpu.memory_space<semaphore_mem>>) src(%dma_wait3A_143 : memref<128x64xf32, #tpu.memory_space<vmem>>) dst(%dma_wait3A_149 : memref<10240x64xf32, #tpu.memory_space<vmem_shared>>)
      %mul3A_150 = arith.constant 2 : i32
      %mul3A_151 = arith.muli %add3A_110, %mul3A_150 : i32
      %add3A_152 = arith.constant 1 : i32
      %add3A_153 = arith.addi %mul3A_151, %add3A_152 : i32
      %dma_wait3A_154 = arith.constant 128 : i32
      %dma_wait3A_155 = arith.constant 0 : i32
      %dma_wait3A_156 = tpu.memref_slice %arg9[%dma_wait3A_154, %dma_wait3A_155] : memref<256x64xf32, #tpu.memory_space<vmem>> -> memref<128x64xf32, #tpu.memory_space<vmem>>
      %dma_wait3A_157 = arith.constant 0 : i32
      %dma_wait3A_158 = tpu.memref_slice %arg7[%add3A_153, %dma_wait3A_157] : memref<160x128xi32, #tpu.memory_space<vmem>> -> memref<1x128xi32, #tpu.memory_space<vmem>>
      %dma_wait3A_159 = tpu.memref_squeeze %dma_wait3A_158 : memref<1x128xi32, #tpu.memory_space<vmem>> -> memref<128xi32, #tpu.memory_space<vmem>>
      %dma_wait3A_160 = arith.constant 0 : i32
      %dma_wait3A_161 = arith.constant 0 : i32
      %dma_wait3A_162 = tpu.memref_slice %arg10[%dma_wait3A_160, %dma_wait3A_161] : memref<10240x64xf32, #tpu.memory_space<vmem_shared>> -> memref<10240x64xf32, #tpu.memory_space<vmem_shared>>
      tpu.wait_indirect_dma semaphore(%arg13 : memref<!tpu.dma_semaphore, #tpu.memory_space<semaphore_mem>>) src(%dma_wait3A_156 : memref<128x64xf32, #tpu.memory_space<vmem>>) dst(%dma_wait3A_162 : memref<10240x64xf32, #tpu.memory_space<vmem_shared>>)
    }
    %scan3A_20 = arith.constant 40 : i32
    %barrier3A_21 = arith.constant 0 : index
    tpu.barrier barrier_id(%barrier3A_21)
    %mul3A_22 = arith.constant 640 : i32
    %mul3A_23 = arith.muli %arg1, %mul3A_22 : i32
    %mul3A_24 = arith.constant 10240 : i32
    %mul3A_25 = arith.muli %arg0, %mul3A_24 : i32
    %mul3A_26 = arith.constant 640 : i32
    %mul3A_27 = arith.muli %arg1, %mul3A_26 : i32
    %add3A_28 = arith.addi %mul3A_25, %mul3A_27 : i32
    "tpu.region"() ({
      %run_scoped3A = tpu.sem_alloc : memref<!tpu.dma_semaphore, #tpu.memory_space<semaphore_mem>>
      %dma_start3A_29 = arith.constant 0 : i32
      %dma_start3A_30 = tpu.memref_slice %arg5[%add3A_28, %dma_start3A_29] : memref<20480x64xf32, #tpu.memory_space<hbm>> -> memref<640x64xf32, #tpu.memory_space<hbm>>
      %dma_start3A_31 = arith.constant 0 : i32
      %dma_start3A_32 = tpu.memref_slice %arg10[%mul3A_23, %dma_start3A_31] : memref<10240x64xf32, #tpu.memory_space<vmem_shared>> -> memref<640x64xf32, #tpu.memory_space<vmem_shared>>
      tpu.enqueue_dma source(%dma_start3A_32 : memref<640x64xf32, #tpu.memory_space<vmem_shared>>) target(%dma_start3A_30 : memref<640x64xf32, #tpu.memory_space<hbm>>) target_semaphore(%run_scoped3A : memref<!tpu.dma_semaphore, #tpu.memory_space<semaphore_mem>>)
      %dma_wait3A = arith.constant 0 : i32
      %dma_wait3A_33 = tpu.memref_slice %arg5[%add3A_28, %dma_wait3A] : memref<20480x64xf32, #tpu.memory_space<hbm>> -> memref<640x64xf32, #tpu.memory_space<hbm>>
      %dma_wait3A_34 = arith.constant 0 : i32
      %dma_wait3A_35 = tpu.memref_slice %arg10[%mul3A_23, %dma_wait3A_34] : memref<10240x64xf32, #tpu.memory_space<vmem_shared>> -> memref<640x64xf32, #tpu.memory_space<vmem_shared>>
      tpu.wait_dma2 semaphore(%run_scoped3A : memref<!tpu.dma_semaphore, #tpu.memory_space<semaphore_mem>>) src(%dma_wait3A_35 : memref<640x64xf32, #tpu.memory_space<vmem_shared>>) dst(%dma_wait3A_33 : memref<640x64xf32, #tpu.memory_space<hbm>>)
      tpu.yield
    }) : () -> ()
    return
  }
}

#map = affine_map<(d0, d1) -> (0, 0)>
#map1 = affine_map<(d0, d1) -> (0)>
module attributes {stable_mosaic.version = 14 : i64} {
  func.func @_sc_hist(%arg0: i32, %arg1: i32, %arg2: memref<2560x128xi32, #tpu.memory_space<hbm>>, %arg3: memref<10240xf32, #tpu.memory_space<hbm>>, %arg4: memref<20480xf32, #tpu.memory_space<hbm>>, %arg5: memref<80x128xi32, #tpu.memory_space<vmem>>, %arg6: memref<128xf32, #tpu.memory_space<vmem>>, %arg7: memref<10240xf32, #tpu.memory_space<vmem_shared>>) attributes {dimension_semantics = [#tpu.dimension_semantics<core_parallel>, #tpu.dimension_semantics<subcore_parallel>], iteration_bounds = array<i64: 2, 16>, scalar_prefetch = 0 : i64, scratch_operands = 3 : i64, tpu.core_type = #tpu.core_type<sc_vector_subcore>, window_params = [{transform_indices = #map}, {transform_indices = #map1}, {transform_indices = #map1}]} {
    %eq3A = arith.constant 0 : i32
    %eq3A_0 = arith.cmpi eq, %arg1, %eq3A : i32
    %convert_element_type3A = arith.extui %eq3A_0 : i1 to i32
    %cond3A = arith.constant 0 : i32
    %cond3A_1 = arith.cmpi ne, %convert_element_type3A, %cond3A : i32
    scf.if %cond3A_1 {
      "tpu.region"() ({
        %run_scoped3A = tpu.sem_alloc : memref<!tpu.dma_semaphore, #tpu.memory_space<semaphore_mem>>
        tpu.enqueue_dma source(%arg3 : memref<10240xf32, #tpu.memory_space<hbm>>) target(%arg7 : memref<10240xf32, #tpu.memory_space<vmem_shared>>) target_semaphore(%run_scoped3A : memref<!tpu.dma_semaphore, #tpu.memory_space<semaphore_mem>>)
        tpu.wait_dma2 semaphore(%run_scoped3A : memref<!tpu.dma_semaphore, #tpu.memory_space<semaphore_mem>>) src(%arg3 : memref<10240xf32, #tpu.memory_space<hbm>>) dst(%arg7 : memref<10240xf32, #tpu.memory_space<vmem_shared>>)
        tpu.yield
      }) : () -> ()
    } else {
    }
    %broadcast_in_dim3A = arith.constant 1.000000e+00 : f32
    %broadcast_in_dim3A_2 = vector.broadcast %broadcast_in_dim3A : f32 to vector<16xf32>
    %swap3A = arith.constant 0 : index
    %swap3A_3 = tpu.vector_load %arg6[%swap3A] {strides = array<i32>} : memref<128xf32, #tpu.memory_space<vmem>>, vector<16xf32>,
    %swap3A_4 = vector.shape_cast %swap3A_3 : vector<16xf32> to vector<16xf32>
    %swap3A_5 = vector.shape_cast %broadcast_in_dim3A_2 : vector<16xf32> to vector<16xf32>
    tpu.vector_store %arg6[%swap3A], %swap3A_5 {strides = array<i32>} : memref<128xf32, #tpu.memory_space<vmem>>, vector<16xf32>,
    %broadcast_in_dim3A_6 = arith.constant 1.000000e+00 : f32
    %broadcast_in_dim3A_7 = vector.broadcast %broadcast_in_dim3A_6 : f32 to vector<16xf32>
    %swap3A_8 = arith.constant 16 : index
    %swap3A_9 = tpu.vector_load %arg6[%swap3A_8] {strides = array<i32>} : memref<128xf32, #tpu.memory_space<vmem>>, vector<16xf32>,
    %swap3A_10 = vector.shape_cast %swap3A_9 : vector<16xf32> to vector<16xf32>
    %swap3A_11 = vector.shape_cast %broadcast_in_dim3A_7 : vector<16xf32> to vector<16xf32>
    tpu.vector_store %arg6[%swap3A_8], %swap3A_11 {strides = array<i32>} : memref<128xf32, #tpu.memory_space<vmem>>, vector<16xf32>,
    %broadcast_in_dim3A_12 = arith.constant 1.000000e+00 : f32
    %broadcast_in_dim3A_13 = vector.broadcast %broadcast_in_dim3A_12 : f32 to vector<16xf32>
    %swap3A_14 = arith.constant 32 : index
    %swap3A_15 = tpu.vector_load %arg6[%swap3A_14] {strides = array<i32>} : memref<128xf32, #tpu.memory_space<vmem>>, vector<16xf32>,
    %swap3A_16 = vector.shape_cast %swap3A_15 : vector<16xf32> to vector<16xf32>
    %swap3A_17 = vector.shape_cast %broadcast_in_dim3A_13 : vector<16xf32> to vector<16xf32>
    tpu.vector_store %arg6[%swap3A_14], %swap3A_17 {strides = array<i32>} : memref<128xf32, #tpu.memory_space<vmem>>, vector<16xf32>,
    %broadcast_in_dim3A_18 = arith.constant 1.000000e+00 : f32
    %broadcast_in_dim3A_19 = vector.broadcast %broadcast_in_dim3A_18 : f32 to vector<16xf32>
    %swap3A_20 = arith.constant 48 : index
    %swap3A_21 = tpu.vector_load %arg6[%swap3A_20] {strides = array<i32>} : memref<128xf32, #tpu.memory_space<vmem>>, vector<16xf32>,
    %swap3A_22 = vector.shape_cast %swap3A_21 : vector<16xf32> to vector<16xf32>
    %swap3A_23 = vector.shape_cast %broadcast_in_dim3A_19 : vector<16xf32> to vector<16xf32>
    tpu.vector_store %arg6[%swap3A_20], %swap3A_23 {strides = array<i32>} : memref<128xf32, #tpu.memory_space<vmem>>, vector<16xf32>,
    %broadcast_in_dim3A_24 = arith.constant 1.000000e+00 : f32
    %broadcast_in_dim3A_25 = vector.broadcast %broadcast_in_dim3A_24 : f32 to vector<16xf32>
    %swap3A_26 = arith.constant 64 : index
    %swap3A_27 = tpu.vector_load %arg6[%swap3A_26] {strides = array<i32>} : memref<128xf32, #tpu.memory_space<vmem>>, vector<16xf32>,
    %swap3A_28 = vector.shape_cast %swap3A_27 : vector<16xf32> to vector<16xf32>
    %swap3A_29 = vector.shape_cast %broadcast_in_dim3A_25 : vector<16xf32> to vector<16xf32>
    tpu.vector_store %arg6[%swap3A_26], %swap3A_29 {strides = array<i32>} : memref<128xf32, #tpu.memory_space<vmem>>, vector<16xf32>,
    %broadcast_in_dim3A_30 = arith.constant 1.000000e+00 : f32
    %broadcast_in_dim3A_31 = vector.broadcast %broadcast_in_dim3A_30 : f32 to vector<16xf32>
    %swap3A_32 = arith.constant 80 : index
    %swap3A_33 = tpu.vector_load %arg6[%swap3A_32] {strides = array<i32>} : memref<128xf32, #tpu.memory_space<vmem>>, vector<16xf32>,
    %swap3A_34 = vector.shape_cast %swap3A_33 : vector<16xf32> to vector<16xf32>
    %swap3A_35 = vector.shape_cast %broadcast_in_dim3A_31 : vector<16xf32> to vector<16xf32>
    tpu.vector_store %arg6[%swap3A_32], %swap3A_35 {strides = array<i32>} : memref<128xf32, #tpu.memory_space<vmem>>, vector<16xf32>,
    %broadcast_in_dim3A_36 = arith.constant 1.000000e+00 : f32
    %broadcast_in_dim3A_37 = vector.broadcast %broadcast_in_dim3A_36 : f32 to vector<16xf32>
    %swap3A_38 = arith.constant 96 : index
    %swap3A_39 = tpu.vector_load %arg6[%swap3A_38] {strides = array<i32>} : memref<128xf32, #tpu.memory_space<vmem>>, vector<16xf32>,
    %swap3A_40 = vector.shape_cast %swap3A_39 : vector<16xf32> to vector<16xf32>
    %swap3A_41 = vector.shape_cast %broadcast_in_dim3A_37 : vector<16xf32> to vector<16xf32>
    tpu.vector_store %arg6[%swap3A_38], %swap3A_41 {strides = array<i32>} : memref<128xf32, #tpu.memory_space<vmem>>, vector<16xf32>,
    %broadcast_in_dim3A_42 = arith.constant 1.000000e+00 : f32
    %broadcast_in_dim3A_43 = vector.broadcast %broadcast_in_dim3A_42 : f32 to vector<16xf32>
    %swap3A_44 = arith.constant 112 : index
    %swap3A_45 = tpu.vector_load %arg6[%swap3A_44] {strides = array<i32>} : memref<128xf32, #tpu.memory_space<vmem>>, vector<16xf32>,
    %swap3A_46 = vector.shape_cast %swap3A_45 : vector<16xf32> to vector<16xf32>
    %swap3A_47 = vector.shape_cast %broadcast_in_dim3A_43 : vector<16xf32> to vector<16xf32>
    tpu.vector_store %arg6[%swap3A_44], %swap3A_47 {strides = array<i32>} : memref<128xf32, #tpu.memory_space<vmem>>, vector<16xf32>,
    %mul3A = arith.constant 16 : i32
    %mul3A_48 = arith.muli %arg0, %mul3A : i32
    %add3A = arith.addi %mul3A_48, %arg1 : i32
    %mul3A_49 = arith.constant 80 : i32
    %mul3A_50 = arith.muli %add3A, %mul3A_49 : i32
    "tpu.region"() ({
      %run_scoped3A = tpu.sem_alloc : memref<!tpu.dma_semaphore, #tpu.memory_space<semaphore_mem>>
      %dma_start3A = arith.constant 0 : i32
      %dma_start3A_62 = tpu.memref_slice %arg2[%mul3A_50, %dma_start3A] : memref<2560x128xi32, #tpu.memory_space<hbm>> -> memref<80x128xi32, #tpu.memory_space<hbm>>
      %dma_start3A_63 = arith.constant 0 : i32
      %dma_start3A_64 = tpu.memref_slice %arg2[%mul3A_50, %dma_start3A_63] : memref<2560x128xi32, #tpu.memory_space<hbm>> -> memref<80x128xi32, #tpu.memory_space<hbm>>
      tpu.enqueue_dma source(%dma_start3A_64 : memref<80x128xi32, #tpu.memory_space<hbm>>) target(%arg5 : memref<80x128xi32, #tpu.memory_space<vmem>>) target_semaphore(%run_scoped3A : memref<!tpu.dma_semaphore, #tpu.memory_space<semaphore_mem>>)
      %dma_wait3A = arith.constant 0 : i32
      %dma_wait3A_65 = tpu.memref_slice %arg2[%mul3A_50, %dma_wait3A] : memref<2560x128xi32, #tpu.memory_space<hbm>> -> memref<80x128xi32, #tpu.memory_space<hbm>>
      %dma_wait3A_66 = arith.constant 0 : i32
      %dma_wait3A_67 = tpu.memref_slice %arg2[%mul3A_50, %dma_wait3A_66] : memref<2560x128xi32, #tpu.memory_space<hbm>> -> memref<80x128xi32, #tpu.memory_space<hbm>>
      tpu.wait_dma2 semaphore(%run_scoped3A : memref<!tpu.dma_semaphore, #tpu.memory_space<semaphore_mem>>) src(%dma_wait3A_67 : memref<80x128xi32, #tpu.memory_space<hbm>>) dst(%arg5 : memref<80x128xi32, #tpu.memory_space<vmem>>)
      tpu.yield
    }) : () -> ()
    %barrier3A = arith.constant 0 : index
    tpu.barrier barrier_id(%barrier3A)
    %scan3A = arith.constant 0 : i32
    %scan3A_51 = arith.constant 0 : i32
    %scan3A_52 = arith.constant 80 : i32
    %scan3A_53 = arith.addi %scan3A_51, %scan3A_52 : i32
    %scan3A_54 = arith.constant 1 : i32
    scf.for %scan3A_62 = %scan3A_51 to %scan3A_53 step %scan3A_54  : i32 {
      "tpu.region"() ({
        %run_scoped3A = tpu.sem_alloc : memref<!tpu.dma_semaphore, #tpu.memory_space<semaphore_mem>>
        %dma_start3A = arith.constant 0 : i32
        %dma_start3A_63 = tpu.memref_slice %arg5[%scan3A_62, %dma_start3A] : memref<80x128xi32, #tpu.memory_space<vmem>> -> memref<1x128xi32, #tpu.memory_space<vmem>>
        %dma_start3A_64 = tpu.memref_squeeze %dma_start3A_63 : memref<1x128xi32, #tpu.memory_space<vmem>> -> memref<128xi32, #tpu.memory_space<vmem>>
        %dma_start3A_65 = arith.constant 0 : i32
        %dma_start3A_66 = tpu.memref_slice %arg7[%dma_start3A_65] : memref<10240xf32, #tpu.memory_space<vmem_shared>> -> memref<10240xf32, #tpu.memory_space<vmem_shared>>
        tpu.enqueue_indirect_dma source(%arg6 : memref<128xf32, #tpu.memory_space<vmem>>) target(%dma_start3A_66 : memref<10240xf32, #tpu.memory_space<vmem_shared>>) offsets(%dma_start3A_64 : memref<128xi32, #tpu.memory_space<vmem>>) semaphore(%run_scoped3A : memref<!tpu.dma_semaphore, #tpu.memory_space<semaphore_mem>>) {add = true}
        %dma_wait3A = arith.constant 0 : i32
        %dma_wait3A_67 = tpu.memref_slice %arg5[%scan3A_62, %dma_wait3A] : memref<80x128xi32, #tpu.memory_space<vmem>> -> memref<1x128xi32, #tpu.memory_space<vmem>>
        %dma_wait3A_68 = tpu.memref_squeeze %dma_wait3A_67 : memref<1x128xi32, #tpu.memory_space<vmem>> -> memref<128xi32, #tpu.memory_space<vmem>>
        %dma_wait3A_69 = arith.constant 0 : i32
        %dma_wait3A_70 = tpu.memref_slice %arg7[%dma_wait3A_69] : memref<10240xf32, #tpu.memory_space<vmem_shared>> -> memref<10240xf32, #tpu.memory_space<vmem_shared>>
        tpu.wait_indirect_dma semaphore(%run_scoped3A : memref<!tpu.dma_semaphore, #tpu.memory_space<semaphore_mem>>) src(%arg6 : memref<128xf32, #tpu.memory_space<vmem>>) dst(%dma_wait3A_70 : memref<10240xf32, #tpu.memory_space<vmem_shared>>)
        tpu.yield
      }) : () -> ()
    }
    %scan3A_55 = arith.constant 80 : i32
    %barrier3A_56 = arith.constant 0 : index
    tpu.barrier barrier_id(%barrier3A_56)
    %eq3A_57 = arith.constant 0 : i32
    %eq3A_58 = arith.cmpi eq, %arg1, %eq3A_57 : i32
    %convert_element_type3A_59 = arith.extui %eq3A_58 : i1 to i32
    %cond3A_60 = arith.constant 0 : i32
    %cond3A_61 = arith.cmpi ne, %convert_element_type3A_59, %cond3A_60 : i32
    scf.if %cond3A_61 {
      %mul3A_62 = arith.constant 10240 : i32
      %mul3A_63 = arith.muli %arg0, %mul3A_62 : i32
      "tpu.region"() ({
        %run_scoped3A = tpu.sem_alloc : memref<!tpu.dma_semaphore, #tpu.memory_space<semaphore_mem>>
        %dma_start3A = tpu.memref_slice %arg4[%mul3A_63] : memref<20480xf32, #tpu.memory_space<hbm>> -> memref<10240xf32, #tpu.memory_space<hbm>>
        tpu.enqueue_dma source(%arg7 : memref<10240xf32, #tpu.memory_space<vmem_shared>>) target(%dma_start3A : memref<10240xf32, #tpu.memory_space<hbm>>) target_semaphore(%run_scoped3A : memref<!tpu.dma_semaphore, #tpu.memory_space<semaphore_mem>>)
        %dma_wait3A = tpu.memref_slice %arg4[%mul3A_63] : memref<20480xf32, #tpu.memory_space<hbm>> -> memref<10240xf32, #tpu.memory_space<hbm>>
        tpu.wait_dma2 semaphore(%run_scoped3A : memref<!tpu.dma_semaphore, #tpu.memory_space<semaphore_mem>>) src(%arg7 : memref<10240xf32, #tpu.memory_space<vmem_shared>>) dst(%dma_wait3A : memref<10240xf32, #tpu.memory_space<hbm>>)
        tpu.yield
      }) : () -> ()
    } else {
    }
    return
  }
}

#map = affine_map<(d0, d1) -> (0, 0)>
module attributes {stable_mosaic.version = 14 : i64} {
  func.func @_sc_sortperm(%arg0: i32, %arg1: i32, %arg2: memref<80x128xi32, #tpu.memory_space<hbm>>, %arg3: memref<80x128xi32, #tpu.memory_space<hbm>>, %arg4: memref<10240x128xf32, #tpu.memory_space<hbm>>, %arg5: memref<10240x128xf32, #tpu.memory_space<hbm>>, %arg6: memref<8x128xi32, #tpu.memory_space<vmem>>, %arg7: memref<8x128xi32, #tpu.memory_space<vmem>>, %arg8: memref<640xi32, #tpu.memory_space<vmem>>, %arg9: memref<640x128xf32, #tpu.memory_space<vmem>>, %arg10: memref<10240xi32, #tpu.memory_space<vmem_shared>>, %arg11: memref<!tpu.dma_semaphore, #tpu.memory_space<semaphore_mem>>) attributes {dimension_semantics = [#tpu.dimension_semantics<core_parallel>, #tpu.dimension_semantics<subcore_parallel>], iteration_bounds = array<i64: 2, 16>, scalar_prefetch = 0 : i64, scratch_operands = 6 : i64, tpu.core_type = #tpu.core_type<sc_vector_subcore>, window_params = [{transform_indices = #map}, {transform_indices = #map}, {transform_indices = #map}, {transform_indices = #map}]} {
    %eq3A = arith.constant 0 : i32
    %eq3A_0 = arith.cmpi eq, %arg0, %eq3A : i32
    %convert_element_type3A = arith.extui %eq3A_0 : i1 to i32
    %cond3A = arith.constant 0 : i32
    %cond3A_1 = arith.cmpi ne, %convert_element_type3A, %cond3A : i32
    scf.if %cond3A_1 {
      %lt3A = arith.constant 10 : i32
      %lt3A_2 = arith.cmpi slt, %arg1, %lt3A : i32
      %convert_element_type3A_3 = arith.extui %lt3A_2 : i1 to i32
      %cond3A_4 = arith.constant 0 : i32
      %cond3A_5 = arith.cmpi ne, %convert_element_type3A_3, %cond3A_4 : i32
      scf.if %cond3A_5 {
        %mul3A_11 = arith.constant 8 : i32
        %mul3A_12 = arith.muli %arg1, %mul3A_11 : i32
        "tpu.region"() ({
          %run_scoped3A_30 = tpu.sem_alloc : memref<!tpu.dma_semaphore, #tpu.memory_space<semaphore_mem>>
          %dma_start3A_31 = arith.constant 0 : i32
          %dma_start3A_32 = tpu.memref_slice %arg2[%mul3A_12, %dma_start3A_31] : memref<80x128xi32, #tpu.memory_space<hbm>> -> memref<8x128xi32, #tpu.memory_space<hbm>>
          %dma_start3A_33 = arith.constant 0 : i32
          %dma_start3A_34 = tpu.memref_slice %arg2[%mul3A_12, %dma_start3A_33] : memref<80x128xi32, #tpu.memory_space<hbm>> -> memref<8x128xi32, #tpu.memory_space<hbm>>
          tpu.enqueue_dma source(%dma_start3A_34 : memref<8x128xi32, #tpu.memory_space<hbm>>) target(%arg6 : memref<8x128xi32, #tpu.memory_space<vmem>>) target_semaphore(%run_scoped3A_30 : memref<!tpu.dma_semaphore, #tpu.memory_space<semaphore_mem>>)
          %dma_wait3A_35 = arith.constant 0 : i32
          %dma_wait3A_36 = tpu.memref_slice %arg2[%mul3A_12, %dma_wait3A_35] : memref<80x128xi32, #tpu.memory_space<hbm>> -> memref<8x128xi32, #tpu.memory_space<hbm>>
          %dma_wait3A_37 = arith.constant 0 : i32
          %dma_wait3A_38 = tpu.memref_slice %arg2[%mul3A_12, %dma_wait3A_37] : memref<80x128xi32, #tpu.memory_space<hbm>> -> memref<8x128xi32, #tpu.memory_space<hbm>>
          tpu.wait_dma2 semaphore(%run_scoped3A_30 : memref<!tpu.dma_semaphore, #tpu.memory_space<semaphore_mem>>) src(%dma_wait3A_38 : memref<8x128xi32, #tpu.memory_space<hbm>>) dst(%arg6 : memref<8x128xi32, #tpu.memory_space<vmem>>)
          tpu.yield
        }) : () -> ()
        %mul3A_13 = arith.constant 8 : i32
        %mul3A_14 = arith.muli %arg1, %mul3A_13 : i32
        "tpu.region"() ({
          %run_scoped3A_30 = tpu.sem_alloc : memref<!tpu.dma_semaphore, #tpu.memory_space<semaphore_mem>>
          %dma_start3A_31 = arith.constant 0 : i32
          %dma_start3A_32 = tpu.memref_slice %arg3[%mul3A_14, %dma_start3A_31] : memref<80x128xi32, #tpu.memory_space<hbm>> -> memref<8x128xi32, #tpu.memory_space<hbm>>
          %dma_start3A_33 = arith.constant 0 : i32
          %dma_start3A_34 = tpu.memref_slice %arg3[%mul3A_14, %dma_start3A_33] : memref<80x128xi32, #tpu.memory_space<hbm>> -> memref<8x128xi32, #tpu.memory_space<hbm>>
          tpu.enqueue_dma source(%dma_start3A_34 : memref<8x128xi32, #tpu.memory_space<hbm>>) target(%arg7 : memref<8x128xi32, #tpu.memory_space<vmem>>) target_semaphore(%run_scoped3A_30 : memref<!tpu.dma_semaphore, #tpu.memory_space<semaphore_mem>>)
          %dma_wait3A_35 = arith.constant 0 : i32
          %dma_wait3A_36 = tpu.memref_slice %arg3[%mul3A_14, %dma_wait3A_35] : memref<80x128xi32, #tpu.memory_space<hbm>> -> memref<8x128xi32, #tpu.memory_space<hbm>>
          %dma_wait3A_37 = arith.constant 0 : i32
          %dma_wait3A_38 = tpu.memref_slice %arg3[%mul3A_14, %dma_wait3A_37] : memref<80x128xi32, #tpu.memory_space<hbm>> -> memref<8x128xi32, #tpu.memory_space<hbm>>
          tpu.wait_dma2 semaphore(%run_scoped3A_30 : memref<!tpu.dma_semaphore, #tpu.memory_space<semaphore_mem>>) src(%dma_wait3A_38 : memref<8x128xi32, #tpu.memory_space<hbm>>) dst(%arg7 : memref<8x128xi32, #tpu.memory_space<vmem>>)
          tpu.yield
        }) : () -> ()
        %run_scoped3A = arith.constant 0 : i32
        %run_scoped3A_15 = arith.constant 0 : i32
        "tpu.region"() ({
          %run_scoped3A_30 = tpu.sem_alloc : memref<!tpu.dma_semaphore, #tpu.memory_space<semaphore_mem>>
          %dma_start3A_31 = arith.constant 0 : i32
          %dma_start3A_32 = tpu.memref_slice %arg7[%run_scoped3A, %dma_start3A_31] : memref<8x128xi32, #tpu.memory_space<vmem>> -> memref<1x128xi32, #tpu.memory_space<vmem>>
          %dma_start3A_33 = tpu.memref_squeeze %dma_start3A_32 : memref<1x128xi32, #tpu.memory_space<vmem>> -> memref<128xi32, #tpu.memory_space<vmem>>
          %dma_start3A_34 = arith.constant 0 : i32
          %dma_start3A_35 = tpu.memref_slice %arg6[%run_scoped3A_15, %dma_start3A_34] : memref<8x128xi32, #tpu.memory_space<vmem>> -> memref<1x128xi32, #tpu.memory_space<vmem>>
          %dma_start3A_36 = tpu.memref_squeeze %dma_start3A_35 : memref<1x128xi32, #tpu.memory_space<vmem>> -> memref<128xi32, #tpu.memory_space<vmem>>
          %dma_start3A_37 = arith.constant 0 : i32
          %dma_start3A_38 = tpu.memref_slice %arg10[%dma_start3A_37] : memref<10240xi32, #tpu.memory_space<vmem_shared>> -> memref<10240xi32, #tpu.memory_space<vmem_shared>>
          tpu.enqueue_indirect_dma source(%dma_start3A_33 : memref<128xi32, #tpu.memory_space<vmem>>) target(%dma_start3A_38 : memref<10240xi32, #tpu.memory_space<vmem_shared>>) offsets(%dma_start3A_36 : memref<128xi32, #tpu.memory_space<vmem>>) semaphore(%run_scoped3A_30 : memref<!tpu.dma_semaphore, #tpu.memory_space<semaphore_mem>>)
          %dma_wait3A_39 = arith.constant 0 : i32
          %dma_wait3A_40 = tpu.memref_slice %arg7[%run_scoped3A, %dma_wait3A_39] : memref<8x128xi32, #tpu.memory_space<vmem>> -> memref<1x128xi32, #tpu.memory_space<vmem>>
          %dma_wait3A_41 = tpu.memref_squeeze %dma_wait3A_40 : memref<1x128xi32, #tpu.memory_space<vmem>> -> memref<128xi32, #tpu.memory_space<vmem>>
          %dma_wait3A_42 = arith.constant 0 : i32
          %dma_wait3A_43 = tpu.memref_slice %arg6[%run_scoped3A_15, %dma_wait3A_42] : memref<8x128xi32, #tpu.memory_space<vmem>> -> memref<1x128xi32, #tpu.memory_space<vmem>>
          %dma_wait3A_44 = tpu.memref_squeeze %dma_wait3A_43 : memref<1x128xi32, #tpu.memory_space<vmem>> -> memref<128xi32, #tpu.memory_space<vmem>>
          %dma_wait3A_45 = arith.constant 0 : i32
          %dma_wait3A_46 = tpu.memref_slice %arg10[%dma_wait3A_45] : memref<10240xi32, #tpu.memory_space<vmem_shared>> -> memref<10240xi32, #tpu.memory_space<vmem_shared>>
          tpu.wait_indirect_dma semaphore(%run_scoped3A_30 : memref<!tpu.dma_semaphore, #tpu.memory_space<semaphore_mem>>) src(%dma_wait3A_41 : memref<128xi32, #tpu.memory_space<vmem>>) dst(%dma_wait3A_46 : memref<10240xi32, #tpu.memory_space<vmem_shared>>)
          tpu.yield
        }) : () -> ()
        %run_scoped3A_16 = arith.constant 1 : i32
        %run_scoped3A_17 = arith.constant 1 : i32
        "tpu.region"() ({
          %run_scoped3A_30 = tpu.sem_alloc : memref<!tpu.dma_semaphore, #tpu.memory_space<semaphore_mem>>
          %dma_start3A_31 = arith.constant 0 : i32
          %dma_start3A_32 = tpu.memref_slice %arg7[%run_scoped3A_16, %dma_start3A_31] : memref<8x128xi32, #tpu.memory_space<vmem>> -> memref<1x128xi32, #tpu.memory_space<vmem>>
          %dma_start3A_33 = tpu.memref_squeeze %dma_start3A_32 : memref<1x128xi32, #tpu.memory_space<vmem>> -> memref<128xi32, #tpu.memory_space<vmem>>
          %dma_start3A_34 = arith.constant 0 : i32
          %dma_start3A_35 = tpu.memref_slice %arg6[%run_scoped3A_17, %dma_start3A_34] : memref<8x128xi32, #tpu.memory_space<vmem>> -> memref<1x128xi32, #tpu.memory_space<vmem>>
          %dma_start3A_36 = tpu.memref_squeeze %dma_start3A_35 : memref<1x128xi32, #tpu.memory_space<vmem>> -> memref<128xi32, #tpu.memory_space<vmem>>
          %dma_start3A_37 = arith.constant 0 : i32
          %dma_start3A_38 = tpu.memref_slice %arg10[%dma_start3A_37] : memref<10240xi32, #tpu.memory_space<vmem_shared>> -> memref<10240xi32, #tpu.memory_space<vmem_shared>>
          tpu.enqueue_indirect_dma source(%dma_start3A_33 : memref<128xi32, #tpu.memory_space<vmem>>) target(%dma_start3A_38 : memref<10240xi32, #tpu.memory_space<vmem_shared>>) offsets(%dma_start3A_36 : memref<128xi32, #tpu.memory_space<vmem>>) semaphore(%run_scoped3A_30 : memref<!tpu.dma_semaphore, #tpu.memory_space<semaphore_mem>>)
          %dma_wait3A_39 = arith.constant 0 : i32
          %dma_wait3A_40 = tpu.memref_slice %arg7[%run_scoped3A_16, %dma_wait3A_39] : memref<8x128xi32, #tpu.memory_space<vmem>> -> memref<1x128xi32, #tpu.memory_space<vmem>>
          %dma_wait3A_41 = tpu.memref_squeeze %dma_wait3A_40 : memref<1x128xi32, #tpu.memory_space<vmem>> -> memref<128xi32, #tpu.memory_space<vmem>>
          %dma_wait3A_42 = arith.constant 0 : i32
          %dma_wait3A_43 = tpu.memref_slice %arg6[%run_scoped3A_17, %dma_wait3A_42] : memref<8x128xi32, #tpu.memory_space<vmem>> -> memref<1x128xi32, #tpu.memory_space<vmem>>
          %dma_wait3A_44 = tpu.memref_squeeze %dma_wait3A_43 : memref<1x128xi32, #tpu.memory_space<vmem>> -> memref<128xi32, #tpu.memory_space<vmem>>
          %dma_wait3A_45 = arith.constant 0 : i32
          %dma_wait3A_46 = tpu.memref_slice %arg10[%dma_wait3A_45] : memref<10240xi32, #tpu.memory_space<vmem_shared>> -> memref<10240xi32, #tpu.memory_space<vmem_shared>>
          tpu.wait_indirect_dma semaphore(%run_scoped3A_30 : memref<!tpu.dma_semaphore, #tpu.memory_space<semaphore_mem>>) src(%dma_wait3A_41 : memref<128xi32, #tpu.memory_space<vmem>>) dst(%dma_wait3A_46 : memref<10240xi32, #tpu.memory_space<vmem_shared>>)
          tpu.yield
        }) : () -> ()
        %run_scoped3A_18 = arith.constant 2 : i32
        %run_scoped3A_19 = arith.constant 2 : i32
        "tpu.region"() ({
          %run_scoped3A_30 = tpu.sem_alloc : memref<!tpu.dma_semaphore, #tpu.memory_space<semaphore_mem>>
          %dma_start3A_31 = arith.constant 0 : i32
          %dma_start3A_32 = tpu.memref_slice %arg7[%run_scoped3A_18, %dma_start3A_31] : memref<8x128xi32, #tpu.memory_space<vmem>> -> memref<1x128xi32, #tpu.memory_space<vmem>>
          %dma_start3A_33 = tpu.memref_squeeze %dma_start3A_32 : memref<1x128xi32, #tpu.memory_space<vmem>> -> memref<128xi32, #tpu.memory_space<vmem>>
          %dma_start3A_34 = arith.constant 0 : i32
          %dma_start3A_35 = tpu.memref_slice %arg6[%run_scoped3A_19, %dma_start3A_34] : memref<8x128xi32, #tpu.memory_space<vmem>> -> memref<1x128xi32, #tpu.memory_space<vmem>>
          %dma_start3A_36 = tpu.memref_squeeze %dma_start3A_35 : memref<1x128xi32, #tpu.memory_space<vmem>> -> memref<128xi32, #tpu.memory_space<vmem>>
          %dma_start3A_37 = arith.constant 0 : i32
          %dma_start3A_38 = tpu.memref_slice %arg10[%dma_start3A_37] : memref<10240xi32, #tpu.memory_space<vmem_shared>> -> memref<10240xi32, #tpu.memory_space<vmem_shared>>
          tpu.enqueue_indirect_dma source(%dma_start3A_33 : memref<128xi32, #tpu.memory_space<vmem>>) target(%dma_start3A_38 : memref<10240xi32, #tpu.memory_space<vmem_shared>>) offsets(%dma_start3A_36 : memref<128xi32, #tpu.memory_space<vmem>>) semaphore(%run_scoped3A_30 : memref<!tpu.dma_semaphore, #tpu.memory_space<semaphore_mem>>)
          %dma_wait3A_39 = arith.constant 0 : i32
          %dma_wait3A_40 = tpu.memref_slice %arg7[%run_scoped3A_18, %dma_wait3A_39] : memref<8x128xi32, #tpu.memory_space<vmem>> -> memref<1x128xi32, #tpu.memory_space<vmem>>
          %dma_wait3A_41 = tpu.memref_squeeze %dma_wait3A_40 : memref<1x128xi32, #tpu.memory_space<vmem>> -> memref<128xi32, #tpu.memory_space<vmem>>
          %dma_wait3A_42 = arith.constant 0 : i32
          %dma_wait3A_43 = tpu.memref_slice %arg6[%run_scoped3A_19, %dma_wait3A_42] : memref<8x128xi32, #tpu.memory_space<vmem>> -> memref<1x128xi32, #tpu.memory_space<vmem>>
          %dma_wait3A_44 = tpu.memref_squeeze %dma_wait3A_43 : memref<1x128xi32, #tpu.memory_space<vmem>> -> memref<128xi32, #tpu.memory_space<vmem>>
          %dma_wait3A_45 = arith.constant 0 : i32
          %dma_wait3A_46 = tpu.memref_slice %arg10[%dma_wait3A_45] : memref<10240xi32, #tpu.memory_space<vmem_shared>> -> memref<10240xi32, #tpu.memory_space<vmem_shared>>
          tpu.wait_indirect_dma semaphore(%run_scoped3A_30 : memref<!tpu.dma_semaphore, #tpu.memory_space<semaphore_mem>>) src(%dma_wait3A_41 : memref<128xi32, #tpu.memory_space<vmem>>) dst(%dma_wait3A_46 : memref<10240xi32, #tpu.memory_space<vmem_shared>>)
          tpu.yield
        }) : () -> ()
        %run_scoped3A_20 = arith.constant 3 : i32
        %run_scoped3A_21 = arith.constant 3 : i32
        "tpu.region"() ({
          %run_scoped3A_30 = tpu.sem_alloc : memref<!tpu.dma_semaphore, #tpu.memory_space<semaphore_mem>>
          %dma_start3A_31 = arith.constant 0 : i32
          %dma_start3A_32 = tpu.memref_slice %arg7[%run_scoped3A_20, %dma_start3A_31] : memref<8x128xi32, #tpu.memory_space<vmem>> -> memref<1x128xi32, #tpu.memory_space<vmem>>
          %dma_start3A_33 = tpu.memref_squeeze %dma_start3A_32 : memref<1x128xi32, #tpu.memory_space<vmem>> -> memref<128xi32, #tpu.memory_space<vmem>>
          %dma_start3A_34 = arith.constant 0 : i32
          %dma_start3A_35 = tpu.memref_slice %arg6[%run_scoped3A_21, %dma_start3A_34] : memref<8x128xi32, #tpu.memory_space<vmem>> -> memref<1x128xi32, #tpu.memory_space<vmem>>
          %dma_start3A_36 = tpu.memref_squeeze %dma_start3A_35 : memref<1x128xi32, #tpu.memory_space<vmem>> -> memref<128xi32, #tpu.memory_space<vmem>>
          %dma_start3A_37 = arith.constant 0 : i32
          %dma_start3A_38 = tpu.memref_slice %arg10[%dma_start3A_37] : memref<10240xi32, #tpu.memory_space<vmem_shared>> -> memref<10240xi32, #tpu.memory_space<vmem_shared>>
          tpu.enqueue_indirect_dma source(%dma_start3A_33 : memref<128xi32, #tpu.memory_space<vmem>>) target(%dma_start3A_38 : memref<10240xi32, #tpu.memory_space<vmem_shared>>) offsets(%dma_start3A_36 : memref<128xi32, #tpu.memory_space<vmem>>) semaphore(%run_scoped3A_30 : memref<!tpu.dma_semaphore, #tpu.memory_space<semaphore_mem>>)
          %dma_wait3A_39 = arith.constant 0 : i32
          %dma_wait3A_40 = tpu.memref_slice %arg7[%run_scoped3A_20, %dma_wait3A_39] : memref<8x128xi32, #tpu.memory_space<vmem>> -> memref<1x128xi32, #tpu.memory_space<vmem>>
          %dma_wait3A_41 = tpu.memref_squeeze %dma_wait3A_40 : memref<1x128xi32, #tpu.memory_space<vmem>> -> memref<128xi32, #tpu.memory_space<vmem>>
          %dma_wait3A_42 = arith.constant 0 : i32
          %dma_wait3A_43 = tpu.memref_slice %arg6[%run_scoped3A_21, %dma_wait3A_42] : memref<8x128xi32, #tpu.memory_space<vmem>> -> memref<1x128xi32, #tpu.memory_space<vmem>>
          %dma_wait3A_44 = tpu.memref_squeeze %dma_wait3A_43 : memref<1x128xi32, #tpu.memory_space<vmem>> -> memref<128xi32, #tpu.memory_space<vmem>>
          %dma_wait3A_45 = arith.constant 0 : i32
          %dma_wait3A_46 = tpu.memref_slice %arg10[%dma_wait3A_45] : memref<10240xi32, #tpu.memory_space<vmem_shared>> -> memref<10240xi32, #tpu.memory_space<vmem_shared>>
          tpu.wait_indirect_dma semaphore(%run_scoped3A_30 : memref<!tpu.dma_semaphore, #tpu.memory_space<semaphore_mem>>) src(%dma_wait3A_41 : memref<128xi32, #tpu.memory_space<vmem>>) dst(%dma_wait3A_46 : memref<10240xi32, #tpu.memory_space<vmem_shared>>)
          tpu.yield
        }) : () -> ()
        %run_scoped3A_22 = arith.constant 4 : i32
        %run_scoped3A_23 = arith.constant 4 : i32
        "tpu.region"() ({
          %run_scoped3A_30 = tpu.sem_alloc : memref<!tpu.dma_semaphore, #tpu.memory_space<semaphore_mem>>
          %dma_start3A_31 = arith.constant 0 : i32
          %dma_start3A_32 = tpu.memref_slice %arg7[%run_scoped3A_22, %dma_start3A_31] : memref<8x128xi32, #tpu.memory_space<vmem>> -> memref<1x128xi32, #tpu.memory_space<vmem>>
          %dma_start3A_33 = tpu.memref_squeeze %dma_start3A_32 : memref<1x128xi32, #tpu.memory_space<vmem>> -> memref<128xi32, #tpu.memory_space<vmem>>
          %dma_start3A_34 = arith.constant 0 : i32
          %dma_start3A_35 = tpu.memref_slice %arg6[%run_scoped3A_23, %dma_start3A_34] : memref<8x128xi32, #tpu.memory_space<vmem>> -> memref<1x128xi32, #tpu.memory_space<vmem>>
          %dma_start3A_36 = tpu.memref_squeeze %dma_start3A_35 : memref<1x128xi32, #tpu.memory_space<vmem>> -> memref<128xi32, #tpu.memory_space<vmem>>
          %dma_start3A_37 = arith.constant 0 : i32
          %dma_start3A_38 = tpu.memref_slice %arg10[%dma_start3A_37] : memref<10240xi32, #tpu.memory_space<vmem_shared>> -> memref<10240xi32, #tpu.memory_space<vmem_shared>>
          tpu.enqueue_indirect_dma source(%dma_start3A_33 : memref<128xi32, #tpu.memory_space<vmem>>) target(%dma_start3A_38 : memref<10240xi32, #tpu.memory_space<vmem_shared>>) offsets(%dma_start3A_36 : memref<128xi32, #tpu.memory_space<vmem>>) semaphore(%run_scoped3A_30 : memref<!tpu.dma_semaphore, #tpu.memory_space<semaphore_mem>>)
          %dma_wait3A_39 = arith.constant 0 : i32
          %dma_wait3A_40 = tpu.memref_slice %arg7[%run_scoped3A_22, %dma_wait3A_39] : memref<8x128xi32, #tpu.memory_space<vmem>> -> memref<1x128xi32, #tpu.memory_space<vmem>>
          %dma_wait3A_41 = tpu.memref_squeeze %dma_wait3A_40 : memref<1x128xi32, #tpu.memory_space<vmem>> -> memref<128xi32, #tpu.memory_space<vmem>>
          %dma_wait3A_42 = arith.constant 0 : i32
          %dma_wait3A_43 = tpu.memref_slice %arg6[%run_scoped3A_23, %dma_wait3A_42] : memref<8x128xi32, #tpu.memory_space<vmem>> -> memref<1x128xi32, #tpu.memory_space<vmem>>
          %dma_wait3A_44 = tpu.memref_squeeze %dma_wait3A_43 : memref<1x128xi32, #tpu.memory_space<vmem>> -> memref<128xi32, #tpu.memory_space<vmem>>
          %dma_wait3A_45 = arith.constant 0 : i32
          %dma_wait3A_46 = tpu.memref_slice %arg10[%dma_wait3A_45] : memref<10240xi32, #tpu.memory_space<vmem_shared>> -> memref<10240xi32, #tpu.memory_space<vmem_shared>>
          tpu.wait_indirect_dma semaphore(%run_scoped3A_30 : memref<!tpu.dma_semaphore, #tpu.memory_space<semaphore_mem>>) src(%dma_wait3A_41 : memref<128xi32, #tpu.memory_space<vmem>>) dst(%dma_wait3A_46 : memref<10240xi32, #tpu.memory_space<vmem_shared>>)
          tpu.yield
        }) : () -> ()
        %run_scoped3A_24 = arith.constant 5 : i32
        %run_scoped3A_25 = arith.constant 5 : i32
        "tpu.region"() ({
          %run_scoped3A_30 = tpu.sem_alloc : memref<!tpu.dma_semaphore, #tpu.memory_space<semaphore_mem>>
          %dma_start3A_31 = arith.constant 0 : i32
          %dma_start3A_32 = tpu.memref_slice %arg7[%run_scoped3A_24, %dma_start3A_31] : memref<8x128xi32, #tpu.memory_space<vmem>> -> memref<1x128xi32, #tpu.memory_space<vmem>>
          %dma_start3A_33 = tpu.memref_squeeze %dma_start3A_32 : memref<1x128xi32, #tpu.memory_space<vmem>> -> memref<128xi32, #tpu.memory_space<vmem>>
          %dma_start3A_34 = arith.constant 0 : i32
          %dma_start3A_35 = tpu.memref_slice %arg6[%run_scoped3A_25, %dma_start3A_34] : memref<8x128xi32, #tpu.memory_space<vmem>> -> memref<1x128xi32, #tpu.memory_space<vmem>>
          %dma_start3A_36 = tpu.memref_squeeze %dma_start3A_35 : memref<1x128xi32, #tpu.memory_space<vmem>> -> memref<128xi32, #tpu.memory_space<vmem>>
          %dma_start3A_37 = arith.constant 0 : i32
          %dma_start3A_38 = tpu.memref_slice %arg10[%dma_start3A_37] : memref<10240xi32, #tpu.memory_space<vmem_shared>> -> memref<10240xi32, #tpu.memory_space<vmem_shared>>
          tpu.enqueue_indirect_dma source(%dma_start3A_33 : memref<128xi32, #tpu.memory_space<vmem>>) target(%dma_start3A_38 : memref<10240xi32, #tpu.memory_space<vmem_shared>>) offsets(%dma_start3A_36 : memref<128xi32, #tpu.memory_space<vmem>>) semaphore(%run_scoped3A_30 : memref<!tpu.dma_semaphore, #tpu.memory_space<semaphore_mem>>)
          %dma_wait3A_39 = arith.constant 0 : i32
          %dma_wait3A_40 = tpu.memref_slice %arg7[%run_scoped3A_24, %dma_wait3A_39] : memref<8x128xi32, #tpu.memory_space<vmem>> -> memref<1x128xi32, #tpu.memory_space<vmem>>
          %dma_wait3A_41 = tpu.memref_squeeze %dma_wait3A_40 : memref<1x128xi32, #tpu.memory_space<vmem>> -> memref<128xi32, #tpu.memory_space<vmem>>
          %dma_wait3A_42 = arith.constant 0 : i32
          %dma_wait3A_43 = tpu.memref_slice %arg6[%run_scoped3A_25, %dma_wait3A_42] : memref<8x128xi32, #tpu.memory_space<vmem>> -> memref<1x128xi32, #tpu.memory_space<vmem>>
          %dma_wait3A_44 = tpu.memref_squeeze %dma_wait3A_43 : memref<1x128xi32, #tpu.memory_space<vmem>> -> memref<128xi32, #tpu.memory_space<vmem>>
          %dma_wait3A_45 = arith.constant 0 : i32
          %dma_wait3A_46 = tpu.memref_slice %arg10[%dma_wait3A_45] : memref<10240xi32, #tpu.memory_space<vmem_shared>> -> memref<10240xi32, #tpu.memory_space<vmem_shared>>
          tpu.wait_indirect_dma semaphore(%run_scoped3A_30 : memref<!tpu.dma_semaphore, #tpu.memory_space<semaphore_mem>>) src(%dma_wait3A_41 : memref<128xi32, #tpu.memory_space<vmem>>) dst(%dma_wait3A_46 : memref<10240xi32, #tpu.memory_space<vmem_shared>>)
          tpu.yield
        }) : () -> ()
        %run_scoped3A_26 = arith.constant 6 : i32
        %run_scoped3A_27 = arith.constant 6 : i32
        "tpu.region"() ({
          %run_scoped3A_30 = tpu.sem_alloc : memref<!tpu.dma_semaphore, #tpu.memory_space<semaphore_mem>>
          %dma_start3A_31 = arith.constant 0 : i32
          %dma_start3A_32 = tpu.memref_slice %arg7[%run_scoped3A_26, %dma_start3A_31] : memref<8x128xi32, #tpu.memory_space<vmem>> -> memref<1x128xi32, #tpu.memory_space<vmem>>
          %dma_start3A_33 = tpu.memref_squeeze %dma_start3A_32 : memref<1x128xi32, #tpu.memory_space<vmem>> -> memref<128xi32, #tpu.memory_space<vmem>>
          %dma_start3A_34 = arith.constant 0 : i32
          %dma_start3A_35 = tpu.memref_slice %arg6[%run_scoped3A_27, %dma_start3A_34] : memref<8x128xi32, #tpu.memory_space<vmem>> -> memref<1x128xi32, #tpu.memory_space<vmem>>
          %dma_start3A_36 = tpu.memref_squeeze %dma_start3A_35 : memref<1x128xi32, #tpu.memory_space<vmem>> -> memref<128xi32, #tpu.memory_space<vmem>>
          %dma_start3A_37 = arith.constant 0 : i32
          %dma_start3A_38 = tpu.memref_slice %arg10[%dma_start3A_37] : memref<10240xi32, #tpu.memory_space<vmem_shared>> -> memref<10240xi32, #tpu.memory_space<vmem_shared>>
          tpu.enqueue_indirect_dma source(%dma_start3A_33 : memref<128xi32, #tpu.memory_space<vmem>>) target(%dma_start3A_38 : memref<10240xi32, #tpu.memory_space<vmem_shared>>) offsets(%dma_start3A_36 : memref<128xi32, #tpu.memory_space<vmem>>) semaphore(%run_scoped3A_30 : memref<!tpu.dma_semaphore, #tpu.memory_space<semaphore_mem>>)
          %dma_wait3A_39 = arith.constant 0 : i32
          %dma_wait3A_40 = tpu.memref_slice %arg7[%run_scoped3A_26, %dma_wait3A_39] : memref<8x128xi32, #tpu.memory_space<vmem>> -> memref<1x128xi32, #tpu.memory_space<vmem>>
          %dma_wait3A_41 = tpu.memref_squeeze %dma_wait3A_40 : memref<1x128xi32, #tpu.memory_space<vmem>> -> memref<128xi32, #tpu.memory_space<vmem>>
          %dma_wait3A_42 = arith.constant 0 : i32
          %dma_wait3A_43 = tpu.memref_slice %arg6[%run_scoped3A_27, %dma_wait3A_42] : memref<8x128xi32, #tpu.memory_space<vmem>> -> memref<1x128xi32, #tpu.memory_space<vmem>>
          %dma_wait3A_44 = tpu.memref_squeeze %dma_wait3A_43 : memref<1x128xi32, #tpu.memory_space<vmem>> -> memref<128xi32, #tpu.memory_space<vmem>>
          %dma_wait3A_45 = arith.constant 0 : i32
          %dma_wait3A_46 = tpu.memref_slice %arg10[%dma_wait3A_45] : memref<10240xi32, #tpu.memory_space<vmem_shared>> -> memref<10240xi32, #tpu.memory_space<vmem_shared>>
          tpu.wait_indirect_dma semaphore(%run_scoped3A_30 : memref<!tpu.dma_semaphore, #tpu.memory_space<semaphore_mem>>) src(%dma_wait3A_41 : memref<128xi32, #tpu.memory_space<vmem>>) dst(%dma_wait3A_46 : memref<10240xi32, #tpu.memory_space<vmem_shared>>)
          tpu.yield
        }) : () -> ()
        %run_scoped3A_28 = arith.constant 7 : i32
        %run_scoped3A_29 = arith.constant 7 : i32
        "tpu.region"() ({
          %run_scoped3A_30 = tpu.sem_alloc : memref<!tpu.dma_semaphore, #tpu.memory_space<semaphore_mem>>
          %dma_start3A_31 = arith.constant 0 : i32
          %dma_start3A_32 = tpu.memref_slice %arg7[%run_scoped3A_28, %dma_start3A_31] : memref<8x128xi32, #tpu.memory_space<vmem>> -> memref<1x128xi32, #tpu.memory_space<vmem>>
          %dma_start3A_33 = tpu.memref_squeeze %dma_start3A_32 : memref<1x128xi32, #tpu.memory_space<vmem>> -> memref<128xi32, #tpu.memory_space<vmem>>
          %dma_start3A_34 = arith.constant 0 : i32
          %dma_start3A_35 = tpu.memref_slice %arg6[%run_scoped3A_29, %dma_start3A_34] : memref<8x128xi32, #tpu.memory_space<vmem>> -> memref<1x128xi32, #tpu.memory_space<vmem>>
          %dma_start3A_36 = tpu.memref_squeeze %dma_start3A_35 : memref<1x128xi32, #tpu.memory_space<vmem>> -> memref<128xi32, #tpu.memory_space<vmem>>
          %dma_start3A_37 = arith.constant 0 : i32
          %dma_start3A_38 = tpu.memref_slice %arg10[%dma_start3A_37] : memref<10240xi32, #tpu.memory_space<vmem_shared>> -> memref<10240xi32, #tpu.memory_space<vmem_shared>>
          tpu.enqueue_indirect_dma source(%dma_start3A_33 : memref<128xi32, #tpu.memory_space<vmem>>) target(%dma_start3A_38 : memref<10240xi32, #tpu.memory_space<vmem_shared>>) offsets(%dma_start3A_36 : memref<128xi32, #tpu.memory_space<vmem>>) semaphore(%run_scoped3A_30 : memref<!tpu.dma_semaphore, #tpu.memory_space<semaphore_mem>>)
          %dma_wait3A_39 = arith.constant 0 : i32
          %dma_wait3A_40 = tpu.memref_slice %arg7[%run_scoped3A_28, %dma_wait3A_39] : memref<8x128xi32, #tpu.memory_space<vmem>> -> memref<1x128xi32, #tpu.memory_space<vmem>>
          %dma_wait3A_41 = tpu.memref_squeeze %dma_wait3A_40 : memref<1x128xi32, #tpu.memory_space<vmem>> -> memref<128xi32, #tpu.memory_space<vmem>>
          %dma_wait3A_42 = arith.constant 0 : i32
          %dma_wait3A_43 = tpu.memref_slice %arg6[%run_scoped3A_29, %dma_wait3A_42] : memref<8x128xi32, #tpu.memory_space<vmem>> -> memref<1x128xi32, #tpu.memory_space<vmem>>
          %dma_wait3A_44 = tpu.memref_squeeze %dma_wait3A_43 : memref<1x128xi32, #tpu.memory_space<vmem>> -> memref<128xi32, #tpu.memory_space<vmem>>
          %dma_wait3A_45 = arith.constant 0 : i32
          %dma_wait3A_46 = tpu.memref_slice %arg10[%dma_wait3A_45] : memref<10240xi32, #tpu.memory_space<vmem_shared>> -> memref<10240xi32, #tpu.memory_space<vmem_shared>>
          tpu.wait_indirect_dma semaphore(%run_scoped3A_30 : memref<!tpu.dma_semaphore, #tpu.memory_space<semaphore_mem>>) src(%dma_wait3A_41 : memref<128xi32, #tpu.memory_space<vmem>>) dst(%dma_wait3A_46 : memref<10240xi32, #tpu.memory_space<vmem_shared>>)
          tpu.yield
        }) : () -> ()
      } else {
      }
      %barrier3A = arith.constant 0 : index
      tpu.barrier barrier_id(%barrier3A)
      %mul3A = arith.constant 640 : i32
      %mul3A_6 = arith.muli %arg1, %mul3A : i32
      "tpu.region"() ({
        %run_scoped3A = tpu.sem_alloc : memref<!tpu.dma_semaphore, #tpu.memory_space<semaphore_mem>>
        %dma_start3A_11 = tpu.memref_slice %arg10[%mul3A_6] : memref<10240xi32, #tpu.memory_space<vmem_shared>> -> memref<640xi32, #tpu.memory_space<vmem_shared>>
        %dma_start3A_12 = tpu.memref_slice %arg10[%mul3A_6] : memref<10240xi32, #tpu.memory_space<vmem_shared>> -> memref<640xi32, #tpu.memory_space<vmem_shared>>
        tpu.enqueue_dma source(%dma_start3A_12 : memref<640xi32, #tpu.memory_space<vmem_shared>>) target(%arg8 : memref<640xi32, #tpu.memory_space<vmem>>) target_semaphore(%run_scoped3A : memref<!tpu.dma_semaphore, #tpu.memory_space<semaphore_mem>>)
        %dma_wait3A_13 = tpu.memref_slice %arg10[%mul3A_6] : memref<10240xi32, #tpu.memory_space<vmem_shared>> -> memref<640xi32, #tpu.memory_space<vmem_shared>>
        %dma_wait3A_14 = tpu.memref_slice %arg10[%mul3A_6] : memref<10240xi32, #tpu.memory_space<vmem_shared>> -> memref<640xi32, #tpu.memory_space<vmem_shared>>
        tpu.wait_dma2 semaphore(%run_scoped3A : memref<!tpu.dma_semaphore, #tpu.memory_space<semaphore_mem>>) src(%dma_wait3A_14 : memref<640xi32, #tpu.memory_space<vmem_shared>>) dst(%arg8 : memref<640xi32, #tpu.memory_space<vmem>>)
        tpu.yield
      }) : () -> ()
      %dma_start3A = arith.constant 0 : i32
      %dma_start3A_7 = arith.constant 0 : i32
      %dma_start3A_8 = tpu.memref_slice %arg4[%dma_start3A, %dma_start3A_7] : memref<10240x128xf32, #tpu.memory_space<hbm>> -> memref<10240x128xf32, #tpu.memory_space<hbm>>
      tpu.enqueue_indirect_dma source(%dma_start3A_8 : memref<10240x128xf32, #tpu.memory_space<hbm>>) target(%arg9 : memref<640x128xf32, #tpu.memory_space<vmem>>) offsets(%arg8 : memref<640xi32, #tpu.memory_space<vmem>>) semaphore(%arg11 : memref<!tpu.dma_semaphore, #tpu.memory_space<semaphore_mem>>)
      %dma_wait3A = arith.constant 0 : i32
      %dma_wait3A_9 = arith.constant 0 : i32
      %dma_wait3A_10 = tpu.memref_slice %arg4[%dma_wait3A, %dma_wait3A_9] : memref<10240x128xf32, #tpu.memory_space<hbm>> -> memref<10240x128xf32, #tpu.memory_space<hbm>>
      tpu.wait_indirect_dma semaphore(%arg11 : memref<!tpu.dma_semaphore, #tpu.memory_space<semaphore_mem>>) src(%dma_wait3A_10 : memref<10240x128xf32, #tpu.memory_space<hbm>>) dst(%arg9 : memref<640x128xf32, #tpu.memory_space<vmem>>)
      "tpu.region"() ({
        %run_scoped3A = tpu.sem_alloc : memref<!tpu.dma_semaphore, #tpu.memory_space<semaphore_mem>>
        %dma_start3A_11 = arith.constant 0 : i32
        %dma_start3A_12 = tpu.memref_slice %arg5[%mul3A_6, %dma_start3A_11] : memref<10240x128xf32, #tpu.memory_space<hbm>> -> memref<640x128xf32, #tpu.memory_space<hbm>>
        %dma_start3A_13 = arith.constant 0 : i32
        %dma_start3A_14 = tpu.memref_slice %arg5[%mul3A_6, %dma_start3A_13] : memref<10240x128xf32, #tpu.memory_space<hbm>> -> memref<640x128xf32, #tpu.memory_space<hbm>>
        tpu.enqueue_dma source(%arg9 : memref<640x128xf32, #tpu.memory_space<vmem>>) target(%dma_start3A_14 : memref<640x128xf32, #tpu.memory_space<hbm>>) target_semaphore(%run_scoped3A : memref<!tpu.dma_semaphore, #tpu.memory_space<semaphore_mem>>)
        %dma_wait3A_15 = arith.constant 0 : i32
        %dma_wait3A_16 = tpu.memref_slice %arg5[%mul3A_6, %dma_wait3A_15] : memref<10240x128xf32, #tpu.memory_space<hbm>> -> memref<640x128xf32, #tpu.memory_space<hbm>>
        %dma_wait3A_17 = arith.constant 0 : i32
        %dma_wait3A_18 = tpu.memref_slice %arg5[%mul3A_6, %dma_wait3A_17] : memref<10240x128xf32, #tpu.memory_space<hbm>> -> memref<640x128xf32, #tpu.memory_space<hbm>>
        tpu.wait_dma2 semaphore(%run_scoped3A : memref<!tpu.dma_semaphore, #tpu.memory_space<semaphore_mem>>) src(%arg9 : memref<640x128xf32, #tpu.memory_space<vmem>>) dst(%dma_wait3A_18 : memref<640x128xf32, #tpu.memory_space<hbm>>)
        tpu.yield
      }) : () -> ()
    } else {
    }
    return
  }
}

#map = affine_map<(d0, d1) -> (0, 0)>
#map1 = affine_map<(d0, d1) -> (0)>
module attributes {stable_mosaic.version = 14 : i64} {
  func.func @_sc_rowscat(%arg0: i32, %arg1: i32, %arg2: memref<20480x64xf32, #tpu.memory_space<hbm>>, %arg3: memref<655360xi32, #tpu.memory_space<hbm>>, %arg4: memref<2560x128xi32, #tpu.memory_space<hbm>>, %arg5: memref<20480x64xf32, #tpu.memory_space<hbm>>, %arg6: memref<20480xi32, #tpu.memory_space<vmem>>, %arg7: memref<160x128xi32, #tpu.memory_space<vmem>>, %arg8: memref<256x64xf32, #tpu.memory_space<vmem>>, %arg9: memref<256x64xf32, #tpu.memory_space<vmem>>, %arg10: memref<10240x64xf32, #tpu.memory_space<vmem_shared>>, %arg11: memref<!tpu.dma_semaphore, #tpu.memory_space<semaphore_mem>>, %arg12: memref<!tpu.dma_semaphore, #tpu.memory_space<semaphore_mem>>, %arg13: memref<!tpu.dma_semaphore, #tpu.memory_space<semaphore_mem>>) attributes {dimension_semantics = [#tpu.dimension_semantics<core_parallel>, #tpu.dimension_semantics<subcore_parallel>], iteration_bounds = array<i64: 2, 16>, scalar_prefetch = 0 : i64, scratch_operands = 8 : i64, tpu.core_type = #tpu.core_type<sc_vector_subcore>, window_params = [{transform_indices = #map}, {transform_indices = #map1}, {transform_indices = #map}, {transform_indices = #map}]} {
    %mul3A = arith.constant 10240 : i32
    %mul3A_0 = arith.muli %arg0, %mul3A : i32
    %mul3A_1 = arith.constant 640 : i32
    %mul3A_2 = arith.muli %arg1, %mul3A_1 : i32
    %add3A = arith.addi %mul3A_0, %mul3A_2 : i32
    %mul3A_3 = arith.constant 640 : i32
    %mul3A_4 = arith.muli %arg1, %mul3A_3 : i32
    "tpu.region"() ({
      %run_scoped3A = tpu.sem_alloc : memref<!tpu.dma_semaphore, #tpu.memory_space<semaphore_mem>>
      %dma_start3A_29 = arith.constant 0 : i32
      %dma_start3A_30 = tpu.memref_slice %arg10[%mul3A_4, %dma_start3A_29] : memref<10240x64xf32, #tpu.memory_space<vmem_shared>> -> memref<640x64xf32, #tpu.memory_space<vmem_shared>>
      %dma_start3A_31 = arith.constant 0 : i32
      %dma_start3A_32 = tpu.memref_slice %arg2[%add3A, %dma_start3A_31] : memref<20480x64xf32, #tpu.memory_space<hbm>> -> memref<640x64xf32, #tpu.memory_space<hbm>>
      tpu.enqueue_dma source(%dma_start3A_32 : memref<640x64xf32, #tpu.memory_space<hbm>>) target(%dma_start3A_30 : memref<640x64xf32, #tpu.memory_space<vmem_shared>>) target_semaphore(%run_scoped3A : memref<!tpu.dma_semaphore, #tpu.memory_space<semaphore_mem>>)
      %dma_wait3A = arith.constant 0 : i32
      %dma_wait3A_33 = tpu.memref_slice %arg10[%mul3A_4, %dma_wait3A] : memref<10240x64xf32, #tpu.memory_space<vmem_shared>> -> memref<640x64xf32, #tpu.memory_space<vmem_shared>>
      %dma_wait3A_34 = arith.constant 0 : i32
      %dma_wait3A_35 = tpu.memref_slice %arg2[%add3A, %dma_wait3A_34] : memref<20480x64xf32, #tpu.memory_space<hbm>> -> memref<640x64xf32, #tpu.memory_space<hbm>>
      tpu.wait_dma2 semaphore(%run_scoped3A : memref<!tpu.dma_semaphore, #tpu.memory_space<semaphore_mem>>) src(%dma_wait3A_35 : memref<640x64xf32, #tpu.memory_space<hbm>>) dst(%dma_wait3A_33 : memref<640x64xf32, #tpu.memory_space<vmem_shared>>)
      tpu.yield
    }) : () -> ()
    %mul3A_5 = arith.constant 327680 : i32
    %mul3A_6 = arith.muli %arg0, %mul3A_5 : i32
    %mul3A_7 = arith.constant 20480 : i32
    %mul3A_8 = arith.muli %arg1, %mul3A_7 : i32
    %add3A_9 = arith.addi %mul3A_6, %mul3A_8 : i32
    "tpu.region"() ({
      %run_scoped3A = tpu.sem_alloc : memref<!tpu.dma_semaphore, #tpu.memory_space<semaphore_mem>>
      %dma_start3A_29 = tpu.memref_slice %arg3[%add3A_9] : memref<655360xi32, #tpu.memory_space<hbm>> -> memref<20480xi32, #tpu.memory_space<hbm>>
      %dma_start3A_30 = tpu.memref_slice %arg3[%add3A_9] : memref<655360xi32, #tpu.memory_space<hbm>> -> memref<20480xi32, #tpu.memory_space<hbm>>
      tpu.enqueue_dma source(%dma_start3A_30 : memref<20480xi32, #tpu.memory_space<hbm>>) target(%arg6 : memref<20480xi32, #tpu.memory_space<vmem>>) target_semaphore(%run_scoped3A : memref<!tpu.dma_semaphore, #tpu.memory_space<semaphore_mem>>)
      %dma_wait3A = tpu.memref_slice %arg3[%add3A_9] : memref<655360xi32, #tpu.memory_space<hbm>> -> memref<20480xi32, #tpu.memory_space<hbm>>
      %dma_wait3A_31 = tpu.memref_slice %arg3[%add3A_9] : memref<655360xi32, #tpu.memory_space<hbm>> -> memref<20480xi32, #tpu.memory_space<hbm>>
      tpu.wait_dma2 semaphore(%run_scoped3A : memref<!tpu.dma_semaphore, #tpu.memory_space<semaphore_mem>>) src(%dma_wait3A_31 : memref<20480xi32, #tpu.memory_space<hbm>>) dst(%arg6 : memref<20480xi32, #tpu.memory_space<vmem>>)
      tpu.yield
    }) : () -> ()
    %mul3A_10 = arith.constant 160 : i32
    %mul3A_11 = arith.muli %arg1, %mul3A_10 : i32
    "tpu.region"() ({
      %run_scoped3A = tpu.sem_alloc : memref<!tpu.dma_semaphore, #tpu.memory_space<semaphore_mem>>
      %dma_start3A_29 = arith.constant 0 : i32
      %dma_start3A_30 = tpu.memref_slice %arg4[%mul3A_11, %dma_start3A_29] : memref<2560x128xi32, #tpu.memory_space<hbm>> -> memref<160x128xi32, #tpu.memory_space<hbm>>
      %dma_start3A_31 = arith.constant 0 : i32
      %dma_start3A_32 = tpu.memref_slice %arg4[%mul3A_11, %dma_start3A_31] : memref<2560x128xi32, #tpu.memory_space<hbm>> -> memref<160x128xi32, #tpu.memory_space<hbm>>
      tpu.enqueue_dma source(%dma_start3A_32 : memref<160x128xi32, #tpu.memory_space<hbm>>) target(%arg7 : memref<160x128xi32, #tpu.memory_space<vmem>>) target_semaphore(%run_scoped3A : memref<!tpu.dma_semaphore, #tpu.memory_space<semaphore_mem>>)
      %dma_wait3A = arith.constant 0 : i32
      %dma_wait3A_33 = tpu.memref_slice %arg4[%mul3A_11, %dma_wait3A] : memref<2560x128xi32, #tpu.memory_space<hbm>> -> memref<160x128xi32, #tpu.memory_space<hbm>>
      %dma_wait3A_34 = arith.constant 0 : i32
      %dma_wait3A_35 = tpu.memref_slice %arg4[%mul3A_11, %dma_wait3A_34] : memref<2560x128xi32, #tpu.memory_space<hbm>> -> memref<160x128xi32, #tpu.memory_space<hbm>>
      tpu.wait_dma2 semaphore(%run_scoped3A : memref<!tpu.dma_semaphore, #tpu.memory_space<semaphore_mem>>) src(%dma_wait3A_35 : memref<160x128xi32, #tpu.memory_space<hbm>>) dst(%arg7 : memref<160x128xi32, #tpu.memory_space<vmem>>)
      tpu.yield
    }) : () -> ()
    %barrier3A = arith.constant 0 : index
    tpu.barrier barrier_id(%barrier3A)
    %dma_start3A = arith.constant 0 : i32
    %dma_start3A_12 = tpu.memref_slice %arg6[%dma_start3A] : memref<20480xi32, #tpu.memory_space<vmem>> -> memref<256xi32, #tpu.memory_space<vmem>>
    %dma_start3A_13 = arith.constant 0 : i32
    %dma_start3A_14 = arith.constant 0 : i32
    %dma_start3A_15 = tpu.memref_slice %arg2[%dma_start3A_13, %dma_start3A_14] : memref<20480x64xf32, #tpu.memory_space<hbm>> -> memref<20480x64xf32, #tpu.memory_space<hbm>>
    tpu.enqueue_indirect_dma source(%dma_start3A_15 : memref<20480x64xf32, #tpu.memory_space<hbm>>) target(%arg8 : memref<256x64xf32, #tpu.memory_space<vmem>>) offsets(%dma_start3A_12 : memref<256xi32, #tpu.memory_space<vmem>>) semaphore(%arg11 : memref<!tpu.dma_semaphore, #tpu.memory_space<semaphore_mem>>)
    %scan3A = arith.constant 0 : i32
    %scan3A_16 = arith.constant 0 : i32
    %scan3A_17 = arith.constant 40 : i32
    %scan3A_18 = arith.addi %scan3A_16, %scan3A_17 : i32
    %scan3A_19 = arith.constant 1 : i32
    scf.for %scan3A_29 = %scan3A_16 to %scan3A_18 step %scan3A_19  : i32 {
      %mul3A_30 = arith.constant 2 : i32
      %mul3A_31 = arith.muli %mul3A_30, %scan3A_29 : i32
      %add3A_32 = arith.constant 1 : i32
      %add3A_33 = arith.addi %mul3A_31, %add3A_32 : i32
      %mul3A_34 = arith.constant 256 : i32
      %mul3A_35 = arith.muli %add3A_33, %mul3A_34 : i32
      %dma_start3A_36 = tpu.memref_slice %arg6[%mul3A_35] : memref<20480xi32, #tpu.memory_space<vmem>> -> memref<256xi32, #tpu.memory_space<vmem>>
      %dma_start3A_37 = arith.constant 0 : i32
      %dma_start3A_38 = arith.constant 0 : i32
      %dma_start3A_39 = tpu.memref_slice %arg2[%dma_start3A_37, %dma_start3A_38] : memref<20480x64xf32, #tpu.memory_space<hbm>> -> memref<20480x64xf32, #tpu.memory_space<hbm>>
      tpu.enqueue_indirect_dma source(%dma_start3A_39 : memref<20480x64xf32, #tpu.memory_space<hbm>>) target(%arg9 : memref<256x64xf32, #tpu.memory_space<vmem>>) offsets(%dma_start3A_36 : memref<256xi32, #tpu.memory_space<vmem>>) semaphore(%arg12 : memref<!tpu.dma_semaphore, #tpu.memory_space<semaphore_mem>>)
      %mul3A_40 = arith.constant 256 : i32
      %mul3A_41 = arith.muli %mul3A_31, %mul3A_40 : i32
      %dma_wait3A = tpu.memref_slice %arg6[%mul3A_41] : memref<20480xi32, #tpu.memory_space<vmem>> -> memref<256xi32, #tpu.memory_space<vmem>>
      %dma_wait3A_42 = arith.constant 0 : i32
      %dma_wait3A_43 = arith.constant 0 : i32
      %dma_wait3A_44 = tpu.memref_slice %arg2[%dma_wait3A_42, %dma_wait3A_43] : memref<20480x64xf32, #tpu.memory_space<hbm>> -> memref<20480x64xf32, #tpu.memory_space<hbm>>
      tpu.wait_indirect_dma semaphore(%arg11 : memref<!tpu.dma_semaphore, #tpu.memory_space<semaphore_mem>>) src(%dma_wait3A_44 : memref<20480x64xf32, #tpu.memory_space<hbm>>) dst(%arg8 : memref<256x64xf32, #tpu.memory_space<vmem>>)
      %mul3A_45 = arith.constant 2 : i32
      %mul3A_46 = arith.muli %mul3A_31, %mul3A_45 : i32
      %add3A_47 = arith.constant 0 : i32
      %add3A_48 = arith.addi %mul3A_46, %add3A_47 : i32
      %dma_start3A_49 = arith.constant 0 : i32
      %dma_start3A_50 = arith.constant 0 : i32
      %dma_start3A_51 = tpu.memref_slice %arg8[%dma_start3A_49, %dma_start3A_50] : memref<256x64xf32, #tpu.memory_space<vmem>> -> memref<128x64xf32, #tpu.memory_space<vmem>>
      %dma_start3A_52 = arith.constant 0 : i32
      %dma_start3A_53 = tpu.memref_slice %arg7[%add3A_48, %dma_start3A_52] : memref<160x128xi32, #tpu.memory_space<vmem>> -> memref<1x128xi32, #tpu.memory_space<vmem>>
      %dma_start3A_54 = tpu.memref_squeeze %dma_start3A_53 : memref<1x128xi32, #tpu.memory_space<vmem>> -> memref<128xi32, #tpu.memory_space<vmem>>
      %dma_start3A_55 = arith.constant 0 : i32
      %dma_start3A_56 = arith.constant 0 : i32
      %dma_start3A_57 = tpu.memref_slice %arg10[%dma_start3A_55, %dma_start3A_56] : memref<10240x64xf32, #tpu.memory_space<vmem_shared>> -> memref<10240x64xf32, #tpu.memory_space<vmem_shared>>
      tpu.enqueue_indirect_dma source(%dma_start3A_51 : memref<128x64xf32, #tpu.memory_space<vmem>>) target(%dma_start3A_57 : memref<10240x64xf32, #tpu.memory_space<vmem_shared>>) offsets(%dma_start3A_54 : memref<128xi32, #tpu.memory_space<vmem>>) semaphore(%arg13 : memref<!tpu.dma_semaphore, #tpu.memory_space<semaphore_mem>>) {add = true}
      %mul3A_58 = arith.constant 2 : i32
      %mul3A_59 = arith.muli %mul3A_31, %mul3A_58 : i32
      %add3A_60 = arith.constant 1 : i32
      %add3A_61 = arith.addi %mul3A_59, %add3A_60 : i32
      %dma_start3A_62 = arith.constant 128 : i32
      %dma_start3A_63 = arith.constant 0 : i32
      %dma_start3A_64 = tpu.memref_slice %arg8[%dma_start3A_62, %dma_start3A_63] : memref<256x64xf32, #tpu.memory_space<vmem>> -> memref<128x64xf32, #tpu.memory_space<vmem>>
      %dma_start3A_65 = arith.constant 0 : i32
      %dma_start3A_66 = tpu.memref_slice %arg7[%add3A_61, %dma_start3A_65] : memref<160x128xi32, #tpu.memory_space<vmem>> -> memref<1x128xi32, #tpu.memory_space<vmem>>
      %dma_start3A_67 = tpu.memref_squeeze %dma_start3A_66 : memref<1x128xi32, #tpu.memory_space<vmem>> -> memref<128xi32, #tpu.memory_space<vmem>>
      %dma_start3A_68 = arith.constant 0 : i32
      %dma_start3A_69 = arith.constant 0 : i32
      %dma_start3A_70 = tpu.memref_slice %arg10[%dma_start3A_68, %dma_start3A_69] : memref<10240x64xf32, #tpu.memory_space<vmem_shared>> -> memref<10240x64xf32, #tpu.memory_space<vmem_shared>>
      tpu.enqueue_indirect_dma source(%dma_start3A_64 : memref<128x64xf32, #tpu.memory_space<vmem>>) target(%dma_start3A_70 : memref<10240x64xf32, #tpu.memory_space<vmem_shared>>) offsets(%dma_start3A_67 : memref<128xi32, #tpu.memory_space<vmem>>) semaphore(%arg13 : memref<!tpu.dma_semaphore, #tpu.memory_space<semaphore_mem>>) {add = true}
      %mul3A_71 = arith.constant 2 : i32
      %mul3A_72 = arith.muli %mul3A_31, %mul3A_71 : i32
      %add3A_73 = arith.constant 0 : i32
      %add3A_74 = arith.addi %mul3A_72, %add3A_73 : i32
      %dma_wait3A_75 = arith.constant 0 : i32
      %dma_wait3A_76 = arith.constant 0 : i32
      %dma_wait3A_77 = tpu.memref_slice %arg8[%dma_wait3A_75, %dma_wait3A_76] : memref<256x64xf32, #tpu.memory_space<vmem>> -> memref<128x64xf32, #tpu.memory_space<vmem>>
      %dma_wait3A_78 = arith.constant 0 : i32
      %dma_wait3A_79 = tpu.memref_slice %arg7[%add3A_74, %dma_wait3A_78] : memref<160x128xi32, #tpu.memory_space<vmem>> -> memref<1x128xi32, #tpu.memory_space<vmem>>
      %dma_wait3A_80 = tpu.memref_squeeze %dma_wait3A_79 : memref<1x128xi32, #tpu.memory_space<vmem>> -> memref<128xi32, #tpu.memory_space<vmem>>
      %dma_wait3A_81 = arith.constant 0 : i32
      %dma_wait3A_82 = arith.constant 0 : i32
      %dma_wait3A_83 = tpu.memref_slice %arg10[%dma_wait3A_81, %dma_wait3A_82] : memref<10240x64xf32, #tpu.memory_space<vmem_shared>> -> memref<10240x64xf32, #tpu.memory_space<vmem_shared>>
      tpu.wait_indirect_dma semaphore(%arg13 : memref<!tpu.dma_semaphore, #tpu.memory_space<semaphore_mem>>) src(%dma_wait3A_77 : memref<128x64xf32, #tpu.memory_space<vmem>>) dst(%dma_wait3A_83 : memref<10240x64xf32, #tpu.memory_space<vmem_shared>>)
      %mul3A_84 = arith.constant 2 : i32
      %mul3A_85 = arith.muli %mul3A_31, %mul3A_84 : i32
      %add3A_86 = arith.constant 1 : i32
      %add3A_87 = arith.addi %mul3A_85, %add3A_86 : i32
      %dma_wait3A_88 = arith.constant 128 : i32
      %dma_wait3A_89 = arith.constant 0 : i32
      %dma_wait3A_90 = tpu.memref_slice %arg8[%dma_wait3A_88, %dma_wait3A_89] : memref<256x64xf32, #tpu.memory_space<vmem>> -> memref<128x64xf32, #tpu.memory_space<vmem>>
      %dma_wait3A_91 = arith.constant 0 : i32
      %dma_wait3A_92 = tpu.memref_slice %arg7[%add3A_87, %dma_wait3A_91] : memref<160x128xi32, #tpu.memory_space<vmem>> -> memref<1x128xi32, #tpu.memory_space<vmem>>
      %dma_wait3A_93 = tpu.memref_squeeze %dma_wait3A_92 : memref<1x128xi32, #tpu.memory_space<vmem>> -> memref<128xi32, #tpu.memory_space<vmem>>
      %dma_wait3A_94 = arith.constant 0 : i32
      %dma_wait3A_95 = arith.constant 0 : i32
      %dma_wait3A_96 = tpu.memref_slice %arg10[%dma_wait3A_94, %dma_wait3A_95] : memref<10240x64xf32, #tpu.memory_space<vmem_shared>> -> memref<10240x64xf32, #tpu.memory_space<vmem_shared>>
      tpu.wait_indirect_dma semaphore(%arg13 : memref<!tpu.dma_semaphore, #tpu.memory_space<semaphore_mem>>) src(%dma_wait3A_90 : memref<128x64xf32, #tpu.memory_space<vmem>>) dst(%dma_wait3A_96 : memref<10240x64xf32, #tpu.memory_space<vmem_shared>>)
      %add3A_97 = arith.constant 2 : i32
      %add3A_98 = arith.addi %mul3A_31, %add3A_97 : i32
      %lt3A = arith.constant 80 : i32
      %lt3A_99 = arith.cmpi slt, %add3A_98, %lt3A : i32
      %convert_element_type3A = arith.extui %lt3A_99 : i1 to i32
      %cond3A = arith.constant 0 : i32
      %cond3A_100 = arith.cmpi ne, %convert_element_type3A, %cond3A : i32
      scf.if %cond3A_100 {
        %add3A_163 = arith.constant 2 : i32
        %add3A_164 = arith.addi %mul3A_31, %add3A_163 : i32
        %mul3A_165 = arith.constant 256 : i32
        %mul3A_166 = arith.muli %add3A_164, %mul3A_165 : i32
        %dma_start3A_167 = tpu.memref_slice %arg6[%mul3A_166] : memref<20480xi32, #tpu.memory_space<vmem>> -> memref<256xi32, #tpu.memory_space<vmem>>
        %dma_start3A_168 = arith.constant 0 : i32
        %dma_start3A_169 = arith.constant 0 : i32
        %dma_start3A_170 = tpu.memref_slice %arg2[%dma_start3A_168, %dma_start3A_169] : memref<20480x64xf32, #tpu.memory_space<hbm>> -> memref<20480x64xf32, #tpu.memory_space<hbm>>
        tpu.enqueue_indirect_dma source(%dma_start3A_170 : memref<20480x64xf32, #tpu.memory_space<hbm>>) target(%arg8 : memref<256x64xf32, #tpu.memory_space<vmem>>) offsets(%dma_start3A_167 : memref<256xi32, #tpu.memory_space<vmem>>) semaphore(%arg11 : memref<!tpu.dma_semaphore, #tpu.memory_space<semaphore_mem>>)
      } else {
      }
      %add3A_101 = arith.constant 1 : i32
      %add3A_102 = arith.addi %mul3A_31, %add3A_101 : i32
      %mul3A_103 = arith.constant 256 : i32
      %mul3A_104 = arith.muli %add3A_102, %mul3A_103 : i32
      %dma_wait3A_105 = tpu.memref_slice %arg6[%mul3A_104] : memref<20480xi32, #tpu.memory_space<vmem>> -> memref<256xi32, #tpu.memory_space<vmem>>
      %dma_wait3A_106 = arith.constant 0 : i32
      %dma_wait3A_107 = arith.constant 0 : i32
      %dma_wait3A_108 = tpu.memref_slice %arg2[%dma_wait3A_106, %dma_wait3A_107] : memref<20480x64xf32, #tpu.memory_space<hbm>> -> memref<20480x64xf32, #tpu.memory_space<hbm>>
      tpu.wait_indirect_dma semaphore(%arg12 : memref<!tpu.dma_semaphore, #tpu.memory_space<semaphore_mem>>) src(%dma_wait3A_108 : memref<20480x64xf32, #tpu.memory_space<hbm>>) dst(%arg9 : memref<256x64xf32, #tpu.memory_space<vmem>>)
      %add3A_109 = arith.constant 1 : i32
      %add3A_110 = arith.addi %mul3A_31, %add3A_109 : i32
      %mul3A_111 = arith.constant 2 : i32
      %mul3A_112 = arith.muli %add3A_110, %mul3A_111 : i32
      %add3A_113 = arith.constant 0 : i32
      %add3A_114 = arith.addi %mul3A_112, %add3A_113 : i32
      %dma_start3A_115 = arith.constant 0 : i32
      %dma_start3A_116 = arith.constant 0 : i32
      %dma_start3A_117 = tpu.memref_slice %arg9[%dma_start3A_115, %dma_start3A_116] : memref<256x64xf32, #tpu.memory_space<vmem>> -> memref<128x64xf32, #tpu.memory_space<vmem>>
      %dma_start3A_118 = arith.constant 0 : i32
      %dma_start3A_119 = tpu.memref_slice %arg7[%add3A_114, %dma_start3A_118] : memref<160x128xi32, #tpu.memory_space<vmem>> -> memref<1x128xi32, #tpu.memory_space<vmem>>
      %dma_start3A_120 = tpu.memref_squeeze %dma_start3A_119 : memref<1x128xi32, #tpu.memory_space<vmem>> -> memref<128xi32, #tpu.memory_space<vmem>>
      %dma_start3A_121 = arith.constant 0 : i32
      %dma_start3A_122 = arith.constant 0 : i32
      %dma_start3A_123 = tpu.memref_slice %arg10[%dma_start3A_121, %dma_start3A_122] : memref<10240x64xf32, #tpu.memory_space<vmem_shared>> -> memref<10240x64xf32, #tpu.memory_space<vmem_shared>>
      tpu.enqueue_indirect_dma source(%dma_start3A_117 : memref<128x64xf32, #tpu.memory_space<vmem>>) target(%dma_start3A_123 : memref<10240x64xf32, #tpu.memory_space<vmem_shared>>) offsets(%dma_start3A_120 : memref<128xi32, #tpu.memory_space<vmem>>) semaphore(%arg13 : memref<!tpu.dma_semaphore, #tpu.memory_space<semaphore_mem>>) {add = true}
      %mul3A_124 = arith.constant 2 : i32
      %mul3A_125 = arith.muli %add3A_110, %mul3A_124 : i32
      %add3A_126 = arith.constant 1 : i32
      %add3A_127 = arith.addi %mul3A_125, %add3A_126 : i32
      %dma_start3A_128 = arith.constant 128 : i32
      %dma_start3A_129 = arith.constant 0 : i32
      %dma_start3A_130 = tpu.memref_slice %arg9[%dma_start3A_128, %dma_start3A_129] : memref<256x64xf32, #tpu.memory_space<vmem>> -> memref<128x64xf32, #tpu.memory_space<vmem>>
      %dma_start3A_131 = arith.constant 0 : i32
      %dma_start3A_132 = tpu.memref_slice %arg7[%add3A_127, %dma_start3A_131] : memref<160x128xi32, #tpu.memory_space<vmem>> -> memref<1x128xi32, #tpu.memory_space<vmem>>
      %dma_start3A_133 = tpu.memref_squeeze %dma_start3A_132 : memref<1x128xi32, #tpu.memory_space<vmem>> -> memref<128xi32, #tpu.memory_space<vmem>>
      %dma_start3A_134 = arith.constant 0 : i32
      %dma_start3A_135 = arith.constant 0 : i32
      %dma_start3A_136 = tpu.memref_slice %arg10[%dma_start3A_134, %dma_start3A_135] : memref<10240x64xf32, #tpu.memory_space<vmem_shared>> -> memref<10240x64xf32, #tpu.memory_space<vmem_shared>>
      tpu.enqueue_indirect_dma source(%dma_start3A_130 : memref<128x64xf32, #tpu.memory_space<vmem>>) target(%dma_start3A_136 : memref<10240x64xf32, #tpu.memory_space<vmem_shared>>) offsets(%dma_start3A_133 : memref<128xi32, #tpu.memory_space<vmem>>) semaphore(%arg13 : memref<!tpu.dma_semaphore, #tpu.memory_space<semaphore_mem>>) {add = true}
      %mul3A_137 = arith.constant 2 : i32
      %mul3A_138 = arith.muli %add3A_110, %mul3A_137 : i32
      %add3A_139 = arith.constant 0 : i32
      %add3A_140 = arith.addi %mul3A_138, %add3A_139 : i32
      %dma_wait3A_141 = arith.constant 0 : i32
      %dma_wait3A_142 = arith.constant 0 : i32
      %dma_wait3A_143 = tpu.memref_slice %arg9[%dma_wait3A_141, %dma_wait3A_142] : memref<256x64xf32, #tpu.memory_space<vmem>> -> memref<128x64xf32, #tpu.memory_space<vmem>>
      %dma_wait3A_144 = arith.constant 0 : i32
      %dma_wait3A_145 = tpu.memref_slice %arg7[%add3A_140, %dma_wait3A_144] : memref<160x128xi32, #tpu.memory_space<vmem>> -> memref<1x128xi32, #tpu.memory_space<vmem>>
      %dma_wait3A_146 = tpu.memref_squeeze %dma_wait3A_145 : memref<1x128xi32, #tpu.memory_space<vmem>> -> memref<128xi32, #tpu.memory_space<vmem>>
      %dma_wait3A_147 = arith.constant 0 : i32
      %dma_wait3A_148 = arith.constant 0 : i32
      %dma_wait3A_149 = tpu.memref_slice %arg10[%dma_wait3A_147, %dma_wait3A_148] : memref<10240x64xf32, #tpu.memory_space<vmem_shared>> -> memref<10240x64xf32, #tpu.memory_space<vmem_shared>>
      tpu.wait_indirect_dma semaphore(%arg13 : memref<!tpu.dma_semaphore, #tpu.memory_space<semaphore_mem>>) src(%dma_wait3A_143 : memref<128x64xf32, #tpu.memory_space<vmem>>) dst(%dma_wait3A_149 : memref<10240x64xf32, #tpu.memory_space<vmem_shared>>)
      %mul3A_150 = arith.constant 2 : i32
      %mul3A_151 = arith.muli %add3A_110, %mul3A_150 : i32
      %add3A_152 = arith.constant 1 : i32
      %add3A_153 = arith.addi %mul3A_151, %add3A_152 : i32
      %dma_wait3A_154 = arith.constant 128 : i32
      %dma_wait3A_155 = arith.constant 0 : i32
      %dma_wait3A_156 = tpu.memref_slice %arg9[%dma_wait3A_154, %dma_wait3A_155] : memref<256x64xf32, #tpu.memory_space<vmem>> -> memref<128x64xf32, #tpu.memory_space<vmem>>
      %dma_wait3A_157 = arith.constant 0 : i32
      %dma_wait3A_158 = tpu.memref_slice %arg7[%add3A_153, %dma_wait3A_157] : memref<160x128xi32, #tpu.memory_space<vmem>> -> memref<1x128xi32, #tpu.memory_space<vmem>>
      %dma_wait3A_159 = tpu.memref_squeeze %dma_wait3A_158 : memref<1x128xi32, #tpu.memory_space<vmem>> -> memref<128xi32, #tpu.memory_space<vmem>>
      %dma_wait3A_160 = arith.constant 0 : i32
      %dma_wait3A_161 = arith.constant 0 : i32
      %dma_wait3A_162 = tpu.memref_slice %arg10[%dma_wait3A_160, %dma_wait3A_161] : memref<10240x64xf32, #tpu.memory_space<vmem_shared>> -> memref<10240x64xf32, #tpu.memory_space<vmem_shared>>
      tpu.wait_indirect_dma semaphore(%arg13 : memref<!tpu.dma_semaphore, #tpu.memory_space<semaphore_mem>>) src(%dma_wait3A_156 : memref<128x64xf32, #tpu.memory_space<vmem>>) dst(%dma_wait3A_162 : memref<10240x64xf32, #tpu.memory_space<vmem_shared>>)
    }
    %scan3A_20 = arith.constant 40 : i32
    %barrier3A_21 = arith.constant 0 : index
    tpu.barrier barrier_id(%barrier3A_21)
    %mul3A_22 = arith.constant 640 : i32
    %mul3A_23 = arith.muli %arg1, %mul3A_22 : i32
    %mul3A_24 = arith.constant 10240 : i32
    %mul3A_25 = arith.muli %arg0, %mul3A_24 : i32
    %mul3A_26 = arith.constant 640 : i32
    %mul3A_27 = arith.muli %arg1, %mul3A_26 : i32
    %add3A_28 = arith.addi %mul3A_25, %mul3A_27 : i32
    "tpu.region"() ({
      %run_scoped3A = tpu.sem_alloc : memref<!tpu.dma_semaphore, #tpu.memory_space<semaphore_mem>>
      %dma_start3A_29 = arith.constant 0 : i32
      %dma_start3A_30 = tpu.memref_slice %arg5[%add3A_28, %dma_start3A_29] : memref<20480x64xf32, #tpu.memory_space<hbm>> -> memref<640x64xf32, #tpu.memory_space<hbm>>
      %dma_start3A_31 = arith.constant 0 : i32
      %dma_start3A_32 = tpu.memref_slice %arg10[%mul3A_23, %dma_start3A_31] : memref<10240x64xf32, #tpu.memory_space<vmem_shared>> -> memref<640x64xf32, #tpu.memory_space<vmem_shared>>
      tpu.enqueue_dma source(%dma_start3A_32 : memref<640x64xf32, #tpu.memory_space<vmem_shared>>) target(%dma_start3A_30 : memref<640x64xf32, #tpu.memory_space<hbm>>) target_semaphore(%run_scoped3A : memref<!tpu.dma_semaphore, #tpu.memory_space<semaphore_mem>>)
      %dma_wait3A = arith.constant 0 : i32
      %dma_wait3A_33 = tpu.memref_slice %arg5[%add3A_28, %dma_wait3A] : memref<20480x64xf32, #tpu.memory_space<hbm>> -> memref<640x64xf32, #tpu.memory_space<hbm>>
      %dma_wait3A_34 = arith.constant 0 : i32
      %dma_wait3A_35 = tpu.memref_slice %arg10[%mul3A_23, %dma_wait3A_34] : memref<10240x64xf32, #tpu.memory_space<vmem_shared>> -> memref<640x64xf32, #tpu.memory_space<vmem_shared>>
      tpu.wait_dma2 semaphore(%run_scoped3A : memref<!tpu.dma_semaphore, #tpu.memory_space<semaphore_mem>>) src(%dma_wait3A_35 : memref<640x64xf32, #tpu.memory_space<vmem_shared>>) dst(%dma_wait3A_33 : memref<640x64xf32, #tpu.memory_space<hbm>>)
      tpu.yield
    }) : () -> ()
    return
  }
}

#map = affine_map<(d0, d1) -> (0, 0)>
#map1 = affine_map<(d0, d1) -> (0)>
module attributes {stable_mosaic.version = 14 : i64} {
  func.func @_sc_pgather(%arg0: i32, %arg1: i32, %arg2: memref<10240x128xf32, #tpu.memory_space<hbm>>, %arg3: memref<10240xi32, #tpu.memory_space<hbm>>, %arg4: memref<10240x128xf32, #tpu.memory_space<hbm>>, %arg5: memref<640xi32, #tpu.memory_space<vmem>>, %arg6: memref<640x128xf32, #tpu.memory_space<vmem>>, %arg7: memref<!tpu.dma_semaphore, #tpu.memory_space<semaphore_mem>>) attributes {dimension_semantics = [#tpu.dimension_semantics<core_parallel>, #tpu.dimension_semantics<subcore_parallel>], iteration_bounds = array<i64: 2, 16>, scalar_prefetch = 0 : i64, scratch_operands = 3 : i64, tpu.core_type = #tpu.core_type<sc_vector_subcore>, window_params = [{transform_indices = #map}, {transform_indices = #map1}, {transform_indices = #map}]} {
    %eq3A = arith.constant 0 : i32
    %eq3A_0 = arith.cmpi eq, %arg0, %eq3A : i32
    %convert_element_type3A = arith.extui %eq3A_0 : i1 to i32
    %cond3A = arith.constant 0 : i32
    %cond3A_1 = arith.cmpi ne, %convert_element_type3A, %cond3A : i32
    scf.if %cond3A_1 {
      %mul3A = arith.constant 640 : i32
      %mul3A_2 = arith.muli %arg1, %mul3A : i32
      "tpu.region"() ({
        %run_scoped3A = tpu.sem_alloc : memref<!tpu.dma_semaphore, #tpu.memory_space<semaphore_mem>>
        %dma_start3A_7 = tpu.memref_slice %arg3[%mul3A_2] : memref<10240xi32, #tpu.memory_space<hbm>> -> memref<640xi32, #tpu.memory_space<hbm>>
        %dma_start3A_8 = tpu.memref_slice %arg3[%mul3A_2] : memref<10240xi32, #tpu.memory_space<hbm>> -> memref<640xi32, #tpu.memory_space<hbm>>
        tpu.enqueue_dma source(%dma_start3A_8 : memref<640xi32, #tpu.memory_space<hbm>>) target(%arg5 : memref<640xi32, #tpu.memory_space<vmem>>) target_semaphore(%run_scoped3A : memref<!tpu.dma_semaphore, #tpu.memory_space<semaphore_mem>>)
        %dma_wait3A_9 = tpu.memref_slice %arg3[%mul3A_2] : memref<10240xi32, #tpu.memory_space<hbm>> -> memref<640xi32, #tpu.memory_space<hbm>>
        %dma_wait3A_10 = tpu.memref_slice %arg3[%mul3A_2] : memref<10240xi32, #tpu.memory_space<hbm>> -> memref<640xi32, #tpu.memory_space<hbm>>
        tpu.wait_dma2 semaphore(%run_scoped3A : memref<!tpu.dma_semaphore, #tpu.memory_space<semaphore_mem>>) src(%dma_wait3A_10 : memref<640xi32, #tpu.memory_space<hbm>>) dst(%arg5 : memref<640xi32, #tpu.memory_space<vmem>>)
        tpu.yield
      }) : () -> ()
      %dma_start3A = arith.constant 0 : i32
      %dma_start3A_3 = arith.constant 0 : i32
      %dma_start3A_4 = tpu.memref_slice %arg2[%dma_start3A, %dma_start3A_3] : memref<10240x128xf32, #tpu.memory_space<hbm>> -> memref<10240x128xf32, #tpu.memory_space<hbm>>
      tpu.enqueue_indirect_dma source(%dma_start3A_4 : memref<10240x128xf32, #tpu.memory_space<hbm>>) target(%arg6 : memref<640x128xf32, #tpu.memory_space<vmem>>) offsets(%arg5 : memref<640xi32, #tpu.memory_space<vmem>>) semaphore(%arg7 : memref<!tpu.dma_semaphore, #tpu.memory_space<semaphore_mem>>)
      %dma_wait3A = arith.constant 0 : i32
      %dma_wait3A_5 = arith.constant 0 : i32
      %dma_wait3A_6 = tpu.memref_slice %arg2[%dma_wait3A, %dma_wait3A_5] : memref<10240x128xf32, #tpu.memory_space<hbm>> -> memref<10240x128xf32, #tpu.memory_space<hbm>>
      tpu.wait_indirect_dma semaphore(%arg7 : memref<!tpu.dma_semaphore, #tpu.memory_space<semaphore_mem>>) src(%dma_wait3A_6 : memref<10240x128xf32, #tpu.memory_space<hbm>>) dst(%arg6 : memref<640x128xf32, #tpu.memory_space<vmem>>)
      "tpu.region"() ({
        %run_scoped3A = tpu.sem_alloc : memref<!tpu.dma_semaphore, #tpu.memory_space<semaphore_mem>>
        %dma_start3A_7 = arith.constant 0 : i32
        %dma_start3A_8 = tpu.memref_slice %arg4[%mul3A_2, %dma_start3A_7] : memref<10240x128xf32, #tpu.memory_space<hbm>> -> memref<640x128xf32, #tpu.memory_space<hbm>>
        %dma_start3A_9 = arith.constant 0 : i32
        %dma_start3A_10 = tpu.memref_slice %arg4[%mul3A_2, %dma_start3A_9] : memref<10240x128xf32, #tpu.memory_space<hbm>> -> memref<640x128xf32, #tpu.memory_space<hbm>>
        tpu.enqueue_dma source(%arg6 : memref<640x128xf32, #tpu.memory_space<vmem>>) target(%dma_start3A_10 : memref<640x128xf32, #tpu.memory_space<hbm>>) target_semaphore(%run_scoped3A : memref<!tpu.dma_semaphore, #tpu.memory_space<semaphore_mem>>)
        %dma_wait3A_11 = arith.constant 0 : i32
        %dma_wait3A_12 = tpu.memref_slice %arg4[%mul3A_2, %dma_wait3A_11] : memref<10240x128xf32, #tpu.memory_space<hbm>> -> memref<640x128xf32, #tpu.memory_space<hbm>>
        %dma_wait3A_13 = arith.constant 0 : i32
        %dma_wait3A_14 = tpu.memref_slice %arg4[%mul3A_2, %dma_wait3A_13] : memref<10240x128xf32, #tpu.memory_space<hbm>> -> memref<640x128xf32, #tpu.memory_space<hbm>>
        tpu.wait_dma2 semaphore(%run_scoped3A : memref<!tpu.dma_semaphore, #tpu.memory_space<semaphore_mem>>) src(%arg6 : memref<640x128xf32, #tpu.memory_space<vmem>>) dst(%dma_wait3A_14 : memref<640x128xf32, #tpu.memory_space<hbm>>)
        tpu.yield
      }) : () -> ()
    } else {
    }
    return
  }
}

module attributes {stable_mosaic.version = 14 : i64} {
  func.func @_tc_y0_body(%arg0: i32, %arg1: memref<2048x128xf32, #tpu.memory_space<vmem>>, %arg2: memref<2048x2xf32, #tpu.memory_space<vmem>>, %arg3: memref<128x128xf32, #tpu.memory_space<vmem>>, %arg4: memref<2x2048x64xf32, #tpu.memory_space<vmem>>) attributes {dimension_semantics = [#tpu.dimension_semantics<arbitrary>], iteration_bounds = array<i64: 5>, scalar_prefetch = 0 : i64, scratch_operands = 0 : i64, tpu.core_type = #tpu.core_type<tc>, window_params = [{transform_indices = @transform_0, window_bounds = array<i64: 2048, 128>}, {transform_indices = @transform_1, window_bounds = array<i64: 2048, 2>}, {pipeline_mode = #tpu.pipeline_mode<synchronous>, transform_indices = @transform_2, window_bounds = array<i64: 128, 128>}, {transform_indices = @transform_3, window_bounds = array<i64: 2, 2048, 64>}]} {
    %get3A = arith.constant 0 : index
    %get3A_0 = arith.constant 0 : index
    %get3A_1 = vector.load %arg2[%get3A, %get3A_0] : memref<2048x2xf32, #tpu.memory_space<vmem>>, vector<2048x2xf32>
    %slice3A = vector.extract_strided_slice %get3A_1 {offsets = [0, 0], sizes = [2048, 1], strides = [1, 1]} : vector<2048x2xf32> to vector<2048x1xf32>
    %squeeze3A = vector.shape_cast %slice3A : vector<2048x1xf32> to vector<2048xf32>
    %slice3A_2 = vector.extract_strided_slice %get3A_1 {offsets = [0, 1], sizes = [2048, 1], strides = [1, 1]} : vector<2048x2xf32> to vector<2048x1xf32>
    %squeeze3A_3 = vector.shape_cast %slice3A_2 : vector<2048x1xf32> to vector<2048xf32>
    %add3A = arith.addf %squeeze3A, %squeeze3A_3 : vector<2048xf32>
    %rsqrt3A = math.rsqrt %add3A : vector<2048xf32>
    %broadcast_in_dim3A = vector.shape_cast %rsqrt3A : vector<2048xf32> to vector<2048x1xf32>
    %get3A_4 = arith.constant 0 : index
    %get3A_5 = arith.constant 0 : index
    %get3A_6 = vector.load %arg1[%get3A_4, %get3A_5] : memref<2048x128xf32, #tpu.memory_space<vmem>>, vector<2048x128xf32>
    %get3A_7 = arith.constant 0 : index
    %get3A_8 = arith.constant 0 : index
    %get3A_9 = vector.load %arg3[%get3A_7, %get3A_8] : memref<128x128xf32, #tpu.memory_space<vmem>>, vector<128x128xf32>
    %dot_general3A = arith.constant dense<0.000000e+00> : vector<2048x128xf32>
    %dot_general3A_10 = tpu.matmul %get3A_6, %get3A_9, %dot_general3A {dimension_numbers = #tpu.dot_dimension_numbers<[1], [0], [0], [1], [0, 0, 1, 1], [], []>, transpose_lhs_hint = false} : vector<2048x128xf32>, vector<128x128xf32>, vector<2048x128xf32> -> vector<2048x128xf32>
    %mul3A = vector.broadcast %broadcast_in_dim3A : vector<2048x1xf32> to vector<2048x128xf32>
    %mul3A_11 = arith.mulf %dot_general3A_10, %mul3A : vector<2048x128xf32>
    %slice3A_12 = vector.extract_strided_slice %mul3A_11 {offsets = [0, 0], sizes = [2048, 64], strides = [1, 1]} : vector<2048x128xf32> to vector<2048x64xf32>
    %swap3A = arith.constant 0 : index
    %swap3A_13 = arith.constant 0 : index
    %swap3A_14 = arith.constant 0 : index
    %swap3A_15 = vector.load %arg4[%swap3A, %swap3A_13, %swap3A_14] : memref<2x2048x64xf32, #tpu.memory_space<vmem>>, vector<1x2048x64xf32>
    %swap3A_16 = vector.shape_cast %swap3A_15 : vector<1x2048x64xf32> to vector<2048x64xf32>
    %swap3A_17 = vector.shape_cast %slice3A_12 : vector<2048x64xf32> to vector<1x2048x64xf32>
    tpu.vector_store %arg4[%swap3A, %swap3A_13, %swap3A_14], %swap3A_17 {strides = array<i32>} : memref<2x2048x64xf32, #tpu.memory_space<vmem>>, vector<1x2048x64xf32>,
    %slice3A_18 = vector.extract_strided_slice %mul3A_11 {offsets = [0, 64], sizes = [2048, 64], strides = [1, 1]} : vector<2048x128xf32> to vector<2048x64xf32>
    %swap3A_19 = arith.constant 1 : index
    %swap3A_20 = arith.constant 0 : index
    %swap3A_21 = arith.constant 0 : index
    %swap3A_22 = vector.load %arg4[%swap3A_19, %swap3A_20, %swap3A_21] : memref<2x2048x64xf32, #tpu.memory_space<vmem>>, vector<1x2048x64xf32>
    %swap3A_23 = vector.shape_cast %swap3A_22 : vector<1x2048x64xf32> to vector<2048x64xf32>
    %swap3A_24 = vector.shape_cast %slice3A_18 : vector<2048x64xf32> to vector<1x2048x64xf32>
    tpu.vector_store %arg4[%swap3A_19, %swap3A_20, %swap3A_21], %swap3A_24 {strides = array<i32>} : memref<2x2048x64xf32, #tpu.memory_space<vmem>>, vector<1x2048x64xf32>,
    return
  }
  func.func @transform_0(%arg0: i32) -> (i32, i32) {
    %c0_i32 = arith.constant 0 : i32
    %c0_i32_0 = arith.constant 0 : i32
    return %arg0, %c0_i32 : i32, i32
  }
  func.func @transform_1(%arg0: i32) -> (i32, i32) {
    %c0_i32 = arith.constant 0 : i32
    %c0_i32_0 = arith.constant 0 : i32
    return %arg0, %c0_i32 : i32, i32
  }
  func.func @transform_2(%arg0: i32) -> (i32, i32) {
    %c0_i32 = arith.constant 0 : i32
    %c0_i32_0 = arith.constant 0 : i32
    %c0_i32_1 = arith.constant 0 : i32
    return %c0_i32, %c0_i32_0 : i32, i32
  }
  func.func @transform_3(%arg0: i32) -> (i32, i32, i32) {
    %c0_i32 = arith.constant 0 : i32
    %c0_i32_0 = arith.constant 0 : i32
    %c0_i32_1 = arith.constant 0 : i32
    return %c0_i32, %arg0, %c0_i32_0 : i32, i32, i32
  }
}

module attributes {stable_mosaic.version = 14 : i64} {
  func.func @_tc_mid_body(%arg0: i32, %arg1: memref<2x2048x64xf32, #tpu.memory_space<vmem>>, %arg2: memref<2048x2xf32, #tpu.memory_space<vmem>>, %arg3: memref<128xf32, #tpu.memory_space<vmem>>, %arg4: memref<128x128xf32, #tpu.memory_space<vmem>>, %arg5: memref<2x2048x64xf32, #tpu.memory_space<vmem>>) attributes {dimension_semantics = [#tpu.dimension_semantics<arbitrary>], iteration_bounds = array<i64: 5>, scalar_prefetch = 0 : i64, scratch_operands = 0 : i64, tpu.core_type = #tpu.core_type<tc>, window_params = [{transform_indices = @transform_0, window_bounds = array<i64: 2, 2048, 64>}, {transform_indices = @transform_1, window_bounds = array<i64: 2048, 2>}, {pipeline_mode = #tpu.pipeline_mode<synchronous>, transform_indices = @transform_2, window_bounds = array<i64: 128>}, {pipeline_mode = #tpu.pipeline_mode<synchronous>, transform_indices = @transform_3, window_bounds = array<i64: 128, 128>}, {transform_indices = @transform_4, window_bounds = array<i64: 2, 2048, 64>}]} {
    %get3A = arith.constant 0 : index
    %get3A_0 = arith.constant 0 : index
    %get3A_1 = vector.load %arg2[%get3A, %get3A_0] : memref<2048x2xf32, #tpu.memory_space<vmem>>, vector<2048x2xf32>
    %slice3A = vector.extract_strided_slice %get3A_1 {offsets = [0, 0], sizes = [2048, 1], strides = [1, 1]} : vector<2048x2xf32> to vector<2048x1xf32>
    %squeeze3A = vector.shape_cast %slice3A : vector<2048x1xf32> to vector<2048xf32>
    %slice3A_2 = vector.extract_strided_slice %get3A_1 {offsets = [0, 1], sizes = [2048, 1], strides = [1, 1]} : vector<2048x2xf32> to vector<2048x1xf32>
    %squeeze3A_3 = vector.shape_cast %slice3A_2 : vector<2048x1xf32> to vector<2048xf32>
    %add3A = arith.addf %squeeze3A, %squeeze3A_3 : vector<2048xf32>
    %rsqrt3A = math.rsqrt %add3A : vector<2048xf32>
    %broadcast_in_dim3A = vector.shape_cast %rsqrt3A : vector<2048xf32> to vector<2048x1xf32>
    %get3A_4 = arith.constant 0 : index
    %get3A_5 = arith.constant 0 : index
    %get3A_6 = arith.constant 0 : index
    %get3A_7 = vector.load %arg1[%get3A_4, %get3A_5, %get3A_6] : memref<2x2048x64xf32, #tpu.memory_space<vmem>>, vector<1x2048x64xf32>
    %get3A_8 = vector.shape_cast %get3A_7 : vector<1x2048x64xf32> to vector<2048x64xf32>
    %get3A_9 = arith.constant 1 : index
    %get3A_10 = arith.constant 0 : index
    %get3A_11 = arith.constant 0 : index
    %get3A_12 = vector.load %arg1[%get3A_9, %get3A_10, %get3A_11] : memref<2x2048x64xf32, #tpu.memory_space<vmem>>, vector<1x2048x64xf32>
    %get3A_13 = vector.shape_cast %get3A_12 : vector<1x2048x64xf32> to vector<2048x64xf32>
    %concatenate3A = tpu.concatenate %get3A_8, %get3A_13 in 1 : vector<2048x64xf32>, vector<2048x64xf32> -> vector<2048x128xf32>
    %mul3A = vector.broadcast %broadcast_in_dim3A : vector<2048x1xf32> to vector<2048x128xf32>
    %mul3A_14 = arith.mulf %mul3A, %concatenate3A : vector<2048x128xf32>
    %get3A_15 = arith.constant 0 : index
    %get3A_16 = vector.load %arg3[%get3A_15] : memref<128xf32, #tpu.memory_space<vmem>>, vector<128xf32>
    %broadcast_in_dim3A_17 = vector.shape_cast %get3A_16 : vector<128xf32> to vector<1x128xf32>
    %add3A_18 = vector.broadcast %broadcast_in_dim3A_17 : vector<1x128xf32> to vector<2048x128xf32>
    %add3A_19 = arith.addf %mul3A_14, %add3A_18 : vector<2048x128xf32>
    %max3A = arith.constant 0.000000e+00 : f32
    %max3A_20 = vector.broadcast %max3A : f32 to vector<2048x128xf32>
    %max3A_21 = arith.maximumf %add3A_19, %max3A_20 : vector<2048x128xf32>
    %get3A_22 = arith.constant 0 : index
    %get3A_23 = arith.constant 0 : index
    %get3A_24 = vector.load %arg4[%get3A_22, %get3A_23] : memref<128x128xf32, #tpu.memory_space<vmem>>, vector<128x128xf32>
    %dot_general3A = arith.constant dense<0.000000e+00> : vector<2048x128xf32>
    %dot_general3A_25 = tpu.matmul %max3A_21, %get3A_24, %dot_general3A {dimension_numbers = #tpu.dot_dimension_numbers<[1], [0], [0], [1], [0, 0, 1, 1], [], []>, transpose_lhs_hint = false} : vector<2048x128xf32>, vector<128x128xf32>, vector<2048x128xf32> -> vector<2048x128xf32>
    %mul3A_26 = vector.broadcast %broadcast_in_dim3A : vector<2048x1xf32> to vector<2048x128xf32>
    %mul3A_27 = arith.mulf %dot_general3A_25, %mul3A_26 : vector<2048x128xf32>
    %slice3A_28 = vector.extract_strided_slice %mul3A_27 {offsets = [0, 0], sizes = [2048, 64], strides = [1, 1]} : vector<2048x128xf32> to vector<2048x64xf32>
    %swap3A = arith.constant 0 : index
    %swap3A_29 = arith.constant 0 : index
    %swap3A_30 = arith.constant 0 : index
    %swap3A_31 = vector.load %arg5[%swap3A, %swap3A_29, %swap3A_30] : memref<2x2048x64xf32, #tpu.memory_space<vmem>>, vector<1x2048x64xf32>
    %swap3A_32 = vector.shape_cast %swap3A_31 : vector<1x2048x64xf32> to vector<2048x64xf32>
    %swap3A_33 = vector.shape_cast %slice3A_28 : vector<2048x64xf32> to vector<1x2048x64xf32>
    tpu.vector_store %arg5[%swap3A, %swap3A_29, %swap3A_30], %swap3A_33 {strides = array<i32>} : memref<2x2048x64xf32, #tpu.memory_space<vmem>>, vector<1x2048x64xf32>,
    %slice3A_34 = vector.extract_strided_slice %mul3A_27 {offsets = [0, 64], sizes = [2048, 64], strides = [1, 1]} : vector<2048x128xf32> to vector<2048x64xf32>
    %swap3A_35 = arith.constant 1 : index
    %swap3A_36 = arith.constant 0 : index
    %swap3A_37 = arith.constant 0 : index
    %swap3A_38 = vector.load %arg5[%swap3A_35, %swap3A_36, %swap3A_37] : memref<2x2048x64xf32, #tpu.memory_space<vmem>>, vector<1x2048x64xf32>
    %swap3A_39 = vector.shape_cast %swap3A_38 : vector<1x2048x64xf32> to vector<2048x64xf32>
    %swap3A_40 = vector.shape_cast %slice3A_34 : vector<2048x64xf32> to vector<1x2048x64xf32>
    tpu.vector_store %arg5[%swap3A_35, %swap3A_36, %swap3A_37], %swap3A_40 {strides = array<i32>} : memref<2x2048x64xf32, #tpu.memory_space<vmem>>, vector<1x2048x64xf32>,
    return
  }
  func.func @transform_0(%arg0: i32) -> (i32, i32, i32) {
    %c0_i32 = arith.constant 0 : i32
    %c0_i32_0 = arith.constant 0 : i32
    %c0_i32_1 = arith.constant 0 : i32
    return %c0_i32, %arg0, %c0_i32_0 : i32, i32, i32
  }
  func.func @transform_1(%arg0: i32) -> (i32, i32) {
    %c0_i32 = arith.constant 0 : i32
    %c0_i32_0 = arith.constant 0 : i32
    return %arg0, %c0_i32 : i32, i32
  }
  func.func @transform_2(%arg0: i32) -> i32 {
    %c0_i32 = arith.constant 0 : i32
    %c0_i32_0 = arith.constant 0 : i32
    return %c0_i32 : i32
  }
  func.func @transform_3(%arg0: i32) -> (i32, i32) {
    %c0_i32 = arith.constant 0 : i32
    %c0_i32_0 = arith.constant 0 : i32
    %c0_i32_1 = arith.constant 0 : i32
    return %c0_i32, %c0_i32_0 : i32, i32
  }
  func.func @transform_4(%arg0: i32) -> (i32, i32, i32) {
    %c0_i32 = arith.constant 0 : i32
    %c0_i32_0 = arith.constant 0 : i32
    %c0_i32_1 = arith.constant 0 : i32
    return %c0_i32, %arg0, %c0_i32_0 : i32, i32, i32
  }
}

module attributes {stable_mosaic.version = 14 : i64} {
  func.func @_tc_head_body(%arg0: i32, %arg1: memref<2x2048x64xf32, #tpu.memory_space<vmem>>, %arg2: memref<2048x2xf32, #tpu.memory_space<vmem>>, %arg3: memref<128xf32, #tpu.memory_space<vmem>>, %arg4: memref<128xf32, #tpu.memory_space<vmem>>, %arg5: memref<1x1xf32, #tpu.memory_space<vmem>>, %arg6: memref<2048x128xf32, #tpu.memory_space<vmem>>, %arg7: memref<2048x1xi32, #tpu.memory_space<vmem>>, %arg8: memref<2048x128xf32, #tpu.memory_space<vmem>>) attributes {dimension_semantics = [#tpu.dimension_semantics<arbitrary>], iteration_bounds = array<i64: 5>, scalar_prefetch = 0 : i64, scratch_operands = 0 : i64, tpu.core_type = #tpu.core_type<tc>, window_params = [{transform_indices = @transform_0, window_bounds = array<i64: 2, 2048, 64>}, {transform_indices = @transform_1, window_bounds = array<i64: 2048, 2>}, {pipeline_mode = #tpu.pipeline_mode<synchronous>, transform_indices = @transform_2, window_bounds = array<i64: 128>}, {pipeline_mode = #tpu.pipeline_mode<synchronous>, transform_indices = @transform_3, window_bounds = array<i64: 128>}, {pipeline_mode = #tpu.pipeline_mode<synchronous>, transform_indices = @transform_4, window_bounds = array<i64: 1, 1>}, {transform_indices = @transform_5, window_bounds = array<i64: 2048, 128>}, {transform_indices = @transform_6, window_bounds = array<i64: 2048, 1>}, {transform_indices = @transform_7, window_bounds = array<i64: 2048, 128>}]} {
    %get3A = arith.constant 0 : index
    %get3A_0 = arith.constant 0 : index
    %get3A_1 = vector.load %arg2[%get3A, %get3A_0] : memref<2048x2xf32, #tpu.memory_space<vmem>>, vector<2048x2xf32>
    %slice3A = vector.extract_strided_slice %get3A_1 {offsets = [0, 0], sizes = [2048, 1], strides = [1, 1]} : vector<2048x2xf32> to vector<2048x1xf32>
    %squeeze3A = vector.shape_cast %slice3A : vector<2048x1xf32> to vector<2048xf32>
    %slice3A_2 = vector.extract_strided_slice %get3A_1 {offsets = [0, 1], sizes = [2048, 1], strides = [1, 1]} : vector<2048x2xf32> to vector<2048x1xf32>
    %squeeze3A_3 = vector.shape_cast %slice3A_2 : vector<2048x1xf32> to vector<2048xf32>
    %add3A = arith.addf %squeeze3A, %squeeze3A_3 : vector<2048xf32>
    %rsqrt3A = math.rsqrt %add3A : vector<2048xf32>
    %broadcast_in_dim3A = vector.shape_cast %rsqrt3A : vector<2048xf32> to vector<2048x1xf32>
    %get3A_4 = arith.constant 0 : index
    %get3A_5 = arith.constant 0 : index
    %get3A_6 = arith.constant 0 : index
    %get3A_7 = vector.load %arg1[%get3A_4, %get3A_5, %get3A_6] : memref<2x2048x64xf32, #tpu.memory_space<vmem>>, vector<1x2048x64xf32>
    %get3A_8 = vector.shape_cast %get3A_7 : vector<1x2048x64xf32> to vector<2048x64xf32>
    %get3A_9 = arith.constant 1 : index
    %get3A_10 = arith.constant 0 : index
    %get3A_11 = arith.constant 0 : index
    %get3A_12 = vector.load %arg1[%get3A_9, %get3A_10, %get3A_11] : memref<2x2048x64xf32, #tpu.memory_space<vmem>>, vector<1x2048x64xf32>
    %get3A_13 = vector.shape_cast %get3A_12 : vector<1x2048x64xf32> to vector<2048x64xf32>
    %concatenate3A = tpu.concatenate %get3A_8, %get3A_13 in 1 : vector<2048x64xf32>, vector<2048x64xf32> -> vector<2048x128xf32>
    %mul3A = vector.broadcast %broadcast_in_dim3A : vector<2048x1xf32> to vector<2048x128xf32>
    %mul3A_14 = arith.mulf %mul3A, %concatenate3A : vector<2048x128xf32>
    %get3A_15 = arith.constant 0 : index
    %get3A_16 = vector.load %arg3[%get3A_15] : memref<128xf32, #tpu.memory_space<vmem>>, vector<128xf32>
    %broadcast_in_dim3A_17 = vector.shape_cast %get3A_16 : vector<128xf32> to vector<1x128xf32>
    %add3A_18 = vector.broadcast %broadcast_in_dim3A_17 : vector<1x128xf32> to vector<2048x128xf32>
    %add3A_19 = arith.addf %mul3A_14, %add3A_18 : vector<2048x128xf32>
    %get3A_20 = arith.constant 0 : index
    %get3A_21 = vector.load %arg4[%get3A_20] : memref<128xf32, #tpu.memory_space<vmem>>, vector<128xf32>
    %broadcast_in_dim3A_22 = vector.shape_cast %get3A_21 : vector<128xf32> to vector<1x128xf32>
    %mul3A_23 = vector.broadcast %broadcast_in_dim3A_22 : vector<1x128xf32> to vector<2048x128xf32>
    %mul3A_24 = arith.mulf %add3A_19, %mul3A_23 : vector<2048x128xf32>
    %reduce_sum3A = arith.constant dense<0.000000e+00> : vector<2048xf32>
    %reduce_sum3A_25 = vector.multi_reduction <add>, %mul3A_24, %reduce_sum3A [1] : vector<2048x128xf32> to vector<2048xf32>
    %broadcast_in_dim3A_26 = vector.shape_cast %reduce_sum3A_25 : vector<2048xf32> to vector<2048x1xf32>
    %get3A_27 = arith.constant 0 : index
    %get3A_28 = arith.constant 0 : index
    %get3A_29 = vector.load %arg5[%get3A_27, %get3A_28] : memref<1x1xf32, #tpu.memory_space<vmem>>, vector<1x1xf32>
    %get3A_30 = vector.extract %get3A_29[0, 0] : f32 from vector<1x1xf32>
    %add3A_31 = vector.broadcast %get3A_30 : f32 to vector<2048x1xf32>
    %add3A_32 = arith.addf %broadcast_in_dim3A_26, %add3A_31 : vector<2048x1xf32>
    %mul3A_33 = arith.constant 2048 : i32
    %mul3A_34 = arith.muli %arg0, %mul3A_33 : i32
    %iota3A = tpu.iota {dimensions = array<i32: 0>} : vector<2048x1xi32>
    %add3A_35 = vector.broadcast %mul3A_34 : i32 to vector<2048x1xi32>
    %add3A_36 = arith.addi %add3A_35, %iota3A : vector<2048x1xi32>
    %lt3A = arith.constant 10000 : i32
    %lt3A_37 = vector.broadcast %lt3A : i32 to vector<2048x1xi32>
    %lt3A_38 = arith.cmpi slt, %add3A_36, %lt3A_37 : vector<2048x1xi32>
    %bitcast_convert_type3A = tpu.bitcast %add3A_32 : vector<2048x1xf32> -> vector<2048x1xi32>
    %shift_right_arithmetic3A = arith.constant 31 : i32
    %shift_right_arithmetic3A_39 = vector.broadcast %shift_right_arithmetic3A : i32 to vector<2048x1xi32>
    %shift_right_arithmetic3A_40 = arith.shrsi %bitcast_convert_type3A, %shift_right_arithmetic3A_39 : vector<2048x1xi32>
    %and3A = arith.constant 2147483647 : i32
    %and3A_41 = vector.broadcast %and3A : i32 to vector<2048x1xi32>
    %and3A_42 = arith.andi %shift_right_arithmetic3A_40, %and3A_41 : vector<2048x1xi32>
    %xor3A = arith.xori %bitcast_convert_type3A, %and3A_42 : vector<2048x1xi32>
    %swap3A = arith.constant 0 : index
    %swap3A_43 = arith.constant 0 : index
    %swap3A_44 = vector.load %arg6[%swap3A, %swap3A_43] : memref<2048x128xf32, #tpu.memory_space<vmem>>, vector<2048x128xf32>
    tpu.vector_store %arg6[%swap3A, %swap3A_43], %add3A_19 {strides = array<i32>} : memref<2048x128xf32, #tpu.memory_space<vmem>>, vector<2048x128xf32>,
    %jit3A = arith.constant 2147483647 : i32
    %broadcast_in_dim3A_45 = vector.broadcast %jit3A : i32 to vector<2048x1xi32>
    %select_n3A = arith.select %lt3A_38, %xor3A, %broadcast_in_dim3A_45 : vector<2048x1xi1>, vector<2048x1xi32>
    %swap3A_46 = arith.constant 0 : index
    %swap3A_47 = arith.constant 0 : index
    %swap3A_48 = vector.load %arg7[%swap3A_46, %swap3A_47] : memref<2048x1xi32, #tpu.memory_space<vmem>>, vector<2048x1xi32>
    tpu.vector_store %arg7[%swap3A_46, %swap3A_47], %select_n3A {strides = array<i32>} : memref<2048x1xi32, #tpu.memory_space<vmem>>, vector<2048x1xi32>,
    %mul3A_49 = vector.broadcast %add3A_32 : vector<2048x1xf32> to vector<2048x128xf32>
    %mul3A_50 = arith.mulf %mul3A_49, %add3A_19 : vector<2048x128xf32>
    %jit3A_51 = arith.constant 0.000000e+00 : f32
    %broadcast_in_dim3A_52 = vector.shape_cast %lt3A_38 : vector<2048x1xi1> to vector<2048x1xi1>
    %broadcast_in_dim3A_53 = vector.broadcast %broadcast_in_dim3A_52 : vector<2048x1xi1> to vector<2048x128xi1>
    %broadcast_in_dim3A_54 = vector.broadcast %jit3A_51 : f32 to vector<2048x128xf32>
    %select_n3A_55 = arith.select %broadcast_in_dim3A_53, %mul3A_50, %broadcast_in_dim3A_54 : vector<2048x128xi1>, vector<2048x128xf32>
    %swap3A_56 = arith.constant 0 : index
    %swap3A_57 = arith.constant 0 : index
    %swap3A_58 = vector.load %arg8[%swap3A_56, %swap3A_57] : memref<2048x128xf32, #tpu.memory_space<vmem>>, vector<2048x128xf32>
    tpu.vector_store %arg8[%swap3A_56, %swap3A_57], %select_n3A_55 {strides = array<i32>} : memref<2048x128xf32, #tpu.memory_space<vmem>>, vector<2048x128xf32>,
    return
  }
  func.func @transform_0(%arg0: i32) -> (i32, i32, i32) {
    %c0_i32 = arith.constant 0 : i32
    %c0_i32_0 = arith.constant 0 : i32
    %c0_i32_1 = arith.constant 0 : i32
    return %c0_i32, %arg0, %c0_i32_0 : i32, i32, i32
  }
  func.func @transform_1(%arg0: i32) -> (i32, i32) {
    %c0_i32 = arith.constant 0 : i32
    %c0_i32_0 = arith.constant 0 : i32
    return %arg0, %c0_i32 : i32, i32
  }
  func.func @transform_2(%arg0: i32) -> i32 {
    %c0_i32 = arith.constant 0 : i32
    %c0_i32_0 = arith.constant 0 : i32
    return %c0_i32 : i32
  }
  func.func @transform_3(%arg0: i32) -> i32 {
    %c0_i32 = arith.constant 0 : i32
    %c0_i32_0 = arith.constant 0 : i32
    return %c0_i32 : i32
  }
  func.func @transform_4(%arg0: i32) -> (i32, i32) {
    %c0_i32 = arith.constant 0 : i32
    %c0_i32_0 = arith.constant 0 : i32
    %c0_i32_1 = arith.constant 0 : i32
    return %c0_i32, %c0_i32_0 : i32, i32
  }
  func.func @transform_5(%arg0: i32) -> (i32, i32) {
    %c0_i32 = arith.constant 0 : i32
    %c0_i32_0 = arith.constant 0 : i32
    return %arg0, %c0_i32 : i32, i32
  }
  func.func @transform_6(%arg0: i32) -> (i32, i32) {
    %c0_i32 = arith.constant 0 : i32
    %c0_i32_0 = arith.constant 0 : i32
    return %arg0, %c0_i32 : i32, i32
  }
  func.func @transform_7(%arg0: i32) -> (i32, i32) {
    %c0_i32 = arith.constant 0 : i32
    %c0_i32_0 = arith.constant 0 : i32
    return %arg0, %c0_i32 : i32, i32
  }
}

module attributes {stable_mosaic.version = 14 : i64} {
  func.func @_tc_rank_body(%arg0: i32, %arg1: i32, %arg2: memref<2048x1xi32, #tpu.memory_space<vmem>>, %arg3: memref<1x2048xi32, #tpu.memory_space<vmem>>, %arg4: memref<2048x1xi32, #tpu.memory_space<vmem>>) attributes {dimension_semantics = [#tpu.dimension_semantics<arbitrary>, #tpu.dimension_semantics<arbitrary>], iteration_bounds = array<i64: 5, 5>, scalar_prefetch = 0 : i64, scratch_operands = 0 : i64, tpu.core_type = #tpu.core_type<tc>, window_params = [{transform_indices = @transform_0, window_bounds = array<i64: 2048, 1>}, {transform_indices = @transform_1, window_bounds = array<i64: 1, 2048>}, {transform_indices = @transform_2, window_bounds = array<i64: 2048, 1>}]} {
    %get3A = arith.constant 0 : index
    %get3A_0 = arith.constant 0 : index
    %get3A_1 = vector.load %arg2[%get3A, %get3A_0] : memref<2048x1xi32, #tpu.memory_space<vmem>>, vector<2048x1xi32>
    %get3A_2 = arith.constant 0 : index
    %get3A_3 = arith.constant 0 : index
    %get3A_4 = vector.load %arg3[%get3A_2, %get3A_3] : memref<1x2048xi32, #tpu.memory_space<vmem>>, vector<1x2048xi32>
    %eq3A = arith.constant 0 : i32
    %eq3A_5 = arith.cmpi eq, %arg1, %eq3A : i32
    %convert_element_type3A = arith.extui %eq3A_5 : i1 to i32
    %cond3A = arith.constant 0 : i32
    %cond3A_6 = arith.cmpi ne, %convert_element_type3A, %cond3A : i32
    scf.if %cond3A_6 {
      %broadcast_in_dim3A = arith.constant 0 : i32
      %broadcast_in_dim3A_17 = vector.broadcast %broadcast_in_dim3A : i32 to vector<2048x1xi32>
      %swap3A = arith.constant 0 : index
      %swap3A_18 = arith.constant 0 : index
      %swap3A_19 = vector.load %arg4[%swap3A, %swap3A_18] : memref<2048x1xi32, #tpu.memory_space<vmem>>, vector<2048x1xi32>
      tpu.vector_store %arg4[%swap3A, %swap3A_18], %broadcast_in_dim3A_17 {strides = array<i32>} : memref<2048x1xi32, #tpu.memory_space<vmem>>, vector<2048x1xi32>,
    } else {
    }
    %lt3A = arith.cmpi slt, %arg1, %arg0 : i32
    %convert_element_type3A_7 = arith.extui %lt3A : i1 to i32
    %cond3A_8 = arith.constant 0 : i32
    %cond3A_9 = arith.cmpi ne, %convert_element_type3A_7, %cond3A_8 : i32
    scf.if %cond3A_9 {
      %get3A_17 = arith.constant 0 : index
      %get3A_18 = arith.constant 0 : index
      %get3A_19 = vector.load %arg4[%get3A_17, %get3A_18] : memref<2048x1xi32, #tpu.memory_space<vmem>>, vector<2048x1xi32>
      %le3A = vector.broadcast %get3A_4 : vector<1x2048xi32> to vector<2048x2048xi32>
      %le3A_20 = vector.broadcast %get3A_1 : vector<2048x1xi32> to vector<2048x2048xi32>
      %le3A_21 = arith.cmpi sle, %le3A, %le3A_20 : vector<2048x2048xi32>
      %convert_element_type3A_22 = arith.extui %le3A_21 : vector<2048x2048xi1> to vector<2048x2048xi32>
      %reduce_sum3A = arith.constant dense<0> : vector<2048xi32>
      %reduce_sum3A_23 = vector.multi_reduction <add>, %convert_element_type3A_22, %reduce_sum3A [1] : vector<2048x2048xi32> to vector<2048xi32>
      %broadcast_in_dim3A = vector.shape_cast %reduce_sum3A_23 : vector<2048xi32> to vector<2048x1xi32>
      %add3A = arith.addi %get3A_19, %broadcast_in_dim3A : vector<2048x1xi32>
      %swap3A = arith.constant 0 : index
      %swap3A_24 = arith.constant 0 : index
      %swap3A_25 = vector.load %arg4[%swap3A, %swap3A_24] : memref<2048x1xi32, #tpu.memory_space<vmem>>, vector<2048x1xi32>
      tpu.vector_store %arg4[%swap3A, %swap3A_24], %add3A {strides = array<i32>} : memref<2048x1xi32, #tpu.memory_space<vmem>>, vector<2048x1xi32>,
    } else {
    }
    %gt3A = arith.cmpi sgt, %arg1, %arg0 : i32
    %convert_element_type3A_10 = arith.extui %gt3A : i1 to i32
    %cond3A_11 = arith.constant 0 : i32
    %cond3A_12 = arith.cmpi ne, %convert_element_type3A_10, %cond3A_11 : i32
    scf.if %cond3A_12 {
      %get3A_17 = arith.constant 0 : index
      %get3A_18 = arith.constant 0 : index
      %get3A_19 = vector.load %arg4[%get3A_17, %get3A_18] : memref<2048x1xi32, #tpu.memory_space<vmem>>, vector<2048x1xi32>
      %lt3A_20 = vector.broadcast %get3A_4 : vector<1x2048xi32> to vector<2048x2048xi32>
      %lt3A_21 = vector.broadcast %get3A_1 : vector<2048x1xi32> to vector<2048x2048xi32>
      %lt3A_22 = arith.cmpi slt, %lt3A_20, %lt3A_21 : vector<2048x2048xi32>
      %convert_element_type3A_23 = arith.extui %lt3A_22 : vector<2048x2048xi1> to vector<2048x2048xi32>
      %reduce_sum3A = arith.constant dense<0> : vector<2048xi32>
      %reduce_sum3A_24 = vector.multi_reduction <add>, %convert_element_type3A_23, %reduce_sum3A [1] : vector<2048x2048xi32> to vector<2048xi32>
      %broadcast_in_dim3A = vector.shape_cast %reduce_sum3A_24 : vector<2048xi32> to vector<2048x1xi32>
      %add3A = arith.addi %get3A_19, %broadcast_in_dim3A : vector<2048x1xi32>
      %swap3A = arith.constant 0 : index
      %swap3A_25 = arith.constant 0 : index
      %swap3A_26 = vector.load %arg4[%swap3A, %swap3A_25] : memref<2048x1xi32, #tpu.memory_space<vmem>>, vector<2048x1xi32>
      tpu.vector_store %arg4[%swap3A, %swap3A_25], %add3A {strides = array<i32>} : memref<2048x1xi32, #tpu.memory_space<vmem>>, vector<2048x1xi32>,
    } else {
    }
    %eq3A_13 = arith.cmpi eq, %arg1, %arg0 : i32
    %convert_element_type3A_14 = arith.extui %eq3A_13 : i1 to i32
    %cond3A_15 = arith.constant 0 : i32
    %cond3A_16 = arith.cmpi ne, %convert_element_type3A_14, %cond3A_15 : i32
    scf.if %cond3A_16 {
      %mul3A = arith.constant 2048 : i32
      %mul3A_17 = arith.muli %arg0, %mul3A : i32
      %iota3A = tpu.iota {dimensions = array<i32: 0>} : vector<2048x1xi32>
      %add3A = vector.broadcast %mul3A_17 : i32 to vector<2048x1xi32>
      %add3A_18 = arith.addi %add3A, %iota3A : vector<2048x1xi32>
      %mul3A_19 = arith.constant 2048 : i32
      %mul3A_20 = arith.muli %arg1, %mul3A_19 : i32
      %iota3A_21 = tpu.iota {dimensions = array<i32: 1>} : vector<1x2048xi32>
      %add3A_22 = vector.broadcast %mul3A_20 : i32 to vector<1x2048xi32>
      %add3A_23 = arith.addi %add3A_22, %iota3A_21 : vector<1x2048xi32>
      %lt3A_24 = vector.broadcast %get3A_4 : vector<1x2048xi32> to vector<2048x2048xi32>
      %lt3A_25 = vector.broadcast %get3A_1 : vector<2048x1xi32> to vector<2048x2048xi32>
      %lt3A_26 = arith.cmpi slt, %lt3A_24, %lt3A_25 : vector<2048x2048xi32>
      %eq3A_27 = vector.broadcast %get3A_4 : vector<1x2048xi32> to vector<2048x2048xi32>
      %eq3A_28 = vector.broadcast %get3A_1 : vector<2048x1xi32> to vector<2048x2048xi32>
      %eq3A_29 = arith.cmpi eq, %eq3A_27, %eq3A_28 : vector<2048x2048xi32>
      %lt3A_30 = vector.broadcast %add3A_23 : vector<1x2048xi32> to vector<2048x2048xi32>
      %lt3A_31 = vector.broadcast %add3A_18 : vector<2048x1xi32> to vector<2048x2048xi32>
      %lt3A_32 = arith.cmpi slt, %lt3A_30, %lt3A_31 : vector<2048x2048xi32>
      %and3A = arith.andi %eq3A_29, %lt3A_32 : vector<2048x2048xi1>
      %or3A = arith.ori %lt3A_26, %and3A : vector<2048x2048xi1>
      %convert_element_type3A_33 = arith.extui %or3A : vector<2048x2048xi1> to vector<2048x2048xi32>
      %get3A_34 = arith.constant 0 : index
      %get3A_35 = arith.constant 0 : index
      %get3A_36 = vector.load %arg4[%get3A_34, %get3A_35] : memref<2048x1xi32, #tpu.memory_space<vmem>>, vector<2048x1xi32>
      %reduce_sum3A = arith.constant dense<0> : vector<2048xi32>
      %reduce_sum3A_37 = vector.multi_reduction <add>, %convert_element_type3A_33, %reduce_sum3A [1] : vector<2048x2048xi32> to vector<2048xi32>
      %broadcast_in_dim3A = vector.shape_cast %reduce_sum3A_37 : vector<2048xi32> to vector<2048x1xi32>
      %add3A_38 = arith.addi %get3A_36, %broadcast_in_dim3A : vector<2048x1xi32>
      %swap3A = arith.constant 0 : index
      %swap3A_39 = arith.constant 0 : index
      %swap3A_40 = vector.load %arg4[%swap3A, %swap3A_39] : memref<2048x1xi32, #tpu.memory_space<vmem>>, vector<2048x1xi32>
      tpu.vector_store %arg4[%swap3A, %swap3A_39], %add3A_38 {strides = array<i32>} : memref<2048x1xi32, #tpu.memory_space<vmem>>, vector<2048x1xi32>,
    } else {
    }
    return
  }
  func.func @transform_0(%arg0: i32, %arg1: i32) -> (i32, i32) {
    %c0_i32 = arith.constant 0 : i32
    %c0_i32_0 = arith.constant 0 : i32
    return %arg0, %c0_i32 : i32, i32
  }
  func.func @transform_1(%arg0: i32, %arg1: i32) -> (i32, i32) {
    %c0_i32 = arith.constant 0 : i32
    %c0_i32_0 = arith.constant 0 : i32
    return %c0_i32, %arg1 : i32, i32
  }
  func.func @transform_2(%arg0: i32, %arg1: i32) -> (i32, i32) {
    %c0_i32 = arith.constant 0 : i32
    %c0_i32_0 = arith.constant 0 : i32
    return %arg0, %c0_i32 : i32, i32
  }
}

module attributes {stable_mosaic.version = 14 : i64} {
  func.func @_tc_conv_body(%arg0: i32, %arg1: memref<2048x128xf32, #tpu.memory_space<vmem>>, %arg2: memref<2048x128xf32, #tpu.memory_space<vmem>>, %arg3: memref<2048x128xf32, #tpu.memory_space<vmem>>, %arg4: memref<5x128x128xf32, #tpu.memory_space<vmem>>, %arg5: memref<128xf32, #tpu.memory_space<vmem>>, %arg6: memref<5x128x128xf32, #tpu.memory_space<vmem>>, %arg7: memref<128xf32, #tpu.memory_space<vmem>>, %arg8: memref<2048x128xf32, #tpu.memory_space<vmem>>) attributes {dimension_semantics = [#tpu.dimension_semantics<arbitrary>], iteration_bounds = array<i64: 5>, scalar_prefetch = 0 : i64, scratch_operands = 0 : i64, tpu.core_type = #tpu.core_type<tc>, window_params = [{transform_indices = @transform_0, window_bounds = array<i64: 2048, 128>}, {transform_indices = @transform_1, window_bounds = array<i64: 2048, 128>}, {transform_indices = @transform_2, window_bounds = array<i64: 2048, 128>}, {pipeline_mode = #tpu.pipeline_mode<synchronous>, transform_indices = @transform_3, window_bounds = array<i64: 5, 128, 128>}, {pipeline_mode = #tpu.pipeline_mode<synchronous>, transform_indices = @transform_4, window_bounds = array<i64: 128>}, {pipeline_mode = #tpu.pipeline_mode<synchronous>, transform_indices = @transform_5, window_bounds = array<i64: 5, 128, 128>}, {pipeline_mode = #tpu.pipeline_mode<synchronous>, transform_indices = @transform_6, window_bounds = array<i64: 128>}, {transform_indices = @transform_7, window_bounds = array<i64: 2048, 128>}]} {
    %get3A = arith.constant 0 : index
    %get3A_0 = arith.constant 0 : index
    %get3A_1 = vector.load %arg1[%get3A, %get3A_0] : memref<2048x128xf32, #tpu.memory_space<vmem>>, vector<2048x128xf32>
    %slice3A = vector.extract_strided_slice %get3A_1 {offsets = [2044, 0], sizes = [4, 128], strides = [1, 1]} : vector<2048x128xf32> to vector<4x128xf32>
    %get3A_2 = arith.constant 0 : index
    %get3A_3 = arith.constant 0 : index
    %get3A_4 = vector.load %arg2[%get3A_2, %get3A_3] : memref<2048x128xf32, #tpu.memory_space<vmem>>, vector<2048x128xf32>
    %get3A_5 = arith.constant 0 : index
    %get3A_6 = arith.constant 0 : index
    %get3A_7 = vector.load %arg3[%get3A_5, %get3A_6] : memref<2048x128xf32, #tpu.memory_space<vmem>>, vector<2048x128xf32>
    %slice3A_8 = vector.extract_strided_slice %get3A_7 {offsets = [0, 0], sizes = [4, 128], strides = [1, 1]} : vector<2048x128xf32> to vector<4x128xf32>
    %concatenate3A = tpu.concatenate %slice3A, %get3A_4, %slice3A_8 in 0 : vector<4x128xf32>, vector<2048x128xf32>, vector<4x128xf32> -> vector<2056x128xf32>
    %mul3A = arith.constant 2048 : i32
    %mul3A_9 = arith.muli %arg0, %mul3A : i32
    %sub3A = arith.constant 4 : i32
    %sub3A_10 = arith.subi %mul3A_9, %sub3A : i32
    %iota3A = tpu.iota {dimensions = array<i32: 0>} : vector<2056x1xi32>
    %add3A = vector.broadcast %sub3A_10 : i32 to vector<2056x1xi32>
    %add3A_11 = arith.addi %add3A, %iota3A : vector<2056x1xi32>
    %ge3A = arith.constant 0 : i32
    %ge3A_12 = vector.broadcast %ge3A : i32 to vector<2056x1xi32>
    %ge3A_13 = arith.cmpi sge, %add3A_11, %ge3A_12 : vector<2056x1xi32>
    %lt3A = arith.constant 10000 : i32
    %lt3A_14 = vector.broadcast %lt3A : i32 to vector<2056x1xi32>
    %lt3A_15 = arith.cmpi slt, %add3A_11, %lt3A_14 : vector<2056x1xi32>
    %and3A = arith.andi %ge3A_13, %lt3A_15 : vector<2056x1xi1>
    %jit3A = arith.constant 0.000000e+00 : f32
    %broadcast_in_dim3A = vector.shape_cast %and3A : vector<2056x1xi1> to vector<2056x1xi1>
    %broadcast_in_dim3A_16 = vector.broadcast %broadcast_in_dim3A : vector<2056x1xi1> to vector<2056x128xi1>
    %broadcast_in_dim3A_17 = vector.broadcast %jit3A : f32 to vector<2056x128xf32>
    %select_n3A = arith.select %broadcast_in_dim3A_16, %concatenate3A, %broadcast_in_dim3A_17 : vector<2056x128xi1>, vector<2056x128xf32>
    %broadcast_in_dim3A_18 = arith.constant 0.000000e+00 : f32
    %broadcast_in_dim3A_19 = vector.broadcast %broadcast_in_dim3A_18 : f32 to vector<2052x128xf32>
    %slice3A_20 = vector.extract_strided_slice %select_n3A {offsets = [0, 0], sizes = [2052, 128], strides = [1, 1]} : vector<2056x128xf32> to vector<2052x128xf32>
    %get3A_21 = arith.constant 0 : index
    %get3A_22 = arith.constant 0 : index
    %get3A_23 = arith.constant 0 : index
    %get3A_24 = vector.load %arg4[%get3A_21, %get3A_22, %get3A_23] : memref<5x128x128xf32, #tpu.memory_space<vmem>>, vector<1x128x128xf32>
    %get3A_25 = vector.shape_cast %get3A_24 : vector<1x128x128xf32> to vector<128x128xf32>
    %dot_general3A = arith.constant dense<0.000000e+00> : vector<2052x128xf32>
    %dot_general3A_26 = tpu.matmul %slice3A_20, %get3A_25, %dot_general3A {dimension_numbers = #tpu.dot_dimension_numbers<[1], [0], [0], [1], [0, 0, 1, 1], [], []>, transpose_lhs_hint = false} : vector<2052x128xf32>, vector<128x128xf32>, vector<2052x128xf32> -> vector<2052x128xf32>
    %add3A_27 = arith.addf %broadcast_in_dim3A_19, %dot_general3A_26 : vector<2052x128xf32>
    %slice3A_28 = vector.extract_strided_slice %select_n3A {offsets = [1, 0], sizes = [2052, 128], strides = [1, 1]} : vector<2056x128xf32> to vector<2052x128xf32>
    %get3A_29 = arith.constant 1 : index
    %get3A_30 = arith.constant 0 : index
    %get3A_31 = arith.constant 0 : index
    %get3A_32 = vector.load %arg4[%get3A_29, %get3A_30, %get3A_31] : memref<5x128x128xf32, #tpu.memory_space<vmem>>, vector<1x128x128xf32>
    %get3A_33 = vector.shape_cast %get3A_32 : vector<1x128x128xf32> to vector<128x128xf32>
    %dot_general3A_34 = arith.constant dense<0.000000e+00> : vector<2052x128xf32>
    %dot_general3A_35 = tpu.matmul %slice3A_28, %get3A_33, %dot_general3A_34 {dimension_numbers = #tpu.dot_dimension_numbers<[1], [0], [0], [1], [0, 0, 1, 1], [], []>, transpose_lhs_hint = false} : vector<2052x128xf32>, vector<128x128xf32>, vector<2052x128xf32> -> vector<2052x128xf32>
    %add3A_36 = arith.addf %add3A_27, %dot_general3A_35 : vector<2052x128xf32>
    %slice3A_37 = vector.extract_strided_slice %select_n3A {offsets = [2, 0], sizes = [2052, 128], strides = [1, 1]} : vector<2056x128xf32> to vector<2052x128xf32>
    %get3A_38 = arith.constant 2 : index
    %get3A_39 = arith.constant 0 : index
    %get3A_40 = arith.constant 0 : index
    %get3A_41 = vector.load %arg4[%get3A_38, %get3A_39, %get3A_40] : memref<5x128x128xf32, #tpu.memory_space<vmem>>, vector<1x128x128xf32>
    %get3A_42 = vector.shape_cast %get3A_41 : vector<1x128x128xf32> to vector<128x128xf32>
    %dot_general3A_43 = arith.constant dense<0.000000e+00> : vector<2052x128xf32>
    %dot_general3A_44 = tpu.matmul %slice3A_37, %get3A_42, %dot_general3A_43 {dimension_numbers = #tpu.dot_dimension_numbers<[1], [0], [0], [1], [0, 0, 1, 1], [], []>, transpose_lhs_hint = false} : vector<2052x128xf32>, vector<128x128xf32>, vector<2052x128xf32> -> vector<2052x128xf32>
    %add3A_45 = arith.addf %add3A_36, %dot_general3A_44 : vector<2052x128xf32>
    %slice3A_46 = vector.extract_strided_slice %select_n3A {offsets = [3, 0], sizes = [2052, 128], strides = [1, 1]} : vector<2056x128xf32> to vector<2052x128xf32>
    %get3A_47 = arith.constant 3 : index
    %get3A_48 = arith.constant 0 : index
    %get3A_49 = arith.constant 0 : index
    %get3A_50 = vector.load %arg4[%get3A_47, %get3A_48, %get3A_49] : memref<5x128x128xf32, #tpu.memory_space<vmem>>, vector<1x128x128xf32>
    %get3A_51 = vector.shape_cast %get3A_50 : vector<1x128x128xf32> to vector<128x128xf32>
    %dot_general3A_52 = arith.constant dense<0.000000e+00> : vector<2052x128xf32>
    %dot_general3A_53 = tpu.matmul %slice3A_46, %get3A_51, %dot_general3A_52 {dimension_numbers = #tpu.dot_dimension_numbers<[1], [0], [0], [1], [0, 0, 1, 1], [], []>, transpose_lhs_hint = false} : vector<2052x128xf32>, vector<128x128xf32>, vector<2052x128xf32> -> vector<2052x128xf32>
    %add3A_54 = arith.addf %add3A_45, %dot_general3A_53 : vector<2052x128xf32>
    %slice3A_55 = vector.extract_strided_slice %select_n3A {offsets = [4, 0], sizes = [2052, 128], strides = [1, 1]} : vector<2056x128xf32> to vector<2052x128xf32>
    %get3A_56 = arith.constant 4 : index
    %get3A_57 = arith.constant 0 : index
    %get3A_58 = arith.constant 0 : index
    %get3A_59 = vector.load %arg4[%get3A_56, %get3A_57, %get3A_58] : memref<5x128x128xf32, #tpu.memory_space<vmem>>, vector<1x128x128xf32>
    %get3A_60 = vector.shape_cast %get3A_59 : vector<1x128x128xf32> to vector<128x128xf32>
    %dot_general3A_61 = arith.constant dense<0.000000e+00> : vector<2052x128xf32>
    %dot_general3A_62 = tpu.matmul %slice3A_55, %get3A_60, %dot_general3A_61 {dimension_numbers = #tpu.dot_dimension_numbers<[1], [0], [0], [1], [0, 0, 1, 1], [], []>, transpose_lhs_hint = false} : vector<2052x128xf32>, vector<128x128xf32>, vector<2052x128xf32> -> vector<2052x128xf32>
    %add3A_63 = arith.addf %add3A_54, %dot_general3A_62 : vector<2052x128xf32>
    %get3A_64 = arith.constant 0 : index
    %get3A_65 = vector.load %arg5[%get3A_64] : memref<128xf32, #tpu.memory_space<vmem>>, vector<128xf32>
    %broadcast_in_dim3A_66 = vector.shape_cast %get3A_65 : vector<128xf32> to vector<1x128xf32>
    %add3A_67 = vector.broadcast %broadcast_in_dim3A_66 : vector<1x128xf32> to vector<2052x128xf32>
    %add3A_68 = arith.addf %add3A_63, %add3A_67 : vector<2052x128xf32>
    %max3A = arith.constant 0.000000e+00 : f32
    %max3A_69 = vector.broadcast %max3A : f32 to vector<2052x128xf32>
    %max3A_70 = arith.maximumf %add3A_68, %max3A_69 : vector<2052x128xf32>
    %mul3A_71 = arith.constant 2048 : i32
    %mul3A_72 = arith.muli %arg0, %mul3A_71 : i32
    %sub3A_73 = arith.constant 2 : i32
    %sub3A_74 = arith.subi %mul3A_72, %sub3A_73 : i32
    %iota3A_75 = tpu.iota {dimensions = array<i32: 0>} : vector<2052x1xi32>
    %add3A_76 = vector.broadcast %sub3A_74 : i32 to vector<2052x1xi32>
    %add3A_77 = arith.addi %add3A_76, %iota3A_75 : vector<2052x1xi32>
    %ge3A_78 = arith.constant 0 : i32
    %ge3A_79 = vector.broadcast %ge3A_78 : i32 to vector<2052x1xi32>
    %ge3A_80 = arith.cmpi sge, %add3A_77, %ge3A_79 : vector<2052x1xi32>
    %lt3A_81 = arith.constant 10000 : i32
    %lt3A_82 = vector.broadcast %lt3A_81 : i32 to vector<2052x1xi32>
    %lt3A_83 = arith.cmpi slt, %add3A_77, %lt3A_82 : vector<2052x1xi32>
    %and3A_84 = arith.andi %ge3A_80, %lt3A_83 : vector<2052x1xi1>
    %jit3A_85 = arith.constant 0.000000e+00 : f32
    %broadcast_in_dim3A_86 = vector.shape_cast %and3A_84 : vector<2052x1xi1> to vector<2052x1xi1>
    %broadcast_in_dim3A_87 = vector.broadcast %broadcast_in_dim3A_86 : vector<2052x1xi1> to vector<2052x128xi1>
    %broadcast_in_dim3A_88 = vector.broadcast %jit3A_85 : f32 to vector<2052x128xf32>
    %select_n3A_89 = arith.select %broadcast_in_dim3A_87, %max3A_70, %broadcast_in_dim3A_88 : vector<2052x128xi1>, vector<2052x128xf32>
    %broadcast_in_dim3A_90 = arith.constant 0.000000e+00 : f32
    %broadcast_in_dim3A_91 = vector.broadcast %broadcast_in_dim3A_90 : f32 to vector<2048x128xf32>
    %slice3A_92 = vector.extract_strided_slice %select_n3A_89 {offsets = [0, 0], sizes = [2048, 128], strides = [1, 1]} : vector<2052x128xf32> to vector<2048x128xf32>
    %get3A_93 = arith.constant 0 : index
    %get3A_94 = arith.constant 0 : index
    %get3A_95 = arith.constant 0 : index
    %get3A_96 = vector.load %arg6[%get3A_93, %get3A_94, %get3A_95] : memref<5x128x128xf32, #tpu.memory_space<vmem>>, vector<1x128x128xf32>
    %get3A_97 = vector.shape_cast %get3A_96 : vector<1x128x128xf32> to vector<128x128xf32>
    %dot_general3A_98 = arith.constant dense<0.000000e+00> : vector<2048x128xf32>
    %dot_general3A_99 = tpu.matmul %slice3A_92, %get3A_97, %dot_general3A_98 {dimension_numbers = #tpu.dot_dimension_numbers<[1], [0], [0], [1], [0, 0, 1, 1], [], []>, transpose_lhs_hint = false} : vector<2048x128xf32>, vector<128x128xf32>, vector<2048x128xf32> -> vector<2048x128xf32>
    %add3A_100 = arith.addf %broadcast_in_dim3A_91, %dot_general3A_99 : vector<2048x128xf32>
    %slice3A_101 = vector.extract_strided_slice %select_n3A_89 {offsets = [1, 0], sizes = [2048, 128], strides = [1, 1]} : vector<2052x128xf32> to vector<2048x128xf32>
    %get3A_102 = arith.constant 1 : index
    %get3A_103 = arith.constant 0 : index
    %get3A_104 = arith.constant 0 : index
    %get3A_105 = vector.load %arg6[%get3A_102, %get3A_103, %get3A_104] : memref<5x128x128xf32, #tpu.memory_space<vmem>>, vector<1x128x128xf32>
    %get3A_106 = vector.shape_cast %get3A_105 : vector<1x128x128xf32> to vector<128x128xf32>
    %dot_general3A_107 = arith.constant dense<0.000000e+00> : vector<2048x128xf32>
    %dot_general3A_108 = tpu.matmul %slice3A_101, %get3A_106, %dot_general3A_107 {dimension_numbers = #tpu.dot_dimension_numbers<[1], [0], [0], [1], [0, 0, 1, 1], [], []>, transpose_lhs_hint = false} : vector<2048x128xf32>, vector<128x128xf32>, vector<2048x128xf32> -> vector<2048x128xf32>
    %add3A_109 = arith.addf %add3A_100, %dot_general3A_108 : vector<2048x128xf32>
    %slice3A_110 = vector.extract_strided_slice %select_n3A_89 {offsets = [2, 0], sizes = [2048, 128], strides = [1, 1]} : vector<2052x128xf32> to vector<2048x128xf32>
    %get3A_111 = arith.constant 2 : index
    %get3A_112 = arith.constant 0 : index
    %get3A_113 = arith.constant 0 : index
    %get3A_114 = vector.load %arg6[%get3A_111, %get3A_112, %get3A_113] : memref<5x128x128xf32, #tpu.memory_space<vmem>>, vector<1x128x128xf32>
    %get3A_115 = vector.shape_cast %get3A_114 : vector<1x128x128xf32> to vector<128x128xf32>
    %dot_general3A_116 = arith.constant dense<0.000000e+00> : vector<2048x128xf32>
    %dot_general3A_117 = tpu.matmul %slice3A_110, %get3A_115, %dot_general3A_116 {dimension_numbers = #tpu.dot_dimension_numbers<[1], [0], [0], [1], [0, 0, 1, 1], [], []>, transpose_lhs_hint = false} : vector<2048x128xf32>, vector<128x128xf32>, vector<2048x128xf32> -> vector<2048x128xf32>
    %add3A_118 = arith.addf %add3A_109, %dot_general3A_117 : vector<2048x128xf32>
    %slice3A_119 = vector.extract_strided_slice %select_n3A_89 {offsets = [3, 0], sizes = [2048, 128], strides = [1, 1]} : vector<2052x128xf32> to vector<2048x128xf32>
    %get3A_120 = arith.constant 3 : index
    %get3A_121 = arith.constant 0 : index
    %get3A_122 = arith.constant 0 : index
    %get3A_123 = vector.load %arg6[%get3A_120, %get3A_121, %get3A_122] : memref<5x128x128xf32, #tpu.memory_space<vmem>>, vector<1x128x128xf32>
    %get3A_124 = vector.shape_cast %get3A_123 : vector<1x128x128xf32> to vector<128x128xf32>
    %dot_general3A_125 = arith.constant dense<0.000000e+00> : vector<2048x128xf32>
    %dot_general3A_126 = tpu.matmul %slice3A_119, %get3A_124, %dot_general3A_125 {dimension_numbers = #tpu.dot_dimension_numbers<[1], [0], [0], [1], [0, 0, 1, 1], [], []>, transpose_lhs_hint = false} : vector<2048x128xf32>, vector<128x128xf32>, vector<2048x128xf32> -> vector<2048x128xf32>
    %add3A_127 = arith.addf %add3A_118, %dot_general3A_126 : vector<2048x128xf32>
    %slice3A_128 = vector.extract_strided_slice %select_n3A_89 {offsets = [4, 0], sizes = [2048, 128], strides = [1, 1]} : vector<2052x128xf32> to vector<2048x128xf32>
    %get3A_129 = arith.constant 4 : index
    %get3A_130 = arith.constant 0 : index
    %get3A_131 = arith.constant 0 : index
    %get3A_132 = vector.load %arg6[%get3A_129, %get3A_130, %get3A_131] : memref<5x128x128xf32, #tpu.memory_space<vmem>>, vector<1x128x128xf32>
    %get3A_133 = vector.shape_cast %get3A_132 : vector<1x128x128xf32> to vector<128x128xf32>
    %dot_general3A_134 = arith.constant dense<0.000000e+00> : vector<2048x128xf32>
    %dot_general3A_135 = tpu.matmul %slice3A_128, %get3A_133, %dot_general3A_134 {dimension_numbers = #tpu.dot_dimension_numbers<[1], [0], [0], [1], [0, 0, 1, 1], [], []>, transpose_lhs_hint = false} : vector<2048x128xf32>, vector<128x128xf32>, vector<2048x128xf32> -> vector<2048x128xf32>
    %add3A_136 = arith.addf %add3A_127, %dot_general3A_135 : vector<2048x128xf32>
    %get3A_137 = arith.constant 0 : index
    %get3A_138 = vector.load %arg7[%get3A_137] : memref<128xf32, #tpu.memory_space<vmem>>, vector<128xf32>
    %broadcast_in_dim3A_139 = vector.shape_cast %get3A_138 : vector<128xf32> to vector<1x128xf32>
    %add3A_140 = vector.broadcast %broadcast_in_dim3A_139 : vector<1x128xf32> to vector<2048x128xf32>
    %add3A_141 = arith.addf %add3A_136, %add3A_140 : vector<2048x128xf32>
    %swap3A = arith.constant 0 : index
    %swap3A_142 = arith.constant 0 : index
    %swap3A_143 = vector.load %arg8[%swap3A, %swap3A_142] : memref<2048x128xf32, #tpu.memory_space<vmem>>, vector<2048x128xf32>
    tpu.vector_store %arg8[%swap3A, %swap3A_142], %add3A_141 {strides = array<i32>} : memref<2048x128xf32, #tpu.memory_space<vmem>>, vector<2048x128xf32>,
    return
  }
  func.func @transform_0(%arg0: i32) -> (i32, i32) {
    %sub3A = arith.constant 1 : i32
    %sub3A_0 = arith.subi %arg0, %sub3A : i32
    %max3A = arith.constant 0 : i32
    %max3A_1 = arith.maxsi %sub3A_0, %max3A : i32
    %c0_i32 = arith.constant 0 : i32
    %c0_i32_2 = arith.constant 0 : i32
    return %max3A_1, %c0_i32 : i32, i32
  }
  func.func @transform_1(%arg0: i32) -> (i32, i32) {
    %c0_i32 = arith.constant 0 : i32
    %c0_i32_0 = arith.constant 0 : i32
    return %arg0, %c0_i32 : i32, i32
  }
  func.func @transform_2(%arg0: i32) -> (i32, i32) {
    %add3A = arith.constant 1 : i32
    %add3A_0 = arith.addi %arg0, %add3A : i32
    %min3A = arith.constant 4 : i32
    %min3A_1 = arith.minsi %add3A_0, %min3A : i32
    %c0_i32 = arith.constant 0 : i32
    %c0_i32_2 = arith.constant 0 : i32
    return %min3A_1, %c0_i32 : i32, i32
  }
  func.func @transform_3(%arg0: i32) -> (i32, i32, i32) {
    %c0_i32 = arith.constant 0 : i32
    %c0_i32_0 = arith.constant 0 : i32
    %c0_i32_1 = arith.constant 0 : i32
    %c0_i32_2 = arith.constant 0 : i32
    return %c0_i32, %c0_i32_0, %c0_i32_1 : i32, i32, i32
  }
  func.func @transform_4(%arg0: i32) -> i32 {
    %c0_i32 = arith.constant 0 : i32
    %c0_i32_0 = arith.constant 0 : i32
    return %c0_i32 : i32
  }
  func.func @transform_5(%arg0: i32) -> (i32, i32, i32) {
    %c0_i32 = arith.constant 0 : i32
    %c0_i32_0 = arith.constant 0 : i32
    %c0_i32_1 = arith.constant 0 : i32
    %c0_i32_2 = arith.constant 0 : i32
    return %c0_i32, %c0_i32_0, %c0_i32_1 : i32, i32, i32
  }
  func.func @transform_6(%arg0: i32) -> i32 {
    %c0_i32 = arith.constant 0 : i32
    %c0_i32_0 = arith.constant 0 : i32
    return %c0_i32 : i32
  }
  func.func @transform_7(%arg0: i32) -> (i32, i32) {
    %c0_i32 = arith.constant 0 : i32
    %c0_i32_0 = arith.constant 0 : i32
    return %arg0, %c0_i32 : i32, i32
  }
}

module attributes {stable_mosaic.version = 14 : i64} {
  func.func @_tc_final_body(%arg0: i32, %arg1: memref<2000x128xf32, #tpu.memory_space<vmem>>, %arg2: memref<2000x128xf32, #tpu.memory_space<vmem>>, %arg3: memref<128x128xf32, #tpu.memory_space<vmem>>, %arg4: memref<128x128xf32, #tpu.memory_space<vmem>>, %arg5: memref<128xf32, #tpu.memory_space<vmem>>, %arg6: memref<2000x128xf32, #tpu.memory_space<vmem>>) attributes {dimension_semantics = [#tpu.dimension_semantics<arbitrary>], iteration_bounds = array<i64: 5>, scalar_prefetch = 0 : i64, scratch_operands = 0 : i64, tpu.core_type = #tpu.core_type<tc>, window_params = [{transform_indices = @transform_0, window_bounds = array<i64: 2000, 128>}, {transform_indices = @transform_1, window_bounds = array<i64: 2000, 128>}, {pipeline_mode = #tpu.pipeline_mode<synchronous>, transform_indices = @transform_2, window_bounds = array<i64: 128, 128>}, {pipeline_mode = #tpu.pipeline_mode<synchronous>, transform_indices = @transform_3, window_bounds = array<i64: 128, 128>}, {pipeline_mode = #tpu.pipeline_mode<synchronous>, transform_indices = @transform_4, window_bounds = array<i64: 128>}, {transform_indices = @transform_5, window_bounds = array<i64: 2000, 128>}]} {
    %get3A = arith.constant 0 : index
    %get3A_0 = arith.constant 0 : index
    %get3A_1 = vector.load %arg1[%get3A, %get3A_0] : memref<2000x128xf32, #tpu.memory_space<vmem>>, vector<2000x128xf32>
    %get3A_2 = arith.constant 0 : index
    %get3A_3 = arith.constant 0 : index
    %get3A_4 = vector.load %arg3[%get3A_2, %get3A_3] : memref<128x128xf32, #tpu.memory_space<vmem>>, vector<128x128xf32>
    %dot_general3A = arith.constant dense<0.000000e+00> : vector<2000x128xf32>
    %dot_general3A_5 = tpu.matmul %get3A_1, %get3A_4, %dot_general3A {dimension_numbers = #tpu.dot_dimension_numbers<[1], [0], [0], [1], [0, 0, 1, 1], [], []>, transpose_lhs_hint = false} : vector<2000x128xf32>, vector<128x128xf32>, vector<2000x128xf32> -> vector<2000x128xf32>
    %get3A_6 = arith.constant 0 : index
    %get3A_7 = arith.constant 0 : index
    %get3A_8 = vector.load %arg2[%get3A_6, %get3A_7] : memref<2000x128xf32, #tpu.memory_space<vmem>>, vector<2000x128xf32>
    %get3A_9 = arith.constant 0 : index
    %get3A_10 = arith.constant 0 : index
    %get3A_11 = vector.load %arg4[%get3A_9, %get3A_10] : memref<128x128xf32, #tpu.memory_space<vmem>>, vector<128x128xf32>
    %dot_general3A_12 = arith.constant dense<0.000000e+00> : vector<2000x128xf32>
    %dot_general3A_13 = tpu.matmul %get3A_8, %get3A_11, %dot_general3A_12 {dimension_numbers = #tpu.dot_dimension_numbers<[1], [0], [0], [1], [0, 0, 1, 1], [], []>, transpose_lhs_hint = false} : vector<2000x128xf32>, vector<128x128xf32>, vector<2000x128xf32> -> vector<2000x128xf32>
    %add3A = arith.addf %dot_general3A_5, %dot_general3A_13 : vector<2000x128xf32>
    %get3A_14 = arith.constant 0 : index
    %get3A_15 = vector.load %arg5[%get3A_14] : memref<128xf32, #tpu.memory_space<vmem>>, vector<128xf32>
    %broadcast_in_dim3A = vector.shape_cast %get3A_15 : vector<128xf32> to vector<1x128xf32>
    %add3A_16 = vector.broadcast %broadcast_in_dim3A : vector<1x128xf32> to vector<2000x128xf32>
    %add3A_17 = arith.addf %add3A, %add3A_16 : vector<2000x128xf32>
    %swap3A = arith.constant 0 : index
    %swap3A_18 = arith.constant 0 : index
    %swap3A_19 = vector.load %arg6[%swap3A, %swap3A_18] : memref<2000x128xf32, #tpu.memory_space<vmem>>, vector<2000x128xf32>
    tpu.vector_store %arg6[%swap3A, %swap3A_18], %add3A_17 {strides = array<i32>} : memref<2000x128xf32, #tpu.memory_space<vmem>>, vector<2000x128xf32>,
    return
  }
  func.func @transform_0(%arg0: i32) -> (i32, i32) {
    %c0_i32 = arith.constant 0 : i32
    %c0_i32_0 = arith.constant 0 : i32
    return %arg0, %c0_i32 : i32, i32
  }
  func.func @transform_1(%arg0: i32) -> (i32, i32) {
    %c0_i32 = arith.constant 0 : i32
    %c0_i32_0 = arith.constant 0 : i32
    return %arg0, %c0_i32 : i32, i32
  }
  func.func @transform_2(%arg0: i32) -> (i32, i32) {
    %c0_i32 = arith.constant 0 : i32
    %c0_i32_0 = arith.constant 0 : i32
    %c0_i32_1 = arith.constant 0 : i32
    return %c0_i32, %c0_i32_0 : i32, i32
  }
  func.func @transform_3(%arg0: i32) -> (i32, i32) {
    %c0_i32 = arith.constant 0 : i32
    %c0_i32_0 = arith.constant 0 : i32
    %c0_i32_1 = arith.constant 0 : i32
    return %c0_i32, %c0_i32_0 : i32, i32
  }
  func.func @transform_4(%arg0: i32) -> i32 {
    %c0_i32 = arith.constant 0 : i32
    %c0_i32_0 = arith.constant 0 : i32
    return %c0_i32 : i32
  }
  func.func @transform_5(%arg0: i32) -> (i32, i32) {
    %c0_i32 = arith.constant 0 : i32
    %c0_i32_0 = arith.constant 0 : i32
    return %arg0, %c0_i32 : i32, i32
  }
}

</mosaic_0001>

<sc_bundles>
// kernel: kernel.13.cloned.1.call-start
scs
__scs_entry_jumppad:
0x0: {  	(pc) =	sbr.rel $0x88, $3  }
0x1: {  	(tag) =	ssettag $0x0;
	lr =	simm.s32 $0x1  }
0x2: {  	[smem:$0x3F93] =	sst lr;
	_ =	strace $0xD0000000  }
0x3: {  	_ = 	snop  }
0x4: {  	_ = 	snop  }
0x5: {  	_ = 	snop  }
0x6: {  	_ = 	snop  }
0x7: {  	_ = 	snop  }
__scs_overlays_trampoline_lowered:
0x8: {  	[smem:$0x3FA2] =	sst s0  }
0x9: {  	[smem:$0x3FA3] =	sst s1  }
0xa: {  	[smem:$0x3FA4] =	sst s2  }
0xb: {  	[smem:$0x3FA5] =	sst s3  }
0xc: {  	[smem:$0x3FA6] =	sst s4  }
0xd: {  	[smem:$0x3FA7] =	sst s5  }
0xe: {  	[smem:$0x3FA8] =	sst s6  }
0xf: {  	[smem:$0x3FA9] =	sst s7  }
0x10: {  	[smem:$0x3FAA] =	sst s8  }
0x11: {  	[smem:$0x3FAB] =	sst s9;
	s0 =	simm.s32 @!p0 $0x0  }
0x12: {  	s1 =	sld [smem:$0x3F91];
	s0 =	simm.s32 @p0 $0x1  }
0x13: {  	[smem:$0x3FAC] =	sst s0;
	s0 =	simm.s32 @!p1 $0x0  }
0x14: {  	s2 =	sld [smem:$0x3F90];
	s0 =	simm.s32 @p1 $0x1  }
0x15: {  	[smem:$0x3FAD] =	sst s0;
	s0 =	simm.s32 @!p2 $0x0  }
0x16: {  	s3 =	sld [smem:$0x3FDB];
	s0 =	simm.s32 @p2 $0x1  }
0x17: {  	s4 =	simm.s32 $0x1BF5;
	[smem:$0x3FAF] =	sst s0  }
0x18: {  	s0 =	sld [smem:$0x3F92];
	_ =	swait.ge [sflag:s4], $0x0  }
0x19: {  	s7 =	sld [smem:$0x3F93]  }
0x1a: {  	s8 =	sadd.s32 $0xFFFFE003, lr  }
0x1b: {  	s9 =	sadd.s32 $0xFFFFFEF7, lr;
	s5 =	simm.s32 $0xFFFFFFFF;
	p2 =	slt.u32 s8, $0xFFFFF086  }
0x1c: {  	p1 =	slt.u32 s9, $0xF7A;
	s5 =	simm.s32 @!p2 $0x0  }
0x1d: {  	s5 =	simm.s32 @p1 $0x1;
	p0 =	seq.s32 s7, s2  }
0x1e: {  	s7 =	smul.u32 @!p0 $0xF7A, s2;
	p2 =	seq.s32 @!p0 s5, $0x0  }
0x1f: {  	s9 =	smul.u32 $0xF7A, s1;
	s8 =	simm.s32 @!p0 $0x1BF5;
	p2 =	por !p2, p0  }
0x20: {  	[sflag:s8] =	ssyncset.s32 @!p0 $0xFFFFF086;
	s6 =	sadd.s32 @!p0 s3, s7;
	s7 =	simm.s32 @!p0 $0x108  }
0x21: {  	s3 =	sadd.s32 s3, s9;
	s6 =	sadd.s32 @!p0 $0x88, s6;
	s7 =	simm.s32 @p2 $0x1082  }
0x22: {  	[simem:s7], [sflag:s8] =	dma.local @!p0 [hbm:s6], $0xF7A  }
0x23: {  	s9 =	sor.u32 $0xD0000000, s2;
	s6 =	simm.s32 $0x108;
	_ =	swait.ge @!p0 [sflag:s8], $0x0  }
0x24: {  	s3 =	sadd.s32 $0x88, s3;
	s6 =	simm.s32 @!p1 $0x1082;
	[sflag:s4] =	ssyncset.s32 $0xFFFFF086  }
0x25: {  	[simem:s6], [sflag:s4] =	dma.local [hbm:s3], $0xF7A  }
0x26: {  	[smem:$0x3F93] =	sst s1;
	(tag) =	ssettag s2;
	_ =	strace s9  }
0x27: {  	s1 =	sld [smem:$0x3FA3]  }
0x28: {  	s2 =	sld [smem:$0x3FA4]  }
0x29: {  	s4 =	sld [smem:$0x3FA6]  }
0x2a: {  	p0 =	seq.s32 s5, $0x0;
	s5 =	sld [smem:$0x3FA7]  }
0x2b: {  	s6 =	sld [smem:$0x3FA8]  }
0x2c: {  	s7 =	sld [smem:$0x3FA9]  }
0x2d: {  	s3 =	simm.s32 $0x108;
	s8 =	sld [smem:$0x3FAA]  }
0x2e: {  	s3 =	simm.s32 @!p0 $0x1082;
	s9 =	sld [smem:$0x3FAB]  }
0x2f: {  	lr =	sadd.s32 s0, s3;
	s0 =	sld [smem:$0x3FA2]  }
0x30: {  	s3 =	sld [smem:$0x3FA5]  }
0x31: {  	[smem:$0x3FAE] =	sst s10  }
0x32: {  	s10 =	sld [smem:$0x3FAC];
	_ =	sdelay $0x3  }
0x33: {  	p0 =	seq.s32 s10, $0x1;
	s10 =	sld [smem:$0x3FAE];
	_ =	sdelay $0x3  }
0x34: {  	[smem:$0x3FAE] =	sst s10  }
0x35: {  	s10 =	sld [smem:$0x3FAD];
	_ =	sdelay $0x3  }
0x36: {  	p1 =	seq.s32 s10, $0x1;
	s10 =	sld [smem:$0x3FAE];
	_ =	sdelay $0x3  }
0x37: {  	[smem:$0x3FAE] =	sst s10  }
0x38: {  	s10 =	sld [smem:$0x3FAF]  }
0x39: {  	_ = 	snop;
	(pc) =	sbr.ind lr, $3  }
0x3a: {  	_ = 	snop  }
0x3b: {  	_ = 	snop  }
0x3c: {  	p2 =	seq.s32 s10, $0x1;
	s10 =	sld [smem:$0x3FAE]  }
0x3d: {  	_ =	shalt  }
0x3e: {  	_ =	shalt  }
0x3f: {  	_ =	shalt  }
0x40: {  	_ =	shalt  }
0x41: {  	_ =	shalt  }
0x42: {  	_ =	shalt  }
0x43: {  	_ =	shalt  }
0x44: {  	_ =	shalt  }
0x45: {  	_ =	shalt  }
0x46: {  	_ =	shalt  }
0x47: {  	_ =	shalt  }
0x48: {  	_ =	shalt  }
0x49: {  	_ =	shalt  }
0x4a: {  	_ =	shalt  }
0x4b: {  	_ =	shalt  }
0x4c: {  	_ =	shalt  }
0x4d: {  	_ =	shalt  }
0x4e: {  	_ =	shalt  }
0x4f: {  	_ =	shalt  }
0x50: {  	_ =	shalt  }
0x51: {  	_ =	shalt  }
0x52: {  	_ =	shalt  }
0x53: {  	_ =	shalt  }
0x54: {  	_ =	shalt  }
0x55: {  	_ =	shalt  }
0x56: {  	_ =	shalt  }
0x57: {  	_ =	shalt  }
0x58: {  	_ =	shalt  }
0x59: {  	_ =	shalt  }
0x5a: {  	_ =	shalt  }
0x5b: {  	_ =	shalt  }
0x5c: {  	_ =	shalt  }
0x5d: {  	_ =	shalt  }
0x5e: {  	_ =	shalt  }
0x5f: {  	_ =	shalt  }
0x60: {  	_ =	shalt  }
0x61: {  	_ =	shalt  }
0x62: {  	_ =	shalt  }
0x63: {  	_ =	shalt  }
0x64: {  	_ =	shalt  }
0x65: {  	_ =	shalt  }
0x66: {  	_ =	shalt  }
0x67: {  	_ =	shalt  }
0x68: {  	_ =	shalt  }
0x69: {  	_ =	shalt  }
0x6a: {  	_ =	shalt  }
0x6b: {  	_ =	shalt  }
0x6c: {  	_ =	shalt  }
0x6d: {  	_ =	shalt  }
0x6e: {  	_ =	shalt  }
0x6f: {  	_ =	shalt  }
0x70: {  	_ =	shalt  }
0x71: {  	_ =	shalt  }
0x72: {  	_ =	shalt  }
0x73: {  	_ =	shalt  }
0x74: {  	_ =	shalt  }
0x75: {  	_ =	shalt  }
0x76: {  	_ =	shalt  }
0x77: {  	_ =	shalt  }
0x78: {  	_ =	shalt  }
0x79: {  	_ =	shalt  }
0x7a: {  	_ =	shalt  }
0x7b: {  	_ =	shalt  }
0x7c: {  	_ =	shalt  }
0x7d: {  	_ =	shalt  }
0x7e: {  	_ =	shalt  }
0x7f: {  	_ =	shalt  }
0x80: {  	_ =	shalt  }
0x81: {  	_ =	shalt  }
0x82: {  	_ =	shalt  }
0x83: {  	_ =	shalt  }
0x84: {  	_ =	shalt  }
0x85: {  	_ =	shalt  }
0x86: {  	_ =	shalt  }
0x87: {  	_ =	shalt  }
.Lfunc_end0:
.L_simem_size_0:
called_computation_lowered:
.L_overlay_start_0:
0x88: {  	s2 =	sld [smem:$0x3FD9]  }
0x89: {  	s3 =	sld [smem:$0x3FFE];
	_ =	sdelay $0x1  }
0x8a: {  	s1 =	srdreg.scid  }
0x8b: {  	s0 =	sand.u32 $0x1, s1  }
0x8c: {  	s16 =	sshll.u32 s0, $0xA;
	s2 =	sadd.s32 s3, s2  }
0x8d: {  	s2 =	sadd.s32 s2, s16  }
0x8e: {  	[smem:$0x3FBA] =	sst s2  }
0x8f: {  	_ = 	snop  }
0x90: {  	(tm) =	ssettm $0x1  }
0x91: {  	s17 =	sld [smem:$0x3FFB];
	_ =	sdelay $0x3  }
0x92: {  	_ =	strace s17  }
0x93: {  	s2 =	sld [smem:$0x3FFC];
	_ =	sdelay $0x3  }
0x94: {  	_ =	strace s2  }
0x95: {  	s2 =	sld [smem:$0x3FFD];
	_ =	sdelay $0x3  }
0x96: {  	_ =	strace s2  }
0x97: {  	_ =	strace $0x8FFFFFFF  }
0x98: {  	s18 =	sld [smem:$0x3FDB];
	_ =	sdelay $0x1  }
0x99: {  	s19 =	simm.s32 $_scs_section_size  }
0x9a: {  	s4 =	simm.s32 $_size__tile_overlayer_lowered;
	s5 =	simm.s32 $_tile_overlayer_lowered  }
0x9b: {  	s22 =	simm.s32 $0x1BFF;
	s21 =	sshll.u32 s5, $0x1;
	s2 =	sadd.s32 s19, s18  }
0x9c: {  	s6 =	simm.s32 $0x0;
	s20 =	sshll.u32 s4, $0x1;
	s4 =	sadd.s32 s21, s2  }
0x9d: {  	[timem:s6], [sflag:s22] =	dma.local [hbm:s4], s20  }
0x9e: {  	_ =	swait.ge [sflag:s22], s20  }
0x9f: {  	s3 =	ssub.s32 $0x0, s20;
	[sflag:s22] =	ssyncset.done $0x0  }
0xa0: {  	[sflag:s22] =	ssyncadd.s32 s3;
	_ =	sdelay $0x1  }
0xa1: {  	s23 =	simm.s32 $0x1B8B  }
0xa2: {  	_ =	swait.ge [sflag:s23], $0x1  }
0xa3: {  	[sflag:s23] =	ssyncset.done $0x0  }
0xa4: {  	s25 =	simm.s32 $0x1B8E;
	s24 =	sld [smem:$0x3FFE];
	[sflag:s23] =	ssyncadd.s32 $0xFFFFFFFF  }
0xa5: {  	s26 =	simm.s32 $execute0_lowered;
	[smem:$0x3FD2] =	sst s25  }
0xa6: {  	s4 =	sshll.u32 s26, $0x1;
	_ =	strace $0x80000046;
	[dreg:$0x1] =	wrdreg $0xFFFFFFFF  }
0xa7: {  	s28 =	simm.s32 $_size_execute0_lowered;
	s2 =	sadd.s32 s2, s4;
	[dreg:$0x0] =	wrdreg $0x0  }
0xa8: {  	s4 =	sshll.u32 s28, $0x1;
	[dreg:$0x2] =	wrdreg s2  }
0xa9: {  	[dreg:$0x3] =	wrdreg s4  }
0xaa: {  	[dreg:$0x4] =	wrdreg $0xC0  }
0xab: {  	_ =	task [dreg:s6], $0x5FFFF  }
0xac: {  	[dreg:$0x1] =	wrdreg $0xFFFFFFFF  }
0xad: {  	[dreg:$0x0] =	wrdreg $0x60  }
0xae: {  	[dreg:$0x2] =	wrdreg s24  }
0xaf: {  	[dreg:$0x3] =	wrdreg $0x28800  }
0xb0: {  	[dreg:$0x4] =	wrdreg $0x9  }
0xb1: {  	_ =	task.clear_ibuf [dreg:s6], $0x5FFFF;
	_ =	strace $0x90000046  }
0xb2: {  	s29 =	simm.s32 $0x9;
	_ =	strace $0x80000048  }
0xb3: {  	_ =	swait.ge [sflag:s29], $0x1  }
0xb4: {  	[sflag:s29] =	ssyncadd.s32 $0xFFFFFFFF  }
0xb5: {  	_ =	strace $0x90000048  }
0xb6: {  	_ =	sfence  }
0xb7: {  	s30 =	sld [smem:$0x0];
	_ =	sdelay $0x2  }
0xb8: {  	s31 =	sshll.u32 s1, $0xD;
	s1 =	sshrl.u32 s1, $0x2  }
0xb9: {  	s3 =	sand.u32 $0x4000, s31;
	s1 =	sadd.s32 s1, s30  }
0xba: {  	s0 =	sor.u32 s3, s0;
	s1 =	sshll.u32 s1, $0x11  }
0xbb: {  	s0 =	sor.u32 s1, s0  }
0xbc: {  	s0 =	sadd.s32 $0x8F2B, s0  }
0xbd: {  	[sflag:s0] =	ssyncadd.remote.s32 $0x1  }
0xbe: {  	_ =	sfence.sel $0xFFFF  }
0xbf: {  	[dreg:$0x0] =	wrdreg $0xFFFFFFFF;
	(pc) =	sbr.abs _section_cstart, $3  }
0xc0: {  	[dreg:$0x1] =	wrdreg $0xFFFFFFFF  }
0xc1: {  	_ =	task.clear_ibuf [dreg:s6], $0x2FFFF;
	_ =	strace $0x9FFFFFFF  }
0xc2: {  	(tm) =	ssettm $0x7FFFFFFF  }
0xc3: {  	_ =	shalt  }
tec
execute0_lowered:
.L_overlay_start_1:
0x0: {  	(tag) =	ssettag $0x1  }
0x1: {  	s0 =	srdreg.scid;
	s4 =	rddreg [dreg:$0x0]  }
0x2: {  	s6 =	stileid.u32;
	s1 =	rddreg [dreg:$0x1]  }
0x3: {  	s2 =	simm.s32 $0x0;
	s10 =	simm.s32 $0x2800;
	s11 =	simm.s32 $0x0  }
0x4: {  	s3 =	sand.u32 $0x1, s0;
	[smem:$0x7FF] =	sst s2;
	p0 =	sne.s32 s6, $0x0  }
0x5: {  	s0 =	sshll.u32 s3, $0x4;
	s7 =	smul.u32 $0x500, s3;
	s8 =	ssub.s32 $0x2, s3  }
0x6: {  	s3 =	sadd.s32 $0x17200, s4;
	s5 =	sor.u32 s6, s0;
	s0 =	rddreg [dreg:$0x2]  }
0x7: {  	_ =	strace $0x80000047;
	s9 =	sshrl.u32 s8, $0x1;
	s5 =	smul.u32 $0x500, s5  }
0x8: {  	s7 =	sadd.s32 s7, s4;
	s8 =	ssub.s32 s8, s9;
	s9 =	simm.s32 $0x80  }
0x9: {  	s6 =	smax.u32 s8, $0x1;
	s8 =	simm.s32 $0x1;
	s5 =	sadd.s32 s5, s4  }
0xa: {  	v0 =	vimm.f32 $1.000000000e+00;
	s4 =	sadd.s32 $0x3200, s5;
	s5 =	sadd.s32 $0x17800, s7;
	s7 =	sshrl.u32 @!p0 s1, $0x3  }
.LBB2_1:
0xb: {  	s12 =	simm.s32 @!p0 $0x1C01  }
0xc: {  	[spmem:s7], [sflag:s12] =	dma.local @!p0 [hbm:s3], $0x500  }
0xd: {  	s12 =	simm.s32 @!p0 $0x1  }
0xe: {  	_ =	swait.ge @!p0 [sflag:s12], $0x500  }
0xf: {  	[sflag:s12] =	ssyncset.done @!p0 $0x0  }
0x10: {  	[sflag:s12] =	ssyncadd.s32 @!p0 $0xFFFFFB00  }
0x11: {  	[tilespmem:$0x2800] =	vst v0  }
0x12: {  	[tilespmem:$0x2810] =	vst v0  }
0x13: {  	[tilespmem:$0x2820] =	vst v0  }
0x14: {  	[tilespmem:$0x2830] =	vst v0  }
0x15: {  	[tilespmem:$0x2840] =	vst v0  }
0x16: {  	[tilespmem:$0x2850] =	vst v0  }
0x17: {  	[tilespmem:$0x2860] =	vst v0  }
0x18: {  	[tilespmem:$0x2870] =	vst v0  }
0x19: {  	[tilespmem:s2], [sflag:$0x1] =	stream.linear.gather [hbm4b:s4+s2], $0x2800, $0x38;
	[tilespmem:$0x2B00] =	vst v63  }
0x1a: {  	_ =	swait.ge [sflag:s8], $0x2800  }
0x1b: {  	[sflag:s8] =	ssyncset.done $0x0  }
0x1c: {  	[sflag:s8] =	ssyncadd.s32 $0xFFFFD800  }
0x1d: {  	s31 =	simm.s32 $0x0;
	[bflag:$0x0] =	sbarrier.arrive $0xFFFF  }
0x1e: {  	[spmem:s1] =	stream.indirect.scatter.add.f32 [tilespmem:s10], [sflag:$0x1], $0x1, s31, s9, $0xb8;
	[tilespmem:$0x2B00] =	vst v63  }
0x1f: {  	_ =	swait.ge [sflag:s8], $0x80  }
0x20: {  	s12 =	simm.s32 $0x200;
	[sflag:s8] =	ssyncset.done $0x0  }
.LBB2_2:
0x21: {  	s13 =	sshra.s32 s12, $0x2;
	[sflag:s8] =	ssyncadd.s32 $0xFFFFFF80;
	p1 =	sne.s32 s12, $0x9E00  }
0x22: {  	[spmem:s1] =	stream.indirect.scatter.add.f32 [tilespmem:s10], [sflag:$0x1], $0x1, s13, s9, $0xb8;
	[tilespmem:$0x2B00] =	vst v63  }
.Ltmp0:
0x23: {  	_ = 	snop;
	(pc) =	sbr.rel @p1 .LBB2_2-.Ltmp0, $4  }
0x24: {  	_ = 	snop  }
0x25: {  	s12 =	sadd.s32 $0x200, s12  }
0x26: {  	_ =	swait.ge [sflag:s8], $0x80  }
0x27: {  	[sflag:s8] =	ssyncset.done $0x0  }
0x28: {  	[sflag:s8] =	ssyncadd.s32 $0xFFFFFF80;
	s11 =	sadd.s32 $0x1, s11  }
0x29: {  	s12 =	simm.s32 @!p0 $0x1C01;
	[bflag:$0x0] =	sbarrier.arrive $0xFFFF;
	p1 =	sne.s32 s11, s6  }
0x2a: {  	[hbm:s5], [sflag:s12] =	dma.local @!p0 [spmem:s7], $0x500  }
.Ltmp1:
0x2b: {  	_ = 	snop;
	(pc) =	sbr.rel @p1 .LBB2_1-.Ltmp1, $4  }
0x2c: {  	s12 =	simm.s32 @!p0 $0x1  }
0x2d: {  	_ =	swait.ge @!p0 [sflag:s12], $0x500  }
0x2e: {  	[sflag:s12] =	ssyncset.done @!p0 $0x0  }
0x2f: {  	[sflag:s12] =	ssyncadd.s32 @!p0 $0xFFFFFB00  }
0x30: {  	_ =	sfence.sel $0x180000  }
0x31: {  	[bflag:$0x0] =	sbarrier.arrive $0xFFFF  }
0x32: {  	_ =	strace $0x90000047  }
0x33: {  	s0 =	sadd.s32 @!p0 $0x100000, s0;
	[bflag:$0x2] =	sbarrier.arrive $0xFFFF  }
0x34: {  	[sflag:s0] =	ssyncadd.tile.s32 @!p0 $0x1;
	_ =	shalt  }
.Lfunc_end2:
_tile_overlayer_lowered:
.L_overlay_start_2:
0x35: {  	(tag) =	ssettag $0x2  }
0x36: {  	s0 =	rddreg [dreg:$0x0];
	s2 =	stileid.u32  }
0x37: {  	s1 =	rddreg [dreg:$0x1];
	p0 =	sne.s32 s2, $0x0  }
0x38: {  	s3 =	rddreg [dreg:$0x2];
	[bflag:$0x3] =	sbarrier.arrive $0xFFFF;
	s2 =	simm.s32 @!p0 $0x1C01  }
0x39: {  	[timem:s3], [sflag:s2] =	dma.local @!p0 [hbm:s0], s1  }
0x3a: {  	s0 =	simm.s32 @!p0 $0x1  }
0x3b: {  	_ =	swait.ge @!p0 [sflag:s0], s1  }
0x3c: {  	s1 =	ssub.s32 @!p0 $0x0, s1;
	[sflag:s0] =	ssyncset.done @!p0 $0x0  }
0x3d: {  	[sflag:s0] =	ssyncadd.s32 @!p0 s1  }
0x3e: {  	[bflag:$0x3] =	sbarrier.arrive $0xFFFF  }
0x3f: {  	_ =	shalt  }

// kernel: kernel.16.cloned.1.call-start
scs
__scs_entry_jumppad:
0x0: {  	(pc) =	sbr.rel $0x88, $3  }
0x1: {  	(tag) =	ssettag $0x0;
	lr =	simm.s32 $0x1  }
0x2: {  	[smem:$0x3F93] =	sst lr;
	_ =	strace $0xD0000000  }
0x3: {  	_ = 	snop  }
0x4: {  	_ = 	snop  }
0x5: {  	_ = 	snop  }
0x6: {  	_ = 	snop  }
0x7: {  	_ = 	snop  }
__scs_overlays_trampoline_lowered:
0x8: {  	[smem:$0x3FA2] =	sst s0  }
0x9: {  	[smem:$0x3FA3] =	sst s1  }
0xa: {  	[smem:$0x3FA4] =	sst s2  }
0xb: {  	[smem:$0x3FA5] =	sst s3  }
0xc: {  	[smem:$0x3FA6] =	sst s4  }
0xd: {  	[smem:$0x3FA7] =	sst s5  }
0xe: {  	[smem:$0x3FA8] =	sst s6  }
0xf: {  	[smem:$0x3FA9] =	sst s7  }
0x10: {  	[smem:$0x3FAA] =	sst s8  }
0x11: {  	[smem:$0x3FAB] =	sst s9;
	s0 =	simm.s32 @!p0 $0x0  }
0x12: {  	s1 =	sld [smem:$0x3F91];
	s0 =	simm.s32 @p0 $0x1  }
0x13: {  	[smem:$0x3FAC] =	sst s0;
	s0 =	simm.s32 @!p1 $0x0  }
0x14: {  	s2 =	sld [smem:$0x3F90];
	s0 =	simm.s32 @p1 $0x1  }
0x15: {  	[smem:$0x3FAD] =	sst s0;
	s0 =	simm.s32 @!p2 $0x0  }
0x16: {  	s3 =	sld [smem:$0x3FDB];
	s0 =	simm.s32 @p2 $0x1  }
0x17: {  	s4 =	simm.s32 $0x1BF5;
	[smem:$0x3FAF] =	sst s0  }
0x18: {  	s0 =	sld [smem:$0x3F92];
	_ =	swait.ge [sflag:s4], $0x0  }
0x19: {  	s7 =	sld [smem:$0x3F93]  }
0x1a: {  	s8 =	sadd.s32 $0xFFFFE003, lr  }
0x1b: {  	s9 =	sadd.s32 $0xFFFFFEF7, lr;
	s5 =	simm.s32 $0xFFFFFFFF;
	p2 =	slt.u32 s8, $0xFFFFF086  }
0x1c: {  	p1 =	slt.u32 s9, $0xF7A;
	s5 =	simm.s32 @!p2 $0x0  }
0x1d: {  	s5 =	simm.s32 @p1 $0x1;
	p0 =	seq.s32 s7, s2  }
0x1e: {  	s7 =	smul.u32 @!p0 $0xF7A, s2;
	p2 =	seq.s32 @!p0 s5, $0x0  }
0x1f: {  	s9 =	smul.u32 $0xF7A, s1;
	s8 =	simm.s32 @!p0 $0x1BF5;
	p2 =	por !p2, p0  }
0x20: {  	[sflag:s8] =	ssyncset.s32 @!p0 $0xFFFFF086;
	s6 =	sadd.s32 @!p0 s3, s7;
	s7 =	simm.s32 @!p0 $0x108  }
0x21: {  	s3 =	sadd.s32 s3, s9;
	s6 =	sadd.s32 @!p0 $0x88, s6;
	s7 =	simm.s32 @p2 $0x1082  }
0x22: {  	[simem:s7], [sflag:s8] =	dma.local @!p0 [hbm:s6], $0xF7A  }
0x23: {  	s9 =	sor.u32 $0xD0000000, s2;
	s6 =	simm.s32 $0x108;
	_ =	swait.ge @!p0 [sflag:s8], $0x0  }
0x24: {  	s3 =	sadd.s32 $0x88, s3;
	s6 =	simm.s32 @!p1 $0x1082;
	[sflag:s4] =	ssyncset.s32 $0xFFFFF086  }
0x25: {  	[simem:s6], [sflag:s4] =	dma.local [hbm:s3], $0xF7A  }
0x26: {  	[smem:$0x3F93] =	sst s1;
	(tag) =	ssettag s2;
	_ =	strace s9  }
0x27: {  	s1 =	sld [smem:$0x3FA3]  }
0x28: {  	s2 =	sld [smem:$0x3FA4]  }
0x29: {  	s4 =	sld [smem:$0x3FA6]  }
0x2a: {  	p0 =	seq.s32 s5, $0x0;
	s5 =	sld [smem:$0x3FA7]  }
0x2b: {  	s6 =	sld [smem:$0x3FA8]  }
0x2c: {  	s7 =	sld [smem:$0x3FA9]  }
0x2d: {  	s3 =	simm.s32 $0x108;
	s8 =	sld [smem:$0x3FAA]  }
0x2e: {  	s3 =	simm.s32 @!p0 $0x1082;
	s9 =	sld [smem:$0x3FAB]  }
0x2f: {  	lr =	sadd.s32 s0, s3;
	s0 =	sld [smem:$0x3FA2]  }
0x30: {  	s3 =	sld [smem:$0x3FA5]  }
0x31: {  	[smem:$0x3FAE] =	sst s10  }
0x32: {  	s10 =	sld [smem:$0x3FAC];
	_ =	sdelay $0x3  }
0x33: {  	p0 =	seq.s32 s10, $0x1;
	s10 =	sld [smem:$0x3FAE];
	_ =	sdelay $0x3  }
0x34: {  	[smem:$0x3FAE] =	sst s10  }
0x35: {  	s10 =	sld [smem:$0x3FAD];
	_ =	sdelay $0x3  }
0x36: {  	p1 =	seq.s32 s10, $0x1;
	s10 =	sld [smem:$0x3FAE];
	_ =	sdelay $0x3  }
0x37: {  	[smem:$0x3FAE] =	sst s10  }
0x38: {  	s10 =	sld [smem:$0x3FAF]  }
0x39: {  	_ = 	snop;
	(pc) =	sbr.ind lr, $3  }
0x3a: {  	_ = 	snop  }
0x3b: {  	_ = 	snop  }
0x3c: {  	p2 =	seq.s32 s10, $0x1;
	s10 =	sld [smem:$0x3FAE]  }
0x3d: {  	_ =	shalt  }
0x3e: {  	_ =	shalt  }
0x3f: {  	_ =	shalt  }
0x40: {  	_ =	shalt  }
0x41: {  	_ =	shalt  }
0x42: {  	_ =	shalt  }
0x43: {  	_ =	shalt  }
0x44: {  	_ =	shalt  }
0x45: {  	_ =	shalt  }
0x46: {  	_ =	shalt  }
0x47: {  	_ =	shalt  }
0x48: {  	_ =	shalt  }
0x49: {  	_ =	shalt  }
0x4a: {  	_ =	shalt  }
0x4b: {  	_ =	shalt  }
0x4c: {  	_ =	shalt  }
0x4d: {  	_ =	shalt  }
0x4e: {  	_ =	shalt  }
0x4f: {  	_ =	shalt  }
0x50: {  	_ =	shalt  }
0x51: {  	_ =	shalt  }
0x52: {  	_ =	shalt  }
0x53: {  	_ =	shalt  }
0x54: {  	_ =	shalt  }
0x55: {  	_ =	shalt  }
0x56: {  	_ =	shalt  }
0x57: {  	_ =	shalt  }
0x58: {  	_ =	shalt  }
0x59: {  	_ =	shalt  }
0x5a: {  	_ =	shalt  }
0x5b: {  	_ =	shalt  }
0x5c: {  	_ =	shalt  }
0x5d: {  	_ =	shalt  }
0x5e: {  	_ =	shalt  }
0x5f: {  	_ =	shalt  }
0x60: {  	_ =	shalt  }
0x61: {  	_ =	shalt  }
0x62: {  	_ =	shalt  }
0x63: {  	_ =	shalt  }
0x64: {  	_ =	shalt  }
0x65: {  	_ =	shalt  }
0x66: {  	_ =	shalt  }
0x67: {  	_ =	shalt  }
0x68: {  	_ =	shalt  }
0x69: {  	_ =	shalt  }
0x6a: {  	_ =	shalt  }
0x6b: {  	_ =	shalt  }
0x6c: {  	_ =	shalt  }
0x6d: {  	_ =	shalt  }
0x6e: {  	_ =	shalt  }
0x6f: {  	_ =	shalt  }
0x70: {  	_ =	shalt  }
0x71: {  	_ =	shalt  }
0x72: {  	_ =	shalt  }
0x73: {  	_ =	shalt  }
0x74: {  	_ =	shalt  }
0x75: {  	_ =	shalt  }
0x76: {  	_ =	shalt  }
0x77: {  	_ =	shalt  }
0x78: {  	_ =	shalt  }
0x79: {  	_ =	shalt  }
0x7a: {  	_ =	shalt  }
0x7b: {  	_ =	shalt  }
0x7c: {  	_ =	shalt  }
0x7d: {  	_ =	shalt  }
0x7e: {  	_ =	shalt  }
0x7f: {  	_ =	shalt  }
0x80: {  	_ =	shalt  }
0x81: {  	_ =	shalt  }
0x82: {  	_ =	shalt  }
0x83: {  	_ =	shalt  }
0x84: {  	_ =	shalt  }
0x85: {  	_ =	shalt  }
0x86: {  	_ =	shalt  }
0x87: {  	_ =	shalt  }
.Lfunc_end0:
.L_simem_size_0:
called_computation.1_lowered:
.L_overlay_start_0:
0x88: {  	s2 =	sld [smem:$0x3FD9]  }
0x89: {  	s3 =	sld [smem:$0x3FFE];
	_ =	sdelay $0x1  }
0x8a: {  	s1 =	srdreg.scid  }
0x8b: {  	s0 =	sand.u32 $0x1, s1  }
0x8c: {  	s17 =	sshll.u32 s0, $0xA;
	s2 =	sadd.s32 s3, s2  }
0x8d: {  	s2 =	sadd.s32 s2, s17  }
0x8e: {  	[smem:$0x3FBA] =	sst s2  }
0x8f: {  	_ = 	snop  }
0x90: {  	s2 =	sld [smem:$0x3FD0];
	(tm) =	ssettm $0x1  }
0x91: {  	s18 =	sld [smem:$0x3FFB];
	_ =	sdelay $0x3  }
0x92: {  	_ =	strace s18  }
0x93: {  	s3 =	sld [smem:$0x3FFC];
	_ =	sdelay $0x3  }
0x94: {  	_ =	strace s3  }
0x95: {  	s3 =	sld [smem:$0x3FFD];
	_ =	sdelay $0x3  }
0x96: {  	_ =	strace s3  }
0x97: {  	_ =	strace $0x8FFFFFFF  }
0x98: {  	s19 =	sld [smem:$0x3FDB];
	_ =	sdelay $0x1  }
0x99: {  	s4 =	simm.s32 $_scs_section_size  }
0x9a: {  	s5 =	simm.s32 $_size__tile_overlayer_lowered;
	s6 =	simm.s32 $_tile_overlayer_lowered  }
0x9b: {  	s22 =	simm.s32 $0x1BFF;
	s21 =	sshll.u32 s6, $0x1;
	s3 =	sadd.s32 s4, s19  }
0x9c: {  	s7 =	simm.s32 $0x0;
	s20 =	sshll.u32 s5, $0x1;
	s5 =	sadd.s32 s21, s3  }
0x9d: {  	[timem:s7], [sflag:s22] =	dma.local [hbm:s5], s20  }
0x9e: {  	_ =	swait.ge [sflag:s22], s20  }
0x9f: {  	s4 =	ssub.s32 $0x0, s20;
	[sflag:s22] =	ssyncset.done $0x0  }
0xa0: {  	[sflag:s22] =	ssyncadd.s32 s4;
	_ =	sdelay $0x1  }
0xa1: {  	s23 =	simm.s32 $0x1B8B  }
0xa2: {  	_ =	swait.ge [sflag:s23], $0x1  }
0xa3: {  	[sflag:s23] =	ssyncset.done $0x0  }
0xa4: {  	s25 =	simm.s32 $0x1B8E;
	s24 =	sld [smem:$0x3FFE];
	[sflag:s23] =	ssyncadd.s32 $0xFFFFFFFF  }
0xa5: {  	s26 =	simm.s32 $execute0_lowered;
	[smem:$0x3FD2] =	sst s25  }
0xa6: {  	s5 =	sshll.u32 s26, $0x1;
	_ =	strace $0x80000049;
	[dreg:$0x1] =	wrdreg $0xFFFFFFFF  }
0xa7: {  	s28 =	simm.s32 $_size_execute0_lowered;
	s3 =	sadd.s32 s3, s5;
	[dreg:$0x0] =	wrdreg $0x0  }
0xa8: {  	s5 =	sshll.u32 s28, $0x1;
	[dreg:$0x2] =	wrdreg s3  }
0xa9: {  	[dreg:$0x3] =	wrdreg s5  }
0xaa: {  	[dreg:$0x4] =	wrdreg $0xC0  }
0xab: {  	_ =	task [dreg:s7], $0x5FFFF  }
0xac: {  	[dreg:$0x1] =	wrdreg $0xFFFFFFFF  }
0xad: {  	[dreg:$0x0] =	wrdreg $0x60  }
0xae: {  	[dreg:$0x2] =	wrdreg s24  }
0xaf: {  	[dreg:$0x3] =	wrdreg s2  }
0xb0: {  	[dreg:$0x4] =	wrdreg $0x120000  }
0xb1: {  	[dreg:$0x5] =	wrdreg $0x9  }
0xb2: {  	_ =	task.clear_ibuf [dreg:s7], $0x6FFFF;
	_ =	strace $0x90000049  }
0xb3: {  	s29 =	simm.s32 $0x9;
	_ =	strace $0x8000004B  }
0xb4: {  	_ =	swait.ge [sflag:s29], $0x1  }
0xb5: {  	[sflag:s29] =	ssyncadd.s32 $0xFFFFFFFF  }
0xb6: {  	_ =	strace $0x9000004B  }
0xb7: {  	_ =	sfence  }
0xb8: {  	s30 =	sld [smem:$0x0];
	_ =	sdelay $0x2  }
0xb9: {  	s31 =	sshll.u32 s1, $0xD;
	s1 =	sshrl.u32 s1, $0x2  }
0xba: {  	s3 =	sand.u32 $0x4000, s31;
	s1 =	sadd.s32 s1, s30  }
0xbb: {  	s0 =	sor.u32 s3, s0;
	s1 =	sshll.u32 s1, $0x11  }
0xbc: {  	s0 =	sor.u32 s1, s0  }
0xbd: {  	s0 =	sadd.s32 $0x8F2B, s0  }
0xbe: {  	[sflag:s0] =	ssyncadd.remote.s32 $0x1  }
0xbf: {  	_ =	sfence.sel $0xFFFF  }
0xc0: {  	[dreg:$0x0] =	wrdreg $0xFFFFFFFF;
	(pc) =	sbr.abs _section_cstart, $3  }
0xc1: {  	[dreg:$0x1] =	wrdreg $0xFFFFFFFF  }
0xc2: {  	_ =	task.clear_ibuf [dreg:s7], $0x2FFFF;
	_ =	strace $0x9FFFFFFF  }
0xc3: {  	(tm) =	ssettm $0x7FFFFFFF  }
tec
execute0_lowered:
.L_overlay_start_1:
0x0: {  	(tag) =	ssettag $0x1  }
0x1: {  	s5 =	rddreg [dreg:$0x0]  }
0x2: {  	s7 =	rddreg [dreg:$0x1];
	s0 =	stileid.u32  }
0x3: {  	s1 =	srdreg.scid;
	s2 =	rddreg [dreg:$0x2];
	s3 =	simm.s32 $0x0  }
0x4: {  	s16 =	simm.s32 $0xE000;
	s17 =	simm.s32 $0x1;
	s18 =	simm.s32 $0x80  }
0x5: {  	s19 =	simm.s32 $0xC000;
	s20 =	simm.s32 $0x3;
	s6 =	smul.u32 $0xA00, s0  }
0x6: {  	s21 =	simm.s32 $0x2;
	s22 =	simm.s32 $0x10000;
	s10 =	smul.u32 $0x280, s0  }
0x7: {  	s23 =	simm.s32 $0x4F00;
	s28 =	simm.s32 $0x9F80;
	s11 =	smul.u32 $0x28000, s0  }
0x8: {  	s29 =	simm.s32 $0x0;
	s8 =	sand.u32 $0x1, s1;
	s12 =	smul.u32 $0x5000, s0  }
0x9: {  	[smem:$0x7FF] =	sst s3;
	s4 =	sadd.s32 $0x17200, s5;
	s9 =	smul.u32 $0x2800, s8  }
0xa: {  	s31 =	sshll.u32 s0, $0x6;
	s24 =	smul.u32 $0x50000, s8;
	s8 =	ssub.s32 $0x2, s8  }
0xb: {  	_ =	strace $0x8000004A;
	s13 =	sadd.s32 s6, s5;
	s25 =	sshrl.u32 s8, $0x1  }
0xc: {  	s26 =	sshrl.u32 s11, $0x2;
	s6 =	sor.u32 $0x1C04, s31;
	s9 =	sadd.s32 s10, s9  }
0xd: {  	s15 =	ssub.s32 s8, s25;
	s30 =	sadd.s32 s12, s24;
	s11 =	sadd.s32 s26, s2  }
0xe: {  	s8 =	sadd.s32 $0xD200, s13;
	s12 =	simm.s32 $0x4;
	s24 =	simm.s32 $0x9E00  }
0xf: {  	s25 =	simm.s32 $0x9E80;
	s26 =	simm.s32 $0x9F00;
	s9 =	sshll.u32 s9, $0x3  }
0x10: {  	s10 =	sshrl.u32 s30, $0x3;
	s11 =	sshrl.u32 s11, $0x3;
	s14 =	sadd.s32 s9, s5  }
0x11: {  	s5 =	sadd.s32 s4, s9;
	s7 =	sadd.s32 s7, s10;
	s10 =	smax.u32 s15, $0x1  }
0x12: {  	s15 =	simm.s32 $0xA000;
	s9 =	sadd.s32 $0x3F200, s14;
	s14 =	simm.s32 $0x100  }
.LBB2_1:
0x13: {  	[spmem:s11], [sflag:s6] =	dma.local [hbm:s5], $0x1400  }
0x14: {  	_ =	swait.ge [sflag:s12], $0x1400  }
0x15: {  	[sflag:s12] =	ssyncset.done $0x0  }
0x16: {  	[sflag:s12] =	ssyncadd.s32 $0xFFFFEC00  }
0x17: {  	[tilespmem:s3], [sflag:$0x4] =	stream.linear.gather [hbm4b:s7+s3], $0x5000, $0x38;
	[tilespmem:$0x1C000] =	vst v63  }
0x18: {  	_ =	swait.ge [sflag:s12], $0x5000  }
0x19: {  	[sflag:s12] =	ssyncset.done $0x0  }
0x1a: {  	s0 =	simm.s32 $0x5000;
	[sflag:s12] =	ssyncadd.s32 $0xFFFFB000  }
0x1b: {  	[tilespmem:s0], [sflag:$0x4] =	stream.linear.gather [hbm4b:s8+s3], $0x5000, $0x38;
	[tilespmem:$0x1C000] =	vst v63  }
0x1c: {  	_ =	swait.ge [sflag:s12], $0x5000  }
0x1d: {  	[sflag:s12] =	ssyncset.done $0x0  }
0x1e: {  	[sflag:s12] =	ssyncadd.s32 $0xFFFFB000  }
0x1f: {  	[bflag:$0x0] =	sbarrier.arrive $0xFFFF  }
0x20: {  	[tilespmem:s15], [sflag:$0x1] =	stream.indirect.gather [hbm4b:s4+s14], $0x40, s3, s14, $0xb8;
	[tilespmem:$0x1C000] =	vst v63  }
0x21: {  	s30 =	simm.s32 $0x100  }
0x22: {  	[tilespmem:s16], [sflag:$0x2] =	stream.indirect.gather [hbm4b:s4+s14], $0x40, s30, s14, $0xb8;
	[tilespmem:$0x1C000] =	vst v63  }
0x23: {  	_ =	swait.ge [sflag:s17], $0x4000  }
0x24: {  	[sflag:s17] =	ssyncset.done $0x0  }
0x25: {  	s30 =	simm.s32 $0x5000;
	[sflag:s17] =	ssyncadd.s32 $0xFFFFC000  }
0x26: {  	[spmem:s2] =	stream.indirect.scatter.add.f32 [tilespmem:s15], [sflag:$0x3], $0x40, s30, s18, $0xb8;
	[tilespmem:$0x1C000] =	vst v63  }
0x27: {  	s30 =	simm.s32 $0x5080  }
0x28: {  	[spmem:s2] =	stream.indirect.scatter.add.f32 [tilespmem:s19], [sflag:$0x3], $0x40, s30, s18, $0xb8;
	[tilespmem:$0x1C000] =	vst v63  }
0x29: {  	_ =	swait.ge [sflag:s20], $0x2000  }
0x2a: {  	[sflag:s20] =	ssyncset.done $0x0  }
0x2b: {  	[sflag:s20] =	ssyncadd.s32 $0xFFFFE000  }
0x2c: {  	_ =	swait.ge [sflag:s20], $0x2000  }
0x2d: {  	[sflag:s20] =	ssyncset.done $0x0  }
0x2e: {  	s30 =	simm.s32 $0x200;
	[sflag:s20] =	ssyncadd.s32 $0xFFFFE000  }
0x2f: {  	[tilespmem:s15], [sflag:$0x1] =	stream.indirect.gather [hbm4b:s4+s14], $0x40, s30, s14, $0xb8;
	[tilespmem:$0x1C000] =	vst v63  }
0x30: {  	_ =	swait.ge [sflag:s21], $0x4000  }
0x31: {  	[sflag:s21] =	ssyncset.done $0x0  }
0x32: {  	s30 =	simm.s32 $0x5100;
	[sflag:s21] =	ssyncadd.s32 $0xFFFFC000  }
0x33: {  	[spmem:s2] =	stream.indirect.scatter.add.f32 [tilespmem:s16], [sflag:$0x3], $0x40, s30, s18, $0xb8;
	[tilespmem:$0x1C000] =	vst v63  }
0x34: {  	s30 =	simm.s32 $0x5180  }
0x35: {  	[spmem:s2] =	stream.indirect.scatter.add.f32 [tilespmem:s22], [sflag:$0x3], $0x40, s30, s18, $0xb8;
	[tilespmem:$0x1C000] =	vst v63  }
0x36: {  	_ =	swait.ge [sflag:s20], $0x2000  }
0x37: {  	[sflag:s20] =	ssyncset.done $0x0  }
0x38: {  	[sflag:s20] =	ssyncadd.s32 $0xFFFFE000  }
0x39: {  	_ =	swait.ge [sflag:s20], $0x2000  }
0x3a: {  	s31 =	simm.s32 $0x1000;
	s30 =	simm.s32 $0x200;
	[sflag:s20] =	ssyncset.done $0x0  }
.LBB2_2:
0x3b: {  	s1 =	sadd.s32 $0x100, s30  }
0x3c: {  	[sflag:s20] =	ssyncadd.s32 $0xFFFFE000;
	s0 =	smov.u32 s31;
	s13 =	sadd.s32 $0x800, s31  }
0x3d: {  	[tilespmem:s16], [sflag:$0x2] =	stream.indirect.gather [hbm4b:s4+s14], $0x40, s1, s14, $0xb8;
	[tilespmem:$0x1C000] =	vst v63  }
0x3e: {  	p0 =	sne.s32 s31, $0x13000;
	_ =	swait.ge [sflag:s17], $0x4000  }
0x3f: {  	[sflag:s17] =	ssyncset.done $0x0  }
0x40: {  	s1 =	sadd.s32 $0x5000, s30;
	[sflag:s17] =	ssyncadd.s32 $0xFFFFC000  }
0x41: {  	[spmem:s2] =	stream.indirect.scatter.add.f32 [tilespmem:s15], [sflag:$0x3], $0x40, s1, s18, $0xb8;
	[tilespmem:$0x1C000] =	vst v63  }
0x42: {  	s1 =	sadd.s32 $0x5080, s30  }
0x43: {  	[spmem:s2] =	stream.indirect.scatter.add.f32 [tilespmem:s19], [sflag:$0x3], $0x40, s1, s18, $0xb8;
	[tilespmem:$0x1C000] =	vst v63  }
0x44: {  	_ =	swait.ge [sflag:s20], $0x2000  }
0x45: {  	[sflag:s20] =	ssyncset.done $0x0  }
0x46: {  	[sflag:s20] =	ssyncadd.s32 $0xFFFFE000  }
0x47: {  	_ =	swait.ge [sflag:s20], $0x2000  }
0x48: {  	[sflag:s20] =	ssyncset.done $0x0  }
0x49: {  	s1 =	sadd.s32 $0x200, s30;
	[sflag:s20] =	ssyncadd.s32 $0xFFFFE000  }
0x4a: {  	[tilespmem:s15], [sflag:$0x1] =	stream.indirect.gather [hbm4b:s4+s14], $0x40, s1, s14, $0xb8;
	[tilespmem:$0x1C000] =	vst v63  }
0x4b: {  	_ =	swait.ge [sflag:s21], $0x4000  }
0x4c: {  	[sflag:s21] =	ssyncset.done $0x0  }
0x4d: {  	s1 =	sadd.s32 $0x5100, s30;
	[sflag:s21] =	ssyncadd.s32 $0xFFFFC000  }
0x4e: {  	[spmem:s2] =	stream.indirect.scatter.add.f32 [tilespmem:s16], [sflag:$0x3], $0x40, s1, s18, $0xb8;
	[tilespmem:$0x1C000] =	vst v63  }
0x4f: {  	s1 =	sadd.s32 $0x5180, s30  }
0x50: {  	[spmem:s2] =	stream.indirect.scatter.add.f32 [tilespmem:s22], [sflag:$0x3], $0x40, s1, s18, $0xb8;
	[tilespmem:$0x1C000] =	vst v63  }
.Ltmp0:
0x51: {  	_ =	swait.ge [sflag:s20], $0x2000;
	(pc) =	sbr.rel @p0 .LBB2_2-.Ltmp0, $4  }
0x52: {  	[sflag:s20] =	ssyncset.done $0x0  }
0x53: {  	[sflag:s20] =	ssyncadd.s32 $0xFFFFE000  }
0x54: {  	_ =	swait.ge [sflag:s20], $0x2000  }
0x55: {  	s31 =	smov.u32 s13;
	s30 =	sshra.s32 s0, $0x2;
	[sflag:s20] =	ssyncset.done $0x0  }
0x56: {  	s0 =	sadd.s32 $0x100, s30;
	[sflag:s20] =	ssyncadd.s32 $0xFFFFE000  }
0x57: {  	[tilespmem:s16], [sflag:$0x2] =	stream.indirect.gather [hbm4b:s4+s14], $0x40, s0, s14, $0xb8;
	[tilespmem:$0x1C000] =	vst v63  }
0x58: {  	_ =	swait.ge [sflag:s17], $0x4000  }
0x59: {  	[sflag:s17] =	ssyncset.done $0x0  }
0x5a: {  	s13 =	sadd.s32 $0x5000, s30;
	[sflag:s17] =	ssyncadd.s32 $0xFFFFC000  }
0x5b: {  	[spmem:s2] =	stream.indirect.scatter.add.f32 [tilespmem:s15], [sflag:$0x3], $0x40, s13, s18, $0xb8;
	[tilespmem:$0x1C000] =	vst v63  }
0x5c: {  	s31 =	sadd.s32 $0x5080, s30  }
0x5d: {  	[spmem:s2] =	stream.indirect.scatter.add.f32 [tilespmem:s19], [sflag:$0x3], $0x40, s31, s18, $0xb8;
	[tilespmem:$0x1C000] =	vst v63  }
0x5e: {  	_ =	swait.ge [sflag:s20], $0x2000  }
0x5f: {  	[sflag:s20] =	ssyncset.done $0x0  }
0x60: {  	[sflag:s20] =	ssyncadd.s32 $0xFFFFE000  }
0x61: {  	_ =	swait.ge [sflag:s20], $0x2000  }
0x62: {  	[sflag:s20] =	ssyncset.done $0x0  }
0x63: {  	s1 =	sadd.s32 $0x200, s30;
	[sflag:s20] =	ssyncadd.s32 $0xFFFFE000  }
0x64: {  	[tilespmem:s15], [sflag:$0x1] =	stream.indirect.gather [hbm4b:s4+s14], $0x40, s1, s14, $0xb8;
	[tilespmem:$0x1C000] =	vst v63  }
0x65: {  	_ =	swait.ge [sflag:s21], $0x4000  }
0x66: {  	[sflag:s21] =	ssyncset.done $0x0  }
0x67: {  	s13 =	sadd.s32 $0x5100, s30;
	[sflag:s21] =	ssyncadd.s32 $0xFFFFC000  }
0x68: {  	[spmem:s2] =	stream.indirect.scatter.add.f32 [tilespmem:s16], [sflag:$0x3], $0x40, s13, s18, $0xb8;
	[tilespmem:$0x1C000] =	vst v63  }
0x69: {  	s31 =	sadd.s32 $0x5180, s30  }
0x6a: {  	[spmem:s2] =	stream.indirect.scatter.add.f32 [tilespmem:s22], [sflag:$0x3], $0x40, s31, s18, $0xb8;
	[tilespmem:$0x1C000] =	vst v63  }
0x6b: {  	_ =	swait.ge [sflag:s20], $0x2000  }
0x6c: {  	[sflag:s20] =	ssyncset.done $0x0  }
0x6d: {  	[sflag:s20] =	ssyncadd.s32 $0xFFFFE000  }
0x6e: {  	_ =	swait.ge [sflag:s20], $0x2000  }
0x6f: {  	[sflag:s20] =	ssyncset.done $0x0  }
0x70: {  	[sflag:s20] =	ssyncadd.s32 $0xFFFFE000  }
0x71: {  	[tilespmem:s16], [sflag:$0x2] =	stream.indirect.gather [hbm4b:s4+s14], $0x40, s23, s14, $0xb8;
	[tilespmem:$0x1C000] =	vst v63  }
0x72: {  	_ =	swait.ge [sflag:s17], $0x4000  }
0x73: {  	[sflag:s17] =	ssyncset.done $0x0  }
0x74: {  	[sflag:s17] =	ssyncadd.s32 $0xFFFFC000  }
0x75: {  	[spmem:s2] =	stream.indirect.scatter.add.f32 [tilespmem:s15], [sflag:$0x3], $0x40, s24, s18, $0xb8;
	[tilespmem:$0x1C000] =	vst v63  }
0x76: {  	_ = 	snop  }
0x77: {  	[spmem:s2] =	stream.indirect.scatter.add.f32 [tilespmem:s19], [sflag:$0x3], $0x40, s25, s18, $0xb8;
	[tilespmem:$0x1C000] =	vst v63  }
0x78: {  	_ =	swait.ge [sflag:s20], $0x2000  }
0x79: {  	[sflag:s20] =	ssyncset.done $0x0  }
0x7a: {  	[sflag:s20] =	ssyncadd.s32 $0xFFFFE000  }
0x7b: {  	_ =	swait.ge [sflag:s20], $0x2000  }
0x7c: {  	[sflag:s20] =	ssyncset.done $0x0  }
0x7d: {  	[sflag:s20] =	ssyncadd.s32 $0xFFFFE000  }
0x7e: {  	_ =	swait.ge [sflag:s21], $0x4000  }
0x7f: {  	[sflag:s21] =	ssyncset.done $0x0  }
0x80: {  	[sflag:s21] =	ssyncadd.s32 $0xFFFFC000  }
0x81: {  	[spmem:s2] =	stream.indirect.scatter.add.f32 [tilespmem:s16], [sflag:$0x3], $0x40, s26, s18, $0xb8;
	[tilespmem:$0x1C000] =	vst v63  }
0x82: {  	_ = 	snop  }
0x83: {  	[spmem:s2] =	stream.indirect.scatter.add.f32 [tilespmem:s22], [sflag:$0x3], $0x40, s28, s18, $0xb8;
	[tilespmem:$0x1C000] =	vst v63  }
0x84: {  	_ =	swait.ge [sflag:s20], $0x2000  }
0x85: {  	[sflag:s20] =	ssyncset.done $0x0  }
0x86: {  	[sflag:s20] =	ssyncadd.s32 $0xFFFFE000  }
0x87: {  	_ =	swait.ge [sflag:s20], $0x2000  }
0x88: {  	s29 =	sadd.s32 $0x1, s29;
	[sflag:s20] =	ssyncset.done $0x0  }
0x89: {  	p0 =	sne.s32 s29, s10;
	[sflag:s20] =	ssyncadd.s32 $0xFFFFE000  }
.Ltmp1:
0x8a: {  	[bflag:$0x0] =	sbarrier.arrive $0xFFFF;
	(pc) =	sbr.rel @p0 .LBB2_1-.Ltmp1, $4  }
0x8b: {  	[hbm:s9], [sflag:s6] =	dma.local [spmem:s11], $0x1400  }
0x8c: {  	_ =	swait.ge [sflag:s12], $0x1400  }
0x8d: {  	[sflag:s12] =	ssyncset.done $0x0  }
0x8e: {  	[sflag:s12] =	ssyncadd.s32 $0xFFFFEC00  }
0x8f: {  	_ =	sfence.sel $0x180000  }
0x90: {  	[bflag:$0x0] =	sbarrier.arrive $0xFFFF  }
0x91: {  	_ =	strace $0x9000004A  }
0x92: {  	s0 =	stileid.u32;
	[bflag:$0x2] =	sbarrier.arrive $0xFFFF  }
0x93: {  	p0 =	sne.s32 s0, $0x0;
	s0 =	rddreg [dreg:$0x3]  }
0x94: {  	s0 =	sadd.s32 @!p0 $0x100000, s0  }
0x95: {  	[sflag:s0] =	ssyncadd.tile.s32 @!p0 $0x1;
	_ =	shalt  }
.Lfunc_end2:
_tile_overlayer_lowered:
.L_overlay_start_2:
0x96: {  	(tag) =	ssettag $0x2  }
0x97: {  	s0 =	rddreg [dreg:$0x0];
	s2 =	stileid.u32  }
0x98: {  	s1 =	rddreg [dreg:$0x1];
	p0 =	sne.s32 s2, $0x0  }
0x99: {  	s3 =	rddreg [dreg:$0x2];
	[bflag:$0x3] =	sbarrier.arrive $0xFFFF;
	s2 =	simm.s32 @!p0 $0x1C04  }
0x9a: {  	[timem:s3], [sflag:s2] =	dma.local @!p0 [hbm:s0], s1  }
0x9b: {  	s0 =	simm.s32 @!p0 $0x4  }
0x9c: {  	_ =	swait.ge @!p0 [sflag:s0], s1  }
0x9d: {  	s1 =	ssub.s32 @!p0 $0x0, s1;
	[sflag:s0] =	ssyncset.done @!p0 $0x0  }
0x9e: {  	[sflag:s0] =	ssyncadd.s32 @!p0 s1  }
0x9f: {  	[bflag:$0x3] =	sbarrier.arrive $0xFFFF  }
0xa0: {  	_ =	shalt  }

// kernel: kernel.19.cloned.1.call-start
scs
__scs_entry_jumppad:
0x0: {  	(pc) =	sbr.rel $0x88, $3  }
0x1: {  	(tag) =	ssettag $0x0;
	lr =	simm.s32 $0x1  }
0x2: {  	[smem:$0x3F93] =	sst lr;
	_ =	strace $0xD0000000  }
0x3: {  	_ = 	snop  }
0x4: {  	_ = 	snop  }
0x5: {  	_ = 	snop  }
0x6: {  	_ = 	snop  }
0x7: {  	_ = 	snop  }
__scs_overlays_trampoline_lowered:
0x8: {  	[smem:$0x3FA2] =	sst s0  }
0x9: {  	[smem:$0x3FA3] =	sst s1  }
0xa: {  	[smem:$0x3FA4] =	sst s2  }
0xb: {  	[smem:$0x3FA5] =	sst s3  }
0xc: {  	[smem:$0x3FA6] =	sst s4  }
0xd: {  	[smem:$0x3FA7] =	sst s5  }
0xe: {  	[smem:$0x3FA8] =	sst s6  }
0xf: {  	[smem:$0x3FA9] =	sst s7  }
0x10: {  	[smem:$0x3FAA] =	sst s8  }
0x11: {  	[smem:$0x3FAB] =	sst s9;
	s0 =	simm.s32 @!p0 $0x0  }
0x12: {  	s1 =	sld [smem:$0x3F91];
	s0 =	simm.s32 @p0 $0x1  }
0x13: {  	[smem:$0x3FAC] =	sst s0;
	s0 =	simm.s32 @!p1 $0x0  }
0x14: {  	s2 =	sld [smem:$0x3F90];
	s0 =	simm.s32 @p1 $0x1  }
0x15: {  	[smem:$0x3FAD] =	sst s0;
	s0 =	simm.s32 @!p2 $0x0  }
0x16: {  	s3 =	sld [smem:$0x3FDB];
	s0 =	simm.s32 @p2 $0x1  }
0x17: {  	s4 =	simm.s32 $0x1BF5;
	[smem:$0x3FAF] =	sst s0  }
0x18: {  	s0 =	sld [smem:$0x3F92];
	_ =	swait.ge [sflag:s4], $0x0  }
0x19: {  	s7 =	sld [smem:$0x3F93]  }
0x1a: {  	s8 =	sadd.s32 $0xFFFFE003, lr  }
0x1b: {  	s9 =	sadd.s32 $0xFFFFFEF7, lr;
	s5 =	simm.s32 $0xFFFFFFFF;
	p2 =	slt.u32 s8, $0xFFFFF086  }
0x1c: {  	p1 =	slt.u32 s9, $0xF7A;
	s5 =	simm.s32 @!p2 $0x0  }
0x1d: {  	s5 =	simm.s32 @p1 $0x1;
	p0 =	seq.s32 s7, s2  }
0x1e: {  	s7 =	smul.u32 @!p0 $0xF7A, s2;
	p2 =	seq.s32 @!p0 s5, $0x0  }
0x1f: {  	s9 =	smul.u32 $0xF7A, s1;
	s8 =	simm.s32 @!p0 $0x1BF5;
	p2 =	por !p2, p0  }
0x20: {  	[sflag:s8] =	ssyncset.s32 @!p0 $0xFFFFF086;
	s6 =	sadd.s32 @!p0 s3, s7;
	s7 =	simm.s32 @!p0 $0x108  }
0x21: {  	s3 =	sadd.s32 s3, s9;
	s6 =	sadd.s32 @!p0 $0x88, s6;
	s7 =	simm.s32 @p2 $0x1082  }
0x22: {  	[simem:s7], [sflag:s8] =	dma.local @!p0 [hbm:s6], $0xF7A  }
0x23: {  	s9 =	sor.u32 $0xD0000000, s2;
	s6 =	simm.s32 $0x108;
	_ =	swait.ge @!p0 [sflag:s8], $0x0  }
0x24: {  	s3 =	sadd.s32 $0x88, s3;
	s6 =	simm.s32 @!p1 $0x1082;
	[sflag:s4] =	ssyncset.s32 $0xFFFFF086  }
0x25: {  	[simem:s6], [sflag:s4] =	dma.local [hbm:s3], $0xF7A  }
0x26: {  	[smem:$0x3F93] =	sst s1;
	(tag) =	ssettag s2;
	_ =	strace s9  }
0x27: {  	s1 =	sld [smem:$0x3FA3]  }
0x28: {  	s2 =	sld [smem:$0x3FA4]  }
0x29: {  	s4 =	sld [smem:$0x3FA6]  }
0x2a: {  	p0 =	seq.s32 s5, $0x0;
	s5 =	sld [smem:$0x3FA7]  }
0x2b: {  	s6 =	sld [smem:$0x3FA8]  }
0x2c: {  	s7 =	sld [smem:$0x3FA9]  }
0x2d: {  	s3 =	simm.s32 $0x108;
	s8 =	sld [smem:$0x3FAA]  }
0x2e: {  	s3 =	simm.s32 @!p0 $0x1082;
	s9 =	sld [smem:$0x3FAB]  }
0x2f: {  	lr =	sadd.s32 s0, s3;
	s0 =	sld [smem:$0x3FA2]  }
0x30: {  	s3 =	sld [smem:$0x3FA5]  }
0x31: {  	[smem:$0x3FAE] =	sst s10  }
0x32: {  	s10 =	sld [smem:$0x3FAC];
	_ =	sdelay $0x3  }
0x33: {  	p0 =	seq.s32 s10, $0x1;
	s10 =	sld [smem:$0x3FAE];
	_ =	sdelay $0x3  }
0x34: {  	[smem:$0x3FAE] =	sst s10  }
0x35: {  	s10 =	sld [smem:$0x3FAD];
	_ =	sdelay $0x3  }
0x36: {  	p1 =	seq.s32 s10, $0x1;
	s10 =	sld [smem:$0x3FAE];
	_ =	sdelay $0x3  }
0x37: {  	[smem:$0x3FAE] =	sst s10  }
0x38: {  	s10 =	sld [smem:$0x3FAF]  }
0x39: {  	_ = 	snop;
	(pc) =	sbr.ind lr, $3  }
0x3a: {  	_ = 	snop  }
0x3b: {  	_ = 	snop  }
0x3c: {  	p2 =	seq.s32 s10, $0x1;
	s10 =	sld [smem:$0x3FAE]  }
0x3d: {  	_ =	shalt  }
0x3e: {  	_ =	shalt  }
0x3f: {  	_ =	shalt  }
0x40: {  	_ =	shalt  }
0x41: {  	_ =	shalt  }
0x42: {  	_ =	shalt  }
0x43: {  	_ =	shalt  }
0x44: {  	_ =	shalt  }
0x45: {  	_ =	shalt  }
0x46: {  	_ =	shalt  }
0x47: {  	_ =	shalt  }
0x48: {  	_ =	shalt  }
0x49: {  	_ =	shalt  }
0x4a: {  	_ =	shalt  }
0x4b: {  	_ =	shalt  }
0x4c: {  	_ =	shalt  }
0x4d: {  	_ =	shalt  }
0x4e: {  	_ =	shalt  }
0x4f: {  	_ =	shalt  }
0x50: {  	_ =	shalt  }
0x51: {  	_ =	shalt  }
0x52: {  	_ =	shalt  }
0x53: {  	_ =	shalt  }
0x54: {  	_ =	shalt  }
0x55: {  	_ =	shalt  }
0x56: {  	_ =	shalt  }
0x57: {  	_ =	shalt  }
0x58: {  	_ =	shalt  }
0x59: {  	_ =	shalt  }
0x5a: {  	_ =	shalt  }
0x5b: {  	_ =	shalt  }
0x5c: {  	_ =	shalt  }
0x5d: {  	_ =	shalt  }
0x5e: {  	_ =	shalt  }
0x5f: {  	_ =	shalt  }
0x60: {  	_ =	shalt  }
0x61: {  	_ =	shalt  }
0x62: {  	_ =	shalt  }
0x63: {  	_ =	shalt  }
0x64: {  	_ =	shalt  }
0x65: {  	_ =	shalt  }
0x66: {  	_ =	shalt  }
0x67: {  	_ =	shalt  }
0x68: {  	_ =	shalt  }
0x69: {  	_ =	shalt  }
0x6a: {  	_ =	shalt  }
0x6b: {  	_ =	shalt  }
0x6c: {  	_ =	shalt  }
0x6d: {  	_ =	shalt  }
0x6e: {  	_ =	shalt  }
0x6f: {  	_ =	shalt  }
0x70: {  	_ =	shalt  }
0x71: {  	_ =	shalt  }
0x72: {  	_ =	shalt  }
0x73: {  	_ =	shalt  }
0x74: {  	_ =	shalt  }
0x75: {  	_ =	shalt  }
0x76: {  	_ =	shalt  }
0x77: {  	_ =	shalt  }
0x78: {  	_ =	shalt  }
0x79: {  	_ =	shalt  }
0x7a: {  	_ =	shalt  }
0x7b: {  	_ =	shalt  }
0x7c: {  	_ =	shalt  }
0x7d: {  	_ =	shalt  }
0x7e: {  	_ =	shalt  }
0x7f: {  	_ =	shalt  }
0x80: {  	_ =	shalt  }
0x81: {  	_ =	shalt  }
0x82: {  	_ =	shalt  }
0x83: {  	_ =	shalt  }
0x84: {  	_ =	shalt  }
0x85: {  	_ =	shalt  }
0x86: {  	_ =	shalt  }
0x87: {  	_ =	shalt  }
.Lfunc_end0:
.L_simem_size_0:
called_computation.2_lowered:
.L_overlay_start_0:
0x88: {  	s2 =	sld [smem:$0x3FD9]  }
0x89: {  	s3 =	sld [smem:$0x3FFE];
	_ =	sdelay $0x1  }
0x8a: {  	s1 =	srdreg.scid  }
0x8b: {  	s0 =	sand.u32 $0x1, s1  }
0x8c: {  	s17 =	sshll.u32 s0, $0xA;
	s2 =	sadd.s32 s3, s2  }
0x8d: {  	s2 =	sadd.s32 s2, s17  }
0x8e: {  	[smem:$0x3FBA] =	sst s2  }
0x8f: {  	_ = 	snop  }
0x90: {  	s2 =	sld [smem:$0x3FD0];
	(tm) =	ssettm $0x1  }
0x91: {  	s18 =	sld [smem:$0x3FFB];
	_ =	sdelay $0x3  }
0x92: {  	_ =	strace s18  }
0x93: {  	s3 =	sld [smem:$0x3FFC];
	_ =	sdelay $0x3  }
0x94: {  	_ =	strace s3  }
0x95: {  	s3 =	sld [smem:$0x3FFD];
	_ =	sdelay $0x3  }
0x96: {  	_ =	strace s3  }
0x97: {  	_ =	strace $0x8FFFFFFF  }
0x98: {  	s19 =	sld [smem:$0x3FDB];
	_ =	sdelay $0x1  }
0x99: {  	s4 =	simm.s32 $_scs_section_size  }
0x9a: {  	s5 =	simm.s32 $_size__tile_overlayer_lowered;
	s6 =	simm.s32 $_tile_overlayer_lowered  }
0x9b: {  	s22 =	simm.s32 $0x1BFF;
	s21 =	sshll.u32 s6, $0x1;
	s3 =	sadd.s32 s4, s19  }
0x9c: {  	s7 =	simm.s32 $0x0;
	s20 =	sshll.u32 s5, $0x1;
	s5 =	sadd.s32 s21, s3  }
0x9d: {  	[timem:s7], [sflag:s22] =	dma.local [hbm:s5], s20  }
0x9e: {  	_ =	swait.ge [sflag:s22], s20  }
0x9f: {  	s4 =	ssub.s32 $0x0, s20;
	[sflag:s22] =	ssyncset.done $0x0  }
0xa0: {  	[sflag:s22] =	ssyncadd.s32 s4;
	_ =	sdelay $0x1  }
0xa1: {  	s23 =	simm.s32 $0x1B8B  }
0xa2: {  	_ =	swait.ge [sflag:s23], $0x1  }
0xa3: {  	[sflag:s23] =	ssyncset.done $0x0  }
0xa4: {  	s25 =	simm.s32 $0x1B8E;
	s24 =	sld [smem:$0x3FFE];
	[sflag:s23] =	ssyncadd.s32 $0xFFFFFFFF  }
0xa5: {  	s26 =	simm.s32 $execute0_lowered;
	[smem:$0x3FD2] =	sst s25  }
0xa6: {  	s5 =	sshll.u32 s26, $0x1;
	_ =	strace $0x8000004C;
	[dreg:$0x1] =	wrdreg $0xFFFFFFFF  }
0xa7: {  	s28 =	simm.s32 $_size_execute0_lowered;
	s3 =	sadd.s32 s3, s5;
	[dreg:$0x0] =	wrdreg $0x0  }
0xa8: {  	s5 =	sshll.u32 s28, $0x1;
	[dreg:$0x2] =	wrdreg s3  }
0xa9: {  	[dreg:$0x3] =	wrdreg s5  }
0xaa: {  	[dreg:$0x4] =	wrdreg $0xC0  }
0xab: {  	_ =	task [dreg:s7], $0x5FFFF  }
0xac: {  	[dreg:$0x1] =	wrdreg $0xFFFFFFFF  }
0xad: {  	[dreg:$0x0] =	wrdreg $0x60  }
0xae: {  	[dreg:$0x2] =	wrdreg s24  }
0xaf: {  	[dreg:$0x3] =	wrdreg s2  }
0xb0: {  	[dreg:$0x4] =	wrdreg $0x120000  }
0xb1: {  	[dreg:$0x5] =	wrdreg $0x9  }
0xb2: {  	_ =	task.clear_ibuf [dreg:s7], $0x6FFFF;
	_ =	strace $0x9000004C  }
0xb3: {  	s29 =	simm.s32 $0x9;
	_ =	strace $0x8000004E  }
0xb4: {  	_ =	swait.ge [sflag:s29], $0x1  }
0xb5: {  	[sflag:s29] =	ssyncadd.s32 $0xFFFFFFFF  }
0xb6: {  	_ =	strace $0x9000004E  }
0xb7: {  	_ =	sfence  }
0xb8: {  	s30 =	sld [smem:$0x0];
	_ =	sdelay $0x2  }
0xb9: {  	s31 =	sshll.u32 s1, $0xD;
	s1 =	sshrl.u32 s1, $0x2  }
0xba: {  	s3 =	sand.u32 $0x4000, s31;
	s1 =	sadd.s32 s1, s30  }
0xbb: {  	s0 =	sor.u32 s3, s0;
	s1 =	sshll.u32 s1, $0x11  }
0xbc: {  	s0 =	sor.u32 s1, s0  }
0xbd: {  	s0 =	sadd.s32 $0x8F2B, s0  }
0xbe: {  	[sflag:s0] =	ssyncadd.remote.s32 $0x1  }
0xbf: {  	_ =	sfence.sel $0xFFFF  }
0xc0: {  	[dreg:$0x0] =	wrdreg $0xFFFFFFFF;
	(pc) =	sbr.abs _section_cstart, $3  }
0xc1: {  	[dreg:$0x1] =	wrdreg $0xFFFFFFFF  }
0xc2: {  	_ =	task.clear_ibuf [dreg:s7], $0x2FFFF;
	_ =	strace $0x9FFFFFFF  }
0xc3: {  	(tm) =	ssettm $0x7FFFFFFF  }
tec
execute0_lowered:
.L_overlay_start_1:
0x0: {  	(tag) =	ssettag $0x1  }
0x1: {  	s5 =	rddreg [dreg:$0x0]  }
0x2: {  	s7 =	rddreg [dreg:$0x1];
	s0 =	stileid.u32  }
0x3: {  	s1 =	srdreg.scid;
	s2 =	rddreg [dreg:$0x2];
	s3 =	simm.s32 $0x0  }
0x4: {  	s16 =	simm.s32 $0xE000;
	s17 =	simm.s32 $0x1;
	s18 =	simm.s32 $0x80  }
0x5: {  	s19 =	simm.s32 $0xC000;
	s20 =	simm.s32 $0x3;
	s6 =	smul.u32 $0xA00, s0  }
0x6: {  	s21 =	simm.s32 $0x2;
	s22 =	simm.s32 $0x10000;
	s10 =	smul.u32 $0x280, s0  }
0x7: {  	s23 =	simm.s32 $0x4F00;
	s28 =	simm.s32 $0x9F80;
	s11 =	smul.u32 $0x28000, s0  }
0x8: {  	s29 =	simm.s32 $0x0;
	s8 =	sand.u32 $0x1, s1;
	s12 =	smul.u32 $0x5000, s0  }
0x9: {  	[smem:$0x7FF] =	sst s3;
	s4 =	sadd.s32 $0x17200, s5;
	s9 =	smul.u32 $0x2800, s8  }
0xa: {  	s31 =	sshll.u32 s0, $0x6;
	s24 =	smul.u32 $0x50000, s8;
	s8 =	ssub.s32 $0x2, s8  }
0xb: {  	_ =	strace $0x8000004D;
	s13 =	sadd.s32 s6, s5;
	s25 =	sshrl.u32 s8, $0x1  }
0xc: {  	s26 =	sshrl.u32 s11, $0x2;
	s6 =	sor.u32 $0x1C04, s31;
	s9 =	sadd.s32 s10, s9  }
0xd: {  	s15 =	ssub.s32 s8, s25;
	s30 =	sadd.s32 s12, s24;
	s11 =	sadd.s32 s26, s2  }
0xe: {  	s8 =	sadd.s32 $0xD200, s13;
	s12 =	simm.s32 $0x4;
	s24 =	simm.s32 $0x9E00  }
0xf: {  	s25 =	simm.s32 $0x9E80;
	s26 =	simm.s32 $0x9F00;
	s9 =	sshll.u32 s9, $0x3  }
0x10: {  	s10 =	sshrl.u32 s30, $0x3;
	s11 =	sshrl.u32 s11, $0x3;
	s14 =	sadd.s32 s9, s5  }
0x11: {  	s5 =	sadd.s32 s4, s9;
	s7 =	sadd.s32 s7, s10;
	s10 =	smax.u32 s15, $0x1  }
0x12: {  	s15 =	simm.s32 $0xA000;
	s9 =	sadd.s32 $0x3F200, s14;
	s14 =	simm.s32 $0x100  }
.LBB2_1:
0x13: {  	[spmem:s11], [sflag:s6] =	dma.local [hbm:s5], $0x1400  }
0x14: {  	_ =	swait.ge [sflag:s12], $0x1400  }
0x15: {  	[sflag:s12] =	ssyncset.done $0x0  }
0x16: {  	[sflag:s12] =	ssyncadd.s32 $0xFFFFEC00  }
0x17: {  	[tilespmem:s3], [sflag:$0x4] =	stream.linear.gather [hbm4b:s7+s3], $0x5000, $0x38;
	[tilespmem:$0x1C000] =	vst v63  }
0x18: {  	_ =	swait.ge [sflag:s12], $0x5000  }
0x19: {  	[sflag:s12] =	ssyncset.done $0x0  }
0x1a: {  	s0 =	simm.s32 $0x5000;
	[sflag:s12] =	ssyncadd.s32 $0xFFFFB000  }
0x1b: {  	[tilespmem:s0], [sflag:$0x4] =	stream.linear.gather [hbm4b:s8+s3], $0x5000, $0x38;
	[tilespmem:$0x1C000] =	vst v63  }
0x1c: {  	_ =	swait.ge [sflag:s12], $0x5000  }
0x1d: {  	[sflag:s12] =	ssyncset.done $0x0  }
0x1e: {  	[sflag:s12] =	ssyncadd.s32 $0xFFFFB000  }
0x1f: {  	[bflag:$0x0] =	sbarrier.arrive $0xFFFF  }
0x20: {  	[tilespmem:s15], [sflag:$0x1] =	stream.indirect.gather [hbm4b:s4+s14], $0x40, s3, s14, $0xb8;
	[tilespmem:$0x1C000] =	vst v63  }
0x21: {  	s30 =	simm.s32 $0x100  }
0x22: {  	[tilespmem:s16], [sflag:$0x2] =	stream.indirect.gather [hbm4b:s4+s14], $0x40, s30, s14, $0xb8;
	[tilespmem:$0x1C000] =	vst v63  }
0x23: {  	_ =	swait.ge [sflag:s17], $0x4000  }
0x24: {  	[sflag:s17] =	ssyncset.done $0x0  }
0x25: {  	s30 =	simm.s32 $0x5000;
	[sflag:s17] =	ssyncadd.s32 $0xFFFFC000  }
0x26: {  	[spmem:s2] =	stream.indirect.scatter.add.f32 [tilespmem:s15], [sflag:$0x3], $0x40, s30, s18, $0xb8;
	[tilespmem:$0x1C000] =	vst v63  }
0x27: {  	s30 =	simm.s32 $0x5080  }
0x28: {  	[spmem:s2] =	stream.indirect.scatter.add.f32 [tilespmem:s19], [sflag:$0x3], $0x40, s30, s18, $0xb8;
	[tilespmem:$0x1C000] =	vst v63  }
0x29: {  	_ =	swait.ge [sflag:s20], $0x2000  }
0x2a: {  	[sflag:s20] =	ssyncset.done $0x0  }
0x2b: {  	[sflag:s20] =	ssyncadd.s32 $0xFFFFE000  }
0x2c: {  	_ =	swait.ge [sflag:s20], $0x2000  }
0x2d: {  	[sflag:s20] =	ssyncset.done $0x0  }
0x2e: {  	s30 =	simm.s32 $0x200;
	[sflag:s20] =	ssyncadd.s32 $0xFFFFE000  }
0x2f: {  	[tilespmem:s15], [sflag:$0x1] =	stream.indirect.gather [hbm4b:s4+s14], $0x40, s30, s14, $0xb8;
	[tilespmem:$0x1C000] =	vst v63  }
0x30: {  	_ =	swait.ge [sflag:s21], $0x4000  }
0x31: {  	[sflag:s21] =	ssyncset.done $0x0  }
0x32: {  	s30 =	simm.s32 $0x5100;
	[sflag:s21] =	ssyncadd.s32 $0xFFFFC000  }
0x33: {  	[spmem:s2] =	stream.indirect.scatter.add.f32 [tilespmem:s16], [sflag:$0x3], $0x40, s30, s18, $0xb8;
	[tilespmem:$0x1C000] =	vst v63  }
0x34: {  	s30 =	simm.s32 $0x5180  }
0x35: {  	[spmem:s2] =	stream.indirect.scatter.add.f32 [tilespmem:s22], [sflag:$0x3], $0x40, s30, s18, $0xb8;
	[tilespmem:$0x1C000] =	vst v63  }
0x36: {  	_ =	swait.ge [sflag:s20], $0x2000  }
0x37: {  	[sflag:s20] =	ssyncset.done $0x0  }
0x38: {  	[sflag:s20] =	ssyncadd.s32 $0xFFFFE000  }
0x39: {  	_ =	swait.ge [sflag:s20], $0x2000  }
0x3a: {  	s31 =	simm.s32 $0x1000;
	s30 =	simm.s32 $0x200;
	[sflag:s20] =	ssyncset.done $0x0  }
.LBB2_2:
0x3b: {  	s1 =	sadd.s32 $0x100, s30  }
0x3c: {  	[sflag:s20] =	ssyncadd.s32 $0xFFFFE000;
	s0 =	smov.u32 s31;
	s13 =	sadd.s32 $0x800, s31  }
0x3d: {  	[tilespmem:s16], [sflag:$0x2] =	stream.indirect.gather [hbm4b:s4+s14], $0x40, s1, s14, $0xb8;
	[tilespmem:$0x1C000] =	vst v63  }
0x3e: {  	p0 =	sne.s32 s31, $0x13000;
	_ =	swait.ge [sflag:s17], $0x4000  }
0x3f: {  	[sflag:s17] =	ssyncset.done $0x0  }
0x40: {  	s1 =	sadd.s32 $0x5000, s30;
	[sflag:s17] =	ssyncadd.s32 $0xFFFFC000  }
0x41: {  	[spmem:s2] =	stream.indirect.scatter.add.f32 [tilespmem:s15], [sflag:$0x3], $0x40, s1, s18, $0xb8;
	[tilespmem:$0x1C000] =	vst v63  }
0x42: {  	s1 =	sadd.s32 $0x5080, s30  }
0x43: {  	[spmem:s2] =	stream.indirect.scatter.add.f32 [tilespmem:s19], [sflag:$0x3], $0x40, s1, s18, $0xb8;
	[tilespmem:$0x1C000] =	vst v63  }
0x44: {  	_ =	swait.ge [sflag:s20], $0x2000  }
0x45: {  	[sflag:s20] =	ssyncset.done $0x0  }
0x46: {  	[sflag:s20] =	ssyncadd.s32 $0xFFFFE000  }
0x47: {  	_ =	swait.ge [sflag:s20], $0x2000  }
0x48: {  	[sflag:s20] =	ssyncset.done $0x0  }
0x49: {  	s1 =	sadd.s32 $0x200, s30;
	[sflag:s20] =	ssyncadd.s32 $0xFFFFE000  }
0x4a: {  	[tilespmem:s15], [sflag:$0x1] =	stream.indirect.gather [hbm4b:s4+s14], $0x40, s1, s14, $0xb8;
	[tilespmem:$0x1C000] =	vst v63  }
0x4b: {  	_ =	swait.ge [sflag:s21], $0x4000  }
0x4c: {  	[sflag:s21] =	ssyncset.done $0x0  }
0x4d: {  	s1 =	sadd.s32 $0x5100, s30;
	[sflag:s21] =	ssyncadd.s32 $0xFFFFC000  }
0x4e: {  	[spmem:s2] =	stream.indirect.scatter.add.f32 [tilespmem:s16], [sflag:$0x3], $0x40, s1, s18, $0xb8;
	[tilespmem:$0x1C000] =	vst v63  }
0x4f: {  	s1 =	sadd.s32 $0x5180, s30  }
0x50: {  	[spmem:s2] =	stream.indirect.scatter.add.f32 [tilespmem:s22], [sflag:$0x3], $0x40, s1, s18, $0xb8;
	[tilespmem:$0x1C000] =	vst v63  }
.Ltmp0:
0x51: {  	_ =	swait.ge [sflag:s20], $0x2000;
	(pc) =	sbr.rel @p0 .LBB2_2-.Ltmp0, $4  }
0x52: {  	[sflag:s20] =	ssyncset.done $0x0  }
0x53: {  	[sflag:s20] =	ssyncadd.s32 $0xFFFFE000  }
0x54: {  	_ =	swait.ge [sflag:s20], $0x2000  }
0x55: {  	s31 =	smov.u32 s13;
	s30 =	sshra.s32 s0, $0x2;
	[sflag:s20] =	ssyncset.done $0x0  }
0x56: {  	s0 =	sadd.s32 $0x100, s30;
	[sflag:s20] =	ssyncadd.s32 $0xFFFFE000  }
0x57: {  	[tilespmem:s16], [sflag:$0x2] =	stream.indirect.gather [hbm4b:s4+s14], $0x40, s0, s14, $0xb8;
	[tilespmem:$0x1C000] =	vst v63  }
0x58: {  	_ =	swait.ge [sflag:s17], $0x4000  }
0x59: {  	[sflag:s17] =	ssyncset.done $0x0  }
0x5a: {  	s13 =	sadd.s32 $0x5000, s30;
	[sflag:s17] =	ssyncadd.s32 $0xFFFFC000  }
0x5b: {  	[spmem:s2] =	stream.indirect.scatter.add.f32 [tilespmem:s15], [sflag:$0x3], $0x40, s13, s18, $0xb8;
	[tilespmem:$0x1C000] =	vst v63  }
0x5c: {  	s31 =	sadd.s32 $0x5080, s30  }
0x5d: {  	[spmem:s2] =	stream.indirect.scatter.add.f32 [tilespmem:s19], [sflag:$0x3], $0x40, s31, s18, $0xb8;
	[tilespmem:$0x1C000] =	vst v63  }
0x5e: {  	_ =	swait.ge [sflag:s20], $0x2000  }
0x5f: {  	[sflag:s20] =	ssyncset.done $0x0  }
0x60: {  	[sflag:s20] =	ssyncadd.s32 $0xFFFFE000  }
0x61: {  	_ =	swait.ge [sflag:s20], $0x2000  }
0x62: {  	[sflag:s20] =	ssyncset.done $0x0  }
0x63: {  	s1 =	sadd.s32 $0x200, s30;
	[sflag:s20] =	ssyncadd.s32 $0xFFFFE000  }
0x64: {  	[tilespmem:s15], [sflag:$0x1] =	stream.indirect.gather [hbm4b:s4+s14], $0x40, s1, s14, $0xb8;
	[tilespmem:$0x1C000] =	vst v63  }
0x65: {  	_ =	swait.ge [sflag:s21], $0x4000  }
0x66: {  	[sflag:s21] =	ssyncset.done $0x0  }
0x67: {  	s13 =	sadd.s32 $0x5100, s30;
	[sflag:s21] =	ssyncadd.s32 $0xFFFFC000  }
0x68: {  	[spmem:s2] =	stream.indirect.scatter.add.f32 [tilespmem:s16], [sflag:$0x3], $0x40, s13, s18, $0xb8;
	[tilespmem:$0x1C000] =	vst v63  }
0x69: {  	s31 =	sadd.s32 $0x5180, s30  }
0x6a: {  	[spmem:s2] =	stream.indirect.scatter.add.f32 [tilespmem:s22], [sflag:$0x3], $0x40, s31, s18, $0xb8;
	[tilespmem:$0x1C000] =	vst v63  }
0x6b: {  	_ =	swait.ge [sflag:s20], $0x2000  }
0x6c: {  	[sflag:s20] =	ssyncset.done $0x0  }
0x6d: {  	[sflag:s20] =	ssyncadd.s32 $0xFFFFE000  }
0x6e: {  	_ =	swait.ge [sflag:s20], $0x2000  }
0x6f: {  	[sflag:s20] =	ssyncset.done $0x0  }
0x70: {  	[sflag:s20] =	ssyncadd.s32 $0xFFFFE000  }
0x71: {  	[tilespmem:s16], [sflag:$0x2] =	stream.indirect.gather [hbm4b:s4+s14], $0x40, s23, s14, $0xb8;
	[tilespmem:$0x1C000] =	vst v63  }
0x72: {  	_ =	swait.ge [sflag:s17], $0x4000  }
0x73: {  	[sflag:s17] =	ssyncset.done $0x0  }
0x74: {  	[sflag:s17] =	ssyncadd.s32 $0xFFFFC000  }
0x75: {  	[spmem:s2] =	stream.indirect.scatter.add.f32 [tilespmem:s15], [sflag:$0x3], $0x40, s24, s18, $0xb8;
	[tilespmem:$0x1C000] =	vst v63  }
0x76: {  	_ = 	snop  }
0x77: {  	[spmem:s2] =	stream.indirect.scatter.add.f32 [tilespmem:s19], [sflag:$0x3], $0x40, s25, s18, $0xb8;
	[tilespmem:$0x1C000] =	vst v63  }
0x78: {  	_ =	swait.ge [sflag:s20], $0x2000  }
0x79: {  	[sflag:s20] =	ssyncset.done $0x0  }
0x7a: {  	[sflag:s20] =	ssyncadd.s32 $0xFFFFE000  }
0x7b: {  	_ =	swait.ge [sflag:s20], $0x2000  }
0x7c: {  	[sflag:s20] =	ssyncset.done $0x0  }
0x7d: {  	[sflag:s20] =	ssyncadd.s32 $0xFFFFE000  }
0x7e: {  	_ =	swait.ge [sflag:s21], $0x4000  }
0x7f: {  	[sflag:s21] =	ssyncset.done $0x0  }
0x80: {  	[sflag:s21] =	ssyncadd.s32 $0xFFFFC000  }
0x81: {  	[spmem:s2] =	stream.indirect.scatter.add.f32 [tilespmem:s16], [sflag:$0x3], $0x40, s26, s18, $0xb8;
	[tilespmem:$0x1C000] =	vst v63  }
0x82: {  	_ = 	snop  }
0x83: {  	[spmem:s2] =	stream.indirect.scatter.add.f32 [tilespmem:s22], [sflag:$0x3], $0x40, s28, s18, $0xb8;
	[tilespmem:$0x1C000] =	vst v63  }
0x84: {  	_ =	swait.ge [sflag:s20], $0x2000  }
0x85: {  	[sflag:s20] =	ssyncset.done $0x0  }
0x86: {  	[sflag:s20] =	ssyncadd.s32 $0xFFFFE000  }
0x87: {  	_ =	swait.ge [sflag:s20], $0x2000  }
0x88: {  	s29 =	sadd.s32 $0x1, s29;
	[sflag:s20] =	ssyncset.done $0x0  }
0x89: {  	p0 =	sne.s32 s29, s10;
	[sflag:s20] =	ssyncadd.s32 $0xFFFFE000  }
.Ltmp1:
0x8a: {  	[bflag:$0x0] =	sbarrier.arrive $0xFFFF;
	(pc) =	sbr.rel @p0 .LBB2_1-.Ltmp1, $4  }
0x8b: {  	[hbm:s9], [sflag:s6] =	dma.local [spmem:s11], $0x1400  }
0x8c: {  	_ =	swait.ge [sflag:s12], $0x1400  }
0x8d: {  	[sflag:s12] =	ssyncset.done $0x0  }
0x8e: {  	[sflag:s12] =	ssyncadd.s32 $0xFFFFEC00  }
0x8f: {  	_ =	sfence.sel $0x180000  }
0x90: {  	[bflag:$0x0] =	sbarrier.arrive $0xFFFF  }
0x91: {  	_ =	strace $0x9000004D  }
0x92: {  	s0 =	stileid.u32;
	[bflag:$0x2] =	sbarrier.arrive $0xFFFF  }
0x93: {  	p0 =	sne.s32 s0, $0x0;
	s0 =	rddreg [dreg:$0x3]  }
0x94: {  	s0 =	sadd.s32 @!p0 $0x100000, s0  }
0x95: {  	[sflag:s0] =	ssyncadd.tile.s32 @!p0 $0x1;
	_ =	shalt  }
.Lfunc_end2:
_tile_overlayer_lowered:
.L_overlay_start_2:
0x96: {  	(tag) =	ssettag $0x2  }
0x97: {  	s0 =	rddreg [dreg:$0x0];
	s2 =	stileid.u32  }
0x98: {  	s1 =	rddreg [dreg:$0x1];
	p0 =	sne.s32 s2, $0x0  }
0x99: {  	s3 =	rddreg [dreg:$0x2];
	[bflag:$0x3] =	sbarrier.arrive $0xFFFF;
	s2 =	simm.s32 @!p0 $0x1C04  }
0x9a: {  	[timem:s3], [sflag:s2] =	dma.local @!p0 [hbm:s0], s1  }
0x9b: {  	s0 =	simm.s32 @!p0 $0x4  }
0x9c: {  	_ =	swait.ge @!p0 [sflag:s0], s1  }
0x9d: {  	s1 =	ssub.s32 @!p0 $0x0, s1;
	[sflag:s0] =	ssyncset.done @!p0 $0x0  }
0x9e: {  	[sflag:s0] =	ssyncadd.s32 @!p0 s1  }
0x9f: {  	[bflag:$0x3] =	sbarrier.arrive $0xFFFF  }
0xa0: {  	_ =	shalt  }

// kernel: kernel.22.cloned.1.call-start
scs
__scs_entry_jumppad:
0x0: {  	(pc) =	sbr.rel $0x88, $3  }
0x1: {  	(tag) =	ssettag $0x0;
	lr =	simm.s32 $0x1  }
0x2: {  	[smem:$0x3F93] =	sst lr;
	_ =	strace $0xD0000000  }
0x3: {  	_ = 	snop  }
0x4: {  	_ = 	snop  }
0x5: {  	_ = 	snop  }
0x6: {  	_ = 	snop  }
0x7: {  	_ = 	snop  }
__scs_overlays_trampoline_lowered:
0x8: {  	[smem:$0x3FA2] =	sst s0  }
0x9: {  	[smem:$0x3FA3] =	sst s1  }
0xa: {  	[smem:$0x3FA4] =	sst s2  }
0xb: {  	[smem:$0x3FA5] =	sst s3  }
0xc: {  	[smem:$0x3FA6] =	sst s4  }
0xd: {  	[smem:$0x3FA7] =	sst s5  }
0xe: {  	[smem:$0x3FA8] =	sst s6  }
0xf: {  	[smem:$0x3FA9] =	sst s7  }
0x10: {  	[smem:$0x3FAA] =	sst s8  }
0x11: {  	[smem:$0x3FAB] =	sst s9;
	s0 =	simm.s32 @!p0 $0x0  }
0x12: {  	s1 =	sld [smem:$0x3F91];
	s0 =	simm.s32 @p0 $0x1  }
0x13: {  	[smem:$0x3FAC] =	sst s0;
	s0 =	simm.s32 @!p1 $0x0  }
0x14: {  	s2 =	sld [smem:$0x3F90];
	s0 =	simm.s32 @p1 $0x1  }
0x15: {  	[smem:$0x3FAD] =	sst s0;
	s0 =	simm.s32 @!p2 $0x0  }
0x16: {  	s3 =	sld [smem:$0x3FDB];
	s0 =	simm.s32 @p2 $0x1  }
0x17: {  	s4 =	simm.s32 $0x1BF5;
	[smem:$0x3FAF] =	sst s0  }
0x18: {  	s0 =	sld [smem:$0x3F92];
	_ =	swait.ge [sflag:s4], $0x0  }
0x19: {  	s7 =	sld [smem:$0x3F93]  }
0x1a: {  	s8 =	sadd.s32 $0xFFFFE003, lr  }
0x1b: {  	s9 =	sadd.s32 $0xFFFFFEF7, lr;
	s5 =	simm.s32 $0xFFFFFFFF;
	p2 =	slt.u32 s8, $0xFFFFF086  }
0x1c: {  	p1 =	slt.u32 s9, $0xF7A;
	s5 =	simm.s32 @!p2 $0x0  }
0x1d: {  	s5 =	simm.s32 @p1 $0x1;
	p0 =	seq.s32 s7, s2  }
0x1e: {  	s7 =	smul.u32 @!p0 $0xF7A, s2;
	p2 =	seq.s32 @!p0 s5, $0x0  }
0x1f: {  	s9 =	smul.u32 $0xF7A, s1;
	s8 =	simm.s32 @!p0 $0x1BF5;
	p2 =	por !p2, p0  }
0x20: {  	[sflag:s8] =	ssyncset.s32 @!p0 $0xFFFFF086;
	s6 =	sadd.s32 @!p0 s3, s7;
	s7 =	simm.s32 @!p0 $0x108  }
0x21: {  	s3 =	sadd.s32 s3, s9;
	s6 =	sadd.s32 @!p0 $0x88, s6;
	s7 =	simm.s32 @p2 $0x1082  }
0x22: {  	[simem:s7], [sflag:s8] =	dma.local @!p0 [hbm:s6], $0xF7A  }
0x23: {  	s9 =	sor.u32 $0xD0000000, s2;
	s6 =	simm.s32 $0x108;
	_ =	swait.ge @!p0 [sflag:s8], $0x0  }
0x24: {  	s3 =	sadd.s32 $0x88, s3;
	s6 =	simm.s32 @!p1 $0x1082;
	[sflag:s4] =	ssyncset.s32 $0xFFFFF086  }
0x25: {  	[simem:s6], [sflag:s4] =	dma.local [hbm:s3], $0xF7A  }
0x26: {  	[smem:$0x3F93] =	sst s1;
	(tag) =	ssettag s2;
	_ =	strace s9  }
0x27: {  	s1 =	sld [smem:$0x3FA3]  }
0x28: {  	s2 =	sld [smem:$0x3FA4]  }
0x29: {  	s4 =	sld [smem:$0x3FA6]  }
0x2a: {  	p0 =	seq.s32 s5, $0x0;
	s5 =	sld [smem:$0x3FA7]  }
0x2b: {  	s6 =	sld [smem:$0x3FA8]  }
0x2c: {  	s7 =	sld [smem:$0x3FA9]  }
0x2d: {  	s3 =	simm.s32 $0x108;
	s8 =	sld [smem:$0x3FAA]  }
0x2e: {  	s3 =	simm.s32 @!p0 $0x1082;
	s9 =	sld [smem:$0x3FAB]  }
0x2f: {  	lr =	sadd.s32 s0, s3;
	s0 =	sld [smem:$0x3FA2]  }
0x30: {  	s3 =	sld [smem:$0x3FA5]  }
0x31: {  	[smem:$0x3FAE] =	sst s10  }
0x32: {  	s10 =	sld [smem:$0x3FAC];
	_ =	sdelay $0x3  }
0x33: {  	p0 =	seq.s32 s10, $0x1;
	s10 =	sld [smem:$0x3FAE];
	_ =	sdelay $0x3  }
0x34: {  	[smem:$0x3FAE] =	sst s10  }
0x35: {  	s10 =	sld [smem:$0x3FAD];
	_ =	sdelay $0x3  }
0x36: {  	p1 =	seq.s32 s10, $0x1;
	s10 =	sld [smem:$0x3FAE];
	_ =	sdelay $0x3  }
0x37: {  	[smem:$0x3FAE] =	sst s10  }
0x38: {  	s10 =	sld [smem:$0x3FAF]  }
0x39: {  	_ = 	snop;
	(pc) =	sbr.ind lr, $3  }
0x3a: {  	_ = 	snop  }
0x3b: {  	_ = 	snop  }
0x3c: {  	p2 =	seq.s32 s10, $0x1;
	s10 =	sld [smem:$0x3FAE]  }
0x3d: {  	_ =	shalt  }
0x3e: {  	_ =	shalt  }
0x3f: {  	_ =	shalt  }
0x40: {  	_ =	shalt  }
0x41: {  	_ =	shalt  }
0x42: {  	_ =	shalt  }
0x43: {  	_ =	shalt  }
0x44: {  	_ =	shalt  }
0x45: {  	_ =	shalt  }
0x46: {  	_ =	shalt  }
0x47: {  	_ =	shalt  }
0x48: {  	_ =	shalt  }
0x49: {  	_ =	shalt  }
0x4a: {  	_ =	shalt  }
0x4b: {  	_ =	shalt  }
0x4c: {  	_ =	shalt  }
0x4d: {  	_ =	shalt  }
0x4e: {  	_ =	shalt  }
0x4f: {  	_ =	shalt  }
0x50: {  	_ =	shalt  }
0x51: {  	_ =	shalt  }
0x52: {  	_ =	shalt  }
0x53: {  	_ =	shalt  }
0x54: {  	_ =	shalt  }
0x55: {  	_ =	shalt  }
0x56: {  	_ =	shalt  }
0x57: {  	_ =	shalt  }
0x58: {  	_ =	shalt  }
0x59: {  	_ =	shalt  }
0x5a: {  	_ =	shalt  }
0x5b: {  	_ =	shalt  }
0x5c: {  	_ =	shalt  }
0x5d: {  	_ =	shalt  }
0x5e: {  	_ =	shalt  }
0x5f: {  	_ =	shalt  }
0x60: {  	_ =	shalt  }
0x61: {  	_ =	shalt  }
0x62: {  	_ =	shalt  }
0x63: {  	_ =	shalt  }
0x64: {  	_ =	shalt  }
0x65: {  	_ =	shalt  }
0x66: {  	_ =	shalt  }
0x67: {  	_ =	shalt  }
0x68: {  	_ =	shalt  }
0x69: {  	_ =	shalt  }
0x6a: {  	_ =	shalt  }
0x6b: {  	_ =	shalt  }
0x6c: {  	_ =	shalt  }
0x6d: {  	_ =	shalt  }
0x6e: {  	_ =	shalt  }
0x6f: {  	_ =	shalt  }
0x70: {  	_ =	shalt  }
0x71: {  	_ =	shalt  }
0x72: {  	_ =	shalt  }
0x73: {  	_ =	shalt  }
0x74: {  	_ =	shalt  }
0x75: {  	_ =	shalt  }
0x76: {  	_ =	shalt  }
0x77: {  	_ =	shalt  }
0x78: {  	_ =	shalt  }
0x79: {  	_ =	shalt  }
0x7a: {  	_ =	shalt  }
0x7b: {  	_ =	shalt  }
0x7c: {  	_ =	shalt  }
0x7d: {  	_ =	shalt  }
0x7e: {  	_ =	shalt  }
0x7f: {  	_ =	shalt  }
0x80: {  	_ =	shalt  }
0x81: {  	_ =	shalt  }
0x82: {  	_ =	shalt  }
0x83: {  	_ =	shalt  }
0x84: {  	_ =	shalt  }
0x85: {  	_ =	shalt  }
0x86: {  	_ =	shalt  }
0x87: {  	_ =	shalt  }
.Lfunc_end0:
.L_simem_size_0:
called_computation.3_lowered:
.L_overlay_start_0:
0x88: {  	s2 =	sld [smem:$0x3FD9]  }
0x89: {  	s3 =	sld [smem:$0x3FFE];
	_ =	sdelay $0x1  }
0x8a: {  	s1 =	srdreg.scid  }
0x8b: {  	s0 =	sand.u32 $0x1, s1  }
0x8c: {  	s17 =	sshll.u32 s0, $0xA;
	s2 =	sadd.s32 s3, s2  }
0x8d: {  	s2 =	sadd.s32 s2, s17  }
0x8e: {  	[smem:$0x3FBA] =	sst s2  }
0x8f: {  	_ = 	snop  }
0x90: {  	s2 =	sld [smem:$0x3FD0];
	(tm) =	ssettm $0x1  }
0x91: {  	s18 =	sld [smem:$0x3FFB];
	_ =	sdelay $0x3  }
0x92: {  	_ =	strace s18  }
0x93: {  	s3 =	sld [smem:$0x3FFC];
	_ =	sdelay $0x3  }
0x94: {  	_ =	strace s3  }
0x95: {  	s3 =	sld [smem:$0x3FFD];
	_ =	sdelay $0x3  }
0x96: {  	_ =	strace s3  }
0x97: {  	_ =	strace $0x8FFFFFFF  }
0x98: {  	s19 =	sld [smem:$0x3FDB];
	_ =	sdelay $0x1  }
0x99: {  	s4 =	simm.s32 $_scs_section_size  }
0x9a: {  	s5 =	simm.s32 $_size__tile_overlayer_lowered;
	s6 =	simm.s32 $_tile_overlayer_lowered  }
0x9b: {  	s22 =	simm.s32 $0x1BFF;
	s21 =	sshll.u32 s6, $0x1;
	s3 =	sadd.s32 s4, s19  }
0x9c: {  	s7 =	simm.s32 $0x0;
	s20 =	sshll.u32 s5, $0x1;
	s5 =	sadd.s32 s21, s3  }
0x9d: {  	[timem:s7], [sflag:s22] =	dma.local [hbm:s5], s20  }
0x9e: {  	_ =	swait.ge [sflag:s22], s20  }
0x9f: {  	s4 =	ssub.s32 $0x0, s20;
	[sflag:s22] =	ssyncset.done $0x0  }
0xa0: {  	[sflag:s22] =	ssyncadd.s32 s4;
	_ =	sdelay $0x1  }
0xa1: {  	s23 =	simm.s32 $0x1B8B  }
0xa2: {  	_ =	swait.ge [sflag:s23], $0x1  }
0xa3: {  	[sflag:s23] =	ssyncset.done $0x0  }
0xa4: {  	s25 =	simm.s32 $0x1B8E;
	s24 =	sld [smem:$0x3FFE];
	[sflag:s23] =	ssyncadd.s32 $0xFFFFFFFF  }
0xa5: {  	s26 =	simm.s32 $execute0_lowered;
	[smem:$0x3FD2] =	sst s25  }
0xa6: {  	s5 =	sshll.u32 s26, $0x1;
	_ =	strace $0x8000004F;
	[dreg:$0x1] =	wrdreg $0xFFFFFFFF  }
0xa7: {  	s28 =	simm.s32 $_size_execute0_lowered;
	s3 =	sadd.s32 s3, s5;
	[dreg:$0x0] =	wrdreg $0x0  }
0xa8: {  	s5 =	sshll.u32 s28, $0x1;
	[dreg:$0x2] =	wrdreg s3  }
0xa9: {  	[dreg:$0x3] =	wrdreg s5  }
0xaa: {  	[dreg:$0x4] =	wrdreg $0xC0  }
0xab: {  	_ =	task [dreg:s7], $0x5FFFF  }
0xac: {  	[dreg:$0x1] =	wrdreg $0xFFFFFFFF  }
0xad: {  	[dreg:$0x0] =	wrdreg $0x60  }
0xae: {  	[dreg:$0x2] =	wrdreg s2  }
0xaf: {  	[dreg:$0x3] =	wrdreg s24  }
0xb0: {  	[dreg:$0x4] =	wrdreg $0x14A800  }
0xb1: {  	[dreg:$0x5] =	wrdreg $0x9  }
0xb2: {  	_ =	task.clear_ibuf [dreg:s7], $0x6FFFF;
	_ =	strace $0x9000004F  }
0xb3: {  	s29 =	simm.s32 $0x9;
	_ =	strace $0x80000051  }
0xb4: {  	_ =	swait.ge [sflag:s29], $0x1  }
0xb5: {  	[sflag:s29] =	ssyncadd.s32 $0xFFFFFFFF  }
0xb6: {  	_ =	strace $0x90000051  }
0xb7: {  	_ =	sfence  }
0xb8: {  	s30 =	sld [smem:$0x0];
	_ =	sdelay $0x2  }
0xb9: {  	s31 =	sshll.u32 s1, $0xD;
	s1 =	sshrl.u32 s1, $0x2  }
0xba: {  	s3 =	sand.u32 $0x4000, s31;
	s1 =	sadd.s32 s1, s30  }
0xbb: {  	s0 =	sor.u32 s3, s0;
	s1 =	sshll.u32 s1, $0x11  }
0xbc: {  	s0 =	sor.u32 s1, s0  }
0xbd: {  	s0 =	sadd.s32 $0x8F2B, s0  }
0xbe: {  	[sflag:s0] =	ssyncadd.remote.s32 $0x1  }
0xbf: {  	_ =	sfence.sel $0xFFFF  }
0xc0: {  	[dreg:$0x0] =	wrdreg $0xFFFFFFFF;
	(pc) =	sbr.abs _section_cstart, $3  }
0xc1: {  	[dreg:$0x1] =	wrdreg $0xFFFFFFFF  }
0xc2: {  	_ =	task.clear_ibuf [dreg:s7], $0x2FFFF;
	_ =	strace $0x9FFFFFFF  }
0xc3: {  	(tm) =	ssettm $0x7FFFFFFF  }
tec
execute0_lowered:
.L_overlay_start_1:
0x0: {  	(tag) =	ssettag $0x1  }
0x1: {  	s1 =	srdreg.scid  }
0x2: {  	s1 =	sand.u32 $0x1, s1  }
0x3: {  	p0 =	seq.s32 s1, $0x1  }
.Ltmp0:
0x4: {  	s5 =	rddreg [dreg:$0x0];
	(pc) =	sbr.rel @p0 .LBB2_2-.Ltmp0, $4  }
0x5: {  	s2 =	rddreg [dreg:$0x1]  }
0x6: {  	s4 =	rddreg [dreg:$0x2];
	s3 =	simm.s32 $0x0  }
0x7: {  	[smem:$0x7FF] =	sst s3  }
0x8: {  	s0 =	rddreg [dreg:$0x3];
	_ =	strace $0x80000050;
	s1 =	stileid.u32  }
0x9: {  	s6 =	sshll.u32 s1, $0x7;
	p0 =	sgt.u32 s1, $0x9  }
0xa: {  	s5 =	sadd.s32 s5, s6;
	s7 =	simm.s32 @!p0 $0x0  }
0xb: {  	[tilespmem:s7], [sflag:$0x2] =	stream.linear.gather @!p0 [hbm4b:s5+s7], $0x400, $0x38;
	[tilespmem:$0x14D00] =	vst v63  }
0xc: {  	s5 =	simm.s32 @!p0 $0x2  }
0xd: {  	_ =	swait.ge @!p0 [sflag:s5], $0x400  }
0xe: {  	s6 =	sadd.s32 s6, s2;
	[sflag:s5] =	ssyncset.done @!p0 $0x0  }
0xf: {  	s8 =	simm.s32 @!p0 $0x400;
	s6 =	sadd.s32 $0x2B200, s6;
	[sflag:s5] =	ssyncadd.s32 @!p0 $0xFFFFFC00  }
0x10: {  	[tilespmem:s8], [sflag:$0x2] =	stream.linear.gather @!p0 [hbm4b:s6+s7], $0x400, $0x38;
	[tilespmem:$0x14D00] =	vst v63  }
0x11: {  	_ =	swait.ge @!p0 [sflag:s5], $0x400  }
0x12: {  	[sflag:s5] =	ssyncset.done @!p0 $0x0  }
0x13: {  	s6 =	simm.s32 @!p0 $0x80;
	[sflag:s5] =	ssyncadd.s32 @!p0 $0xFFFFFC00  }
0x14: {  	[spmem:s4] =	stream.indirect.scatter @!p0 [tilespmem:s8], [sflag:$0x2], $0x1, s7, s6, $0xb8;
	[tilespmem:$0x14D00] =	vst v63  }
0x15: {  	_ =	swait.ge @!p0 [sflag:s5], $0x80  }
0x16: {  	[sflag:s5] =	ssyncset.done @!p0 $0x0  }
0x17: {  	s7 =	simm.s32 @!p0 $0x480;
	[sflag:s5] =	ssyncadd.s32 @!p0 $0xFFFFFF80  }
0x18: {  	[spmem:s4] =	stream.indirect.scatter @!p0 [tilespmem:s7], [sflag:$0x2], $0x1, s6, s6, $0xb8;
	[tilespmem:$0x14D00] =	vst v63  }
0x19: {  	_ =	swait.ge @!p0 [sflag:s5], $0x80  }
0x1a: {  	[sflag:s5] =	ssyncset.done @!p0 $0x0  }
0x1b: {  	s8 =	simm.s32 @!p0 $0x500;
	s7 =	simm.s32 @!p0 $0x100;
	[sflag:s5] =	ssyncadd.s32 @!p0 $0xFFFFFF80  }
0x1c: {  	[spmem:s4] =	stream.indirect.scatter @!p0 [tilespmem:s8], [sflag:$0x2], $0x1, s7, s6, $0xb8;
	[tilespmem:$0x14D00] =	vst v63  }
0x1d: {  	_ =	swait.ge @!p0 [sflag:s5], $0x80  }
0x1e: {  	[sflag:s5] =	ssyncset.done @!p0 $0x0  }
0x1f: {  	s7 =	simm.s32 @!p0 $0x180;
	s8 =	simm.s32 @!p0 $0x580;
	[sflag:s5] =	ssyncadd.s32 @!p0 $0xFFFFFF80  }
0x20: {  	[spmem:s4] =	stream.indirect.scatter @!p0 [tilespmem:s8], [sflag:$0x2], $0x1, s7, s6, $0xb8;
	[tilespmem:$0x14D00] =	vst v63  }
0x21: {  	_ =	swait.ge @!p0 [sflag:s5], $0x80  }
0x22: {  	[sflag:s5] =	ssyncset.done @!p0 $0x0  }
0x23: {  	s7 =	simm.s32 @!p0 $0x200;
	s8 =	simm.s32 @!p0 $0x600;
	[sflag:s5] =	ssyncadd.s32 @!p0 $0xFFFFFF80  }
0x24: {  	[spmem:s4] =	stream.indirect.scatter @!p0 [tilespmem:s8], [sflag:$0x2], $0x1, s7, s6, $0xb8;
	[tilespmem:$0x14D00] =	vst v63  }
0x25: {  	_ =	swait.ge @!p0 [sflag:s5], $0x80  }
0x26: {  	[sflag:s5] =	ssyncset.done @!p0 $0x0  }
0x27: {  	s7 =	simm.s32 @!p0 $0x280;
	s8 =	simm.s32 @!p0 $0x680;
	[sflag:s5] =	ssyncadd.s32 @!p0 $0xFFFFFF80  }
0x28: {  	[spmem:s4] =	stream.indirect.scatter @!p0 [tilespmem:s8], [sflag:$0x2], $0x1, s7, s6, $0xb8;
	[tilespmem:$0x14D00] =	vst v63  }
0x29: {  	_ =	swait.ge @!p0 [sflag:s5], $0x80  }
0x2a: {  	[sflag:s5] =	ssyncset.done @!p0 $0x0  }
0x2b: {  	s7 =	simm.s32 @!p0 $0x300;
	s8 =	simm.s32 @!p0 $0x700;
	[sflag:s5] =	ssyncadd.s32 @!p0 $0xFFFFFF80  }
0x2c: {  	[spmem:s4] =	stream.indirect.scatter @!p0 [tilespmem:s8], [sflag:$0x2], $0x1, s7, s6, $0xb8;
	[tilespmem:$0x14D00] =	vst v63  }
0x2d: {  	_ =	swait.ge @!p0 [sflag:s5], $0x80  }
0x2e: {  	[sflag:s5] =	ssyncset.done @!p0 $0x0  }
0x2f: {  	s7 =	simm.s32 @!p0 $0x380;
	s8 =	simm.s32 @!p0 $0x780;
	[sflag:s5] =	ssyncadd.s32 @!p0 $0xFFFFFF80  }
0x30: {  	[spmem:s4] =	stream.indirect.scatter @!p0 [tilespmem:s8], [sflag:$0x2], $0x1, s7, s6, $0xb8;
	[tilespmem:$0x14D00] =	vst v63  }
0x31: {  	s21 =	smul.u32 $0xA00, s1;
	_ =	swait.ge @!p0 [sflag:s5], $0x80  }
0x32: {  	[sflag:s5] =	ssyncset.done @!p0 $0x0  }
0x33: {  	s23 =	simm.s32 $0x800;
	s6 =	sshrl.u32 s21, $0x2;
	[sflag:s5] =	ssyncadd.s32 @!p0 $0xFFFFFF80  }
0x34: {  	s24 =	simm.s32 $0x2;
	s22 =	sadd.s32 s6, s4;
	[bflag:$0x0] =	sbarrier.arrive $0xFFFF  }
0x35: {  	[tilespmem:s23], [sflag:$0x2] =	stream.linear.gather [spmem:s22], $0x280, $0x38;
	[tilespmem:$0x14D00] =	vst v63  }
0x36: {  	s25 =	sadd.s32 $0x3200, s2;
	_ =	swait.ge [sflag:s24], $0x280  }
0x37: {  	s26 =	simm.s32 $0x280;
	s28 =	simm.s32 $0xA80;
	[sflag:s24] =	ssyncset.done $0x0  }
0x38: {  	s29 =	smul.u32 $0x2800, s1;
	s30 =	simm.s32 $0x1;
	[sflag:s24] =	ssyncadd.s32 $0xFFFFFD80  }
0x39: {  	[tilespmem:s28], [sflag:$0x1] =	stream.indirect.gather [hbm4b:s25+s26], $0x80, s23, s26, $0xb8;
	[tilespmem:$0x14D00] =	vst v63  }
0x3a: {  	_ =	swait.ge [sflag:s30], $0x14000  }
0x3b: {  	s31 =	sadd.s32 s29, s2;
	[sflag:s30] =	ssyncset.done $0x0  }
0x3c: {  	s2 =	sadd.s32 $0x2B800, s31;
	[sflag:s30] =	ssyncadd.s32 $0xFFFEC000  }
0x3d: {  	[hbm4b:s2+s3] =	stream.linear.scatter [tilespmem:s28], [sflag:$0x2], $0x14000, $0x38;
	[tilespmem:$0x14D00] =	vst v63  }
0x3e: {  	_ =	swait.ge [sflag:s24], $0x14000  }
0x3f: {  	[sflag:s24] =	ssyncset.done $0x0  }
0x40: {  	[sflag:s24] =	ssyncadd.s32 $0xFFFEC000  }
.LBB2_2:
0x41: {  	_ =	sfence.sel $0x180000  }
0x42: {  	[bflag:$0x0] =	sbarrier.arrive $0xFFFF  }
0x43: {  	p0 =	sne.s32 s1, $0x0;
	_ =	strace $0x90000050  }
0x44: {  	s0 =	sadd.s32 @!p0 $0x100000, s0;
	[bflag:$0x2] =	sbarrier.arrive $0xFFFF  }
0x45: {  	[sflag:s0] =	ssyncadd.tile.s32 @!p0 $0x1;
	_ =	shalt  }
.Lfunc_end2:
_tile_overlayer_lowered:
.L_overlay_start_2:
0x46: {  	(tag) =	ssettag $0x2  }
0x47: {  	s0 =	rddreg [dreg:$0x0];
	s2 =	stileid.u32  }
0x48: {  	s1 =	rddreg [dreg:$0x1];
	p0 =	sne.s32 s2, $0x0  }
0x49: {  	s3 =	rddreg [dreg:$0x2];
	[bflag:$0x3] =	sbarrier.arrive $0xFFFF;
	s2 =	simm.s32 @!p0 $0x1C02  }
0x4a: {  	[timem:s3], [sflag:s2] =	dma.local @!p0 [hbm:s0], s1  }
0x4b: {  	s0 =	simm.s32 @!p0 $0x2  }
0x4c: {  	_ =	swait.ge @!p0 [sflag:s0], s1  }
0x4d: {  	s1 =	ssub.s32 @!p0 $0x0, s1;
	[sflag:s0] =	ssyncset.done @!p0 $0x0  }
0x4e: {  	[sflag:s0] =	ssyncadd.s32 @!p0 s1  }
0x4f: {  	[bflag:$0x3] =	sbarrier.arrive $0xFFFF  }
0x50: {  	_ =	shalt  }

// kernel: kernel.25.cloned.1.call-start
scs
__scs_entry_jumppad:
0x0: {  	(pc) =	sbr.rel $0x88, $3  }
0x1: {  	(tag) =	ssettag $0x0;
	lr =	simm.s32 $0x1  }
0x2: {  	[smem:$0x3F93] =	sst lr;
	_ =	strace $0xD0000000  }
0x3: {  	_ = 	snop  }
0x4: {  	_ = 	snop  }
0x5: {  	_ = 	snop  }
0x6: {  	_ = 	snop  }
0x7: {  	_ = 	snop  }
__scs_overlays_trampoline_lowered:
0x8: {  	[smem:$0x3FA2] =	sst s0  }
0x9: {  	[smem:$0x3FA3] =	sst s1  }
0xa: {  	[smem:$0x3FA4] =	sst s2  }
0xb: {  	[smem:$0x3FA5] =	sst s3  }
0xc: {  	[smem:$0x3FA6] =	sst s4  }
0xd: {  	[smem:$0x3FA7] =	sst s5  }
0xe: {  	[smem:$0x3FA8] =	sst s6  }
0xf: {  	[smem:$0x3FA9] =	sst s7  }
0x10: {  	[smem:$0x3FAA] =	sst s8  }
0x11: {  	[smem:$0x3FAB] =	sst s9;
	s0 =	simm.s32 @!p0 $0x0  }
0x12: {  	s1 =	sld [smem:$0x3F91];
	s0 =	simm.s32 @p0 $0x1  }
0x13: {  	[smem:$0x3FAC] =	sst s0;
	s0 =	simm.s32 @!p1 $0x0  }
0x14: {  	s2 =	sld [smem:$0x3F90];
	s0 =	simm.s32 @p1 $0x1  }
0x15: {  	[smem:$0x3FAD] =	sst s0;
	s0 =	simm.s32 @!p2 $0x0  }
0x16: {  	s3 =	sld [smem:$0x3FDB];
	s0 =	simm.s32 @p2 $0x1  }
0x17: {  	s4 =	simm.s32 $0x1BF5;
	[smem:$0x3FAF] =	sst s0  }
0x18: {  	s0 =	sld [smem:$0x3F92];
	_ =	swait.ge [sflag:s4], $0x0  }
0x19: {  	s7 =	sld [smem:$0x3F93]  }
0x1a: {  	s8 =	sadd.s32 $0xFFFFE003, lr  }
0x1b: {  	s9 =	sadd.s32 $0xFFFFFEF7, lr;
	s5 =	simm.s32 $0xFFFFFFFF;
	p2 =	slt.u32 s8, $0xFFFFF086  }
0x1c: {  	p1 =	slt.u32 s9, $0xF7A;
	s5 =	simm.s32 @!p2 $0x0  }
0x1d: {  	s5 =	simm.s32 @p1 $0x1;
	p0 =	seq.s32 s7, s2  }
0x1e: {  	s7 =	smul.u32 @!p0 $0xF7A, s2;
	p2 =	seq.s32 @!p0 s5, $0x0  }
0x1f: {  	s9 =	smul.u32 $0xF7A, s1;
	s8 =	simm.s32 @!p0 $0x1BF5;
	p2 =	por !p2, p0  }
0x20: {  	[sflag:s8] =	ssyncset.s32 @!p0 $0xFFFFF086;
	s6 =	sadd.s32 @!p0 s3, s7;
	s7 =	simm.s32 @!p0 $0x108  }
0x21: {  	s3 =	sadd.s32 s3, s9;
	s6 =	sadd.s32 @!p0 $0x88, s6;
	s7 =	simm.s32 @p2 $0x1082  }
0x22: {  	[simem:s7], [sflag:s8] =	dma.local @!p0 [hbm:s6], $0xF7A  }
0x23: {  	s9 =	sor.u32 $0xD0000000, s2;
	s6 =	simm.s32 $0x108;
	_ =	swait.ge @!p0 [sflag:s8], $0x0  }
0x24: {  	s3 =	sadd.s32 $0x88, s3;
	s6 =	simm.s32 @!p1 $0x1082;
	[sflag:s4] =	ssyncset.s32 $0xFFFFF086  }
0x25: {  	[simem:s6], [sflag:s4] =	dma.local [hbm:s3], $0xF7A  }
0x26: {  	[smem:$0x3F93] =	sst s1;
	(tag) =	ssettag s2;
	_ =	strace s9  }
0x27: {  	s1 =	sld [smem:$0x3FA3]  }
0x28: {  	s2 =	sld [smem:$0x3FA4]  }
0x29: {  	s4 =	sld [smem:$0x3FA6]  }
0x2a: {  	p0 =	seq.s32 s5, $0x0;
	s5 =	sld [smem:$0x3FA7]  }
0x2b: {  	s6 =	sld [smem:$0x3FA8]  }
0x2c: {  	s7 =	sld [smem:$0x3FA9]  }
0x2d: {  	s3 =	simm.s32 $0x108;
	s8 =	sld [smem:$0x3FAA]  }
0x2e: {  	s3 =	simm.s32 @!p0 $0x1082;
	s9 =	sld [smem:$0x3FAB]  }
0x2f: {  	lr =	sadd.s32 s0, s3;
	s0 =	sld [smem:$0x3FA2]  }
0x30: {  	s3 =	sld [smem:$0x3FA5]  }
0x31: {  	[smem:$0x3FAE] =	sst s10  }
0x32: {  	s10 =	sld [smem:$0x3FAC];
	_ =	sdelay $0x3  }
0x33: {  	p0 =	seq.s32 s10, $0x1;
	s10 =	sld [smem:$0x3FAE];
	_ =	sdelay $0x3  }
0x34: {  	[smem:$0x3FAE] =	sst s10  }
0x35: {  	s10 =	sld [smem:$0x3FAD];
	_ =	sdelay $0x3  }
0x36: {  	p1 =	seq.s32 s10, $0x1;
	s10 =	sld [smem:$0x3FAE];
	_ =	sdelay $0x3  }
0x37: {  	[smem:$0x3FAE] =	sst s10  }
0x38: {  	s10 =	sld [smem:$0x3FAF]  }
0x39: {  	_ = 	snop;
	(pc) =	sbr.ind lr, $3  }
0x3a: {  	_ = 	snop  }
0x3b: {  	_ = 	snop  }
0x3c: {  	p2 =	seq.s32 s10, $0x1;
	s10 =	sld [smem:$0x3FAE]  }
0x3d: {  	_ =	shalt  }
0x3e: {  	_ =	shalt  }
0x3f: {  	_ =	shalt  }
0x40: {  	_ =	shalt  }
0x41: {  	_ =	shalt  }
0x42: {  	_ =	shalt  }
0x43: {  	_ =	shalt  }
0x44: {  	_ =	shalt  }
0x45: {  	_ =	shalt  }
0x46: {  	_ =	shalt  }
0x47: {  	_ =	shalt  }
0x48: {  	_ =	shalt  }
0x49: {  	_ =	shalt  }
0x4a: {  	_ =	shalt  }
0x4b: {  	_ =	shalt  }
0x4c: {  	_ =	shalt  }
0x4d: {  	_ =	shalt  }
0x4e: {  	_ =	shalt  }
0x4f: {  	_ =	shalt  }
0x50: {  	_ =	shalt  }
0x51: {  	_ =	shalt  }
0x52: {  	_ =	shalt  }
0x53: {  	_ =	shalt  }
0x54: {  	_ =	shalt  }
0x55: {  	_ =	shalt  }
0x56: {  	_ =	shalt  }
0x57: {  	_ =	shalt  }
0x58: {  	_ =	shalt  }
0x59: {  	_ =	shalt  }
0x5a: {  	_ =	shalt  }
0x5b: {  	_ =	shalt  }
0x5c: {  	_ =	shalt  }
0x5d: {  	_ =	shalt  }
0x5e: {  	_ =	shalt  }
0x5f: {  	_ =	shalt  }
0x60: {  	_ =	shalt  }
0x61: {  	_ =	shalt  }
0x62: {  	_ =	shalt  }
0x63: {  	_ =	shalt  }
0x64: {  	_ =	shalt  }
0x65: {  	_ =	shalt  }
0x66: {  	_ =	shalt  }
0x67: {  	_ =	shalt  }
0x68: {  	_ =	shalt  }
0x69: {  	_ =	shalt  }
0x6a: {  	_ =	shalt  }
0x6b: {  	_ =	shalt  }
0x6c: {  	_ =	shalt  }
0x6d: {  	_ =	shalt  }
0x6e: {  	_ =	shalt  }
0x6f: {  	_ =	shalt  }
0x70: {  	_ =	shalt  }
0x71: {  	_ =	shalt  }
0x72: {  	_ =	shalt  }
0x73: {  	_ =	shalt  }
0x74: {  	_ =	shalt  }
0x75: {  	_ =	shalt  }
0x76: {  	_ =	shalt  }
0x77: {  	_ =	shalt  }
0x78: {  	_ =	shalt  }
0x79: {  	_ =	shalt  }
0x7a: {  	_ =	shalt  }
0x7b: {  	_ =	shalt  }
0x7c: {  	_ =	shalt  }
0x7d: {  	_ =	shalt  }
0x7e: {  	_ =	shalt  }
0x7f: {  	_ =	shalt  }
0x80: {  	_ =	shalt  }
0x81: {  	_ =	shalt  }
0x82: {  	_ =	shalt  }
0x83: {  	_ =	shalt  }
0x84: {  	_ =	shalt  }
0x85: {  	_ =	shalt  }
0x86: {  	_ =	shalt  }
0x87: {  	_ =	shalt  }
.Lfunc_end0:
.L_simem_size_0:
called_computation.4_lowered:
.L_overlay_start_0:
0x88: {  	s2 =	sld [smem:$0x3FD9]  }
0x89: {  	s3 =	sld [smem:$0x3FFE];
	_ =	sdelay $0x1  }
0x8a: {  	s1 =	srdreg.scid  }
0x8b: {  	s0 =	sand.u32 $0x1, s1  }
0x8c: {  	s17 =	sshll.u32 s0, $0xA;
	s2 =	sadd.s32 s3, s2  }
0x8d: {  	s2 =	sadd.s32 s2, s17  }
0x8e: {  	[smem:$0x3FBA] =	sst s2  }
0x8f: {  	_ = 	snop  }
0x90: {  	s2 =	sld [smem:$0x3FD0];
	(tm) =	ssettm $0x1  }
0x91: {  	s18 =	sld [smem:$0x3FFB];
	_ =	sdelay $0x3  }
0x92: {  	_ =	strace s18  }
0x93: {  	s3 =	sld [smem:$0x3FFC];
	_ =	sdelay $0x3  }
0x94: {  	_ =	strace s3  }
0x95: {  	s3 =	sld [smem:$0x3FFD];
	_ =	sdelay $0x3  }
0x96: {  	_ =	strace s3  }
0x97: {  	_ =	strace $0x8FFFFFFF  }
0x98: {  	s19 =	sld [smem:$0x3FDB];
	_ =	sdelay $0x1  }
0x99: {  	s4 =	simm.s32 $_scs_section_size  }
0x9a: {  	s5 =	simm.s32 $_size__tile_overlayer_lowered;
	s6 =	simm.s32 $_tile_overlayer_lowered  }
0x9b: {  	s22 =	simm.s32 $0x1BFF;
	s21 =	sshll.u32 s6, $0x1;
	s3 =	sadd.s32 s4, s19  }
0x9c: {  	s7 =	simm.s32 $0x0;
	s20 =	sshll.u32 s5, $0x1;
	s5 =	sadd.s32 s21, s3  }
0x9d: {  	[timem:s7], [sflag:s22] =	dma.local [hbm:s5], s20  }
0x9e: {  	_ =	swait.ge [sflag:s22], s20  }
0x9f: {  	s4 =	ssub.s32 $0x0, s20;
	[sflag:s22] =	ssyncset.done $0x0  }
0xa0: {  	[sflag:s22] =	ssyncadd.s32 s4;
	_ =	sdelay $0x1  }
0xa1: {  	s23 =	simm.s32 $0x1B8B  }
0xa2: {  	_ =	swait.ge [sflag:s23], $0x1  }
0xa3: {  	[sflag:s23] =	ssyncset.done $0x0  }
0xa4: {  	s25 =	simm.s32 $0x1B8E;
	s24 =	sld [smem:$0x3FFE];
	[sflag:s23] =	ssyncadd.s32 $0xFFFFFFFF  }
0xa5: {  	s26 =	simm.s32 $execute0_lowered;
	[smem:$0x3FD2] =	sst s25  }
0xa6: {  	s5 =	sshll.u32 s26, $0x1;
	_ =	strace $0x80000052;
	[dreg:$0x1] =	wrdreg $0xFFFFFFFF  }
0xa7: {  	s28 =	simm.s32 $_size_execute0_lowered;
	s3 =	sadd.s32 s3, s5;
	[dreg:$0x0] =	wrdreg $0x0  }
0xa8: {  	s5 =	sshll.u32 s28, $0x1;
	[dreg:$0x2] =	wrdreg s3  }
0xa9: {  	[dreg:$0x3] =	wrdreg s5  }
0xaa: {  	[dreg:$0x4] =	wrdreg $0xC0  }
0xab: {  	_ =	task [dreg:s7], $0x5FFFF  }
0xac: {  	[dreg:$0x1] =	wrdreg $0xFFFFFFFF  }
0xad: {  	[dreg:$0x0] =	wrdreg $0x60  }
0xae: {  	[dreg:$0x2] =	wrdreg s24  }
0xaf: {  	[dreg:$0x3] =	wrdreg s2  }
0xb0: {  	[dreg:$0x4] =	wrdreg $0x9  }
0xb1: {  	_ =	task.clear_ibuf [dreg:s7], $0x5FFFF;
	_ =	strace $0x90000052  }
0xb2: {  	s29 =	simm.s32 $0x9;
	_ =	strace $0x80000054  }
0xb3: {  	_ =	swait.ge [sflag:s29], $0x1  }
0xb4: {  	[sflag:s29] =	ssyncadd.s32 $0xFFFFFFFF  }
0xb5: {  	_ =	strace $0x90000054  }
0xb6: {  	_ =	sfence  }
0xb7: {  	s30 =	sld [smem:$0x0];
	_ =	sdelay $0x2  }
0xb8: {  	s31 =	sshll.u32 s1, $0xD;
	s1 =	sshrl.u32 s1, $0x2  }
0xb9: {  	s3 =	sand.u32 $0x4000, s31;
	s1 =	sadd.s32 s1, s30  }
0xba: {  	s0 =	sor.u32 s3, s0;
	s1 =	sshll.u32 s1, $0x11  }
0xbb: {  	s0 =	sor.u32 s1, s0  }
0xbc: {  	s0 =	sadd.s32 $0x8F2B, s0  }
0xbd: {  	[sflag:s0] =	ssyncadd.remote.s32 $0x1  }
0xbe: {  	_ =	sfence.sel $0xFFFF  }
0xbf: {  	[dreg:$0x0] =	wrdreg $0xFFFFFFFF;
	(pc) =	sbr.abs _section_cstart, $3  }
0xc0: {  	[dreg:$0x1] =	wrdreg $0xFFFFFFFF  }
0xc1: {  	_ =	task.clear_ibuf [dreg:s7], $0x2FFFF;
	_ =	strace $0x9FFFFFFF  }
0xc2: {  	(tm) =	ssettm $0x7FFFFFFF  }
0xc3: {  	_ =	shalt  }
tec
execute0_lowered:
.L_overlay_start_1:
0x0: {  	(tag) =	ssettag $0x1  }
0x1: {  	s0 =	srdreg.scid;
	s1 =	rddreg [dreg:$0x0]  }
0x2: {  	s2 =	rddreg [dreg:$0x1];
	s0 =	sand.u32 $0x1, s0  }
0x3: {  	s3 =	stileid.u32;
	s4 =	simm.s32 $0x0;
	p0 =	seq.s32 s0, $0x1  }
0x4: {  	[smem:$0x7FF] =	sst s4;
	s5 =	smul.u32 @!p0 $0x50, s3  }
0x5: {  	s0 =	rddreg [dreg:$0x2]  }
0x6: {  	_ =	strace $0x80000053;
	s4 =	simm.s32 @!p0 $0x0;
	s2 =	sadd.s32 @!p0 s2, s5  }
0x7: {  	[tilespmem:s4], [sflag:$0x2] =	stream.linear.gather @!p0 [hbm4b:s2+s4], $0x280, $0x38;
	[tilespmem:$0x14280] =	vst v63  }
0x8: {  	s2 =	simm.s32 @!p0 $0x2  }
0x9: {  	_ =	swait.ge @!p0 [sflag:s2], $0x280  }
0xa: {  	[sflag:s2] =	ssyncset.done @!p0 $0x0  }
0xb: {  	s6 =	simm.s32 @!p0 $0x280;
	s5 =	sadd.s32 $0x3200, s1;
	[sflag:s2] =	ssyncadd.s32 @!p0 $0xFFFFFD80  }
0xc: {  	[tilespmem:s6], [sflag:$0x1] =	stream.indirect.gather @!p0 [hbm4b:s5+s6], $0x80, s4, s6, $0xb8;
	[tilespmem:$0x14280] =	vst v63  }
0xd: {  	s5 =	simm.s32 @!p0 $0x1  }
0xe: {  	s7 =	smul.u32 @!p0 $0x2800, s3;
	_ =	swait.ge @!p0 [sflag:s5], $0x14000  }
0xf: {  	s1 =	sadd.s32 $0x2B200, s1;
	[sflag:s5] =	ssyncset.done @!p0 $0x0  }
0x10: {  	s1 =	sadd.s32 @!p0 s1, s7;
	[sflag:s5] =	ssyncadd.s32 @!p0 $0xFFFEC000  }
0x11: {  	[hbm4b:s1+s4] =	stream.linear.scatter @!p0 [tilespmem:s6], [sflag:$0x2], $0x14000, $0x38;
	[tilespmem:$0x14280] =	vst v63  }
0x12: {  	_ =	swait.ge @!p0 [sflag:s2], $0x14000  }
0x13: {  	[sflag:s2] =	ssyncset.done @!p0 $0x0  }
0x14: {  	[sflag:s2] =	ssyncadd.s32 @!p0 $0xFFFEC000  }
0x15: {  	_ =	sfence.sel $0x180000  }
0x16: {  	[bflag:$0x0] =	sbarrier.arrive $0xFFFF  }
0x17: {  	p0 =	sne.s32 s3, $0x0;
	_ =	strace $0x90000053  }
0x18: {  	s0 =	sadd.s32 @!p0 $0x100000, s0;
	[bflag:$0x2] =	sbarrier.arrive $0xFFFF  }
0x19: {  	[sflag:s0] =	ssyncadd.tile.s32 @!p0 $0x1;
	_ =	shalt  }
.Lfunc_end2:
_tile_overlayer_lowered:
.L_overlay_start_2:
0x1a: {  	(tag) =	ssettag $0x2  }
0x1b: {  	s0 =	rddreg [dreg:$0x0];
	s2 =	stileid.u32  }
0x1c: {  	s1 =	rddreg [dreg:$0x1];
	p0 =	sne.s32 s2, $0x0  }
0x1d: {  	s3 =	rddreg [dreg:$0x2];
	[bflag:$0x3] =	sbarrier.arrive $0xFFFF;
	s2 =	simm.s32 @!p0 $0x1C02  }
0x1e: {  	[timem:s3], [sflag:s2] =	dma.local @!p0 [hbm:s0], s1  }
0x1f: {  	s0 =	simm.s32 @!p0 $0x2  }
0x20: {  	_ =	swait.ge @!p0 [sflag:s0], s1  }
0x21: {  	s1 =	ssub.s32 @!p0 $0x0, s1;
	[sflag:s0] =	ssyncset.done @!p0 $0x0  }
0x22: {  	[sflag:s0] =	ssyncadd.s32 @!p0 s1  }
0x23: {  	[bflag:$0x3] =	sbarrier.arrive $0xFFFF  }
0x24: {  	_ =	shalt  }

</sc_bundles>
